<compile_context>
chip_gen: v7x
topology: tpu7x:2x2x1
jax: 0.10.2.dev20260603
libtpu: 0.0.44.dev20260713+nightly
codegen_flags: <defaults>
</compile_context>

<pallas_src>
import functools
import math

import jax
import jax.numpy as jnp
from jax import lax
from jax.experimental import pallas as pl
from jax.experimental.pallas import tpu as pltpu
from jax.experimental.pallas import tpu_sc as plsc

N = 1024
E = 16384
DN = 256
H = 4
MH = 8
DK = 32

_EB = 1024
_NEB = E // _EB
_PB = 32768
_NPB = (N * N) // _PB
_IB = 128
_NIB = N // _IB



def _f32(x):
    return jnp.asarray(x, jnp.float32)


def _dotb(a, b):
    return jnp.dot(a.astype(jnp.bfloat16), b, preferred_element_type=jnp.float32)


def _a1_body(objc_ref, obja_ref, out_ref):
    cb = objc_ref[...]
    ca = obja_ref[...]
    dx = ca[0:1, :] - cb[:, 0:1]
    dy = ca[1:2, :] - cb[:, 1:2]
    dz = ca[2:3, :] - cb[:, 2:3]
    d = jnp.sqrt(dx * dx + dy * dy + dz * dz)
    out_ref[0, :, :] = dx
    out_ref[1, :, :] = dy
    out_ref[2, :, :] = dz
    out_ref[3, :, :] = d


def _norm_cols(h, ones_ref):
    m = jnp.dot(ones_ref[...], h, preferred_element_type=jnp.float32)
    s = jnp.dot(ones_ref[...], h * h, preferred_element_type=jnp.float32)
    inv = jax.lax.rsqrt(s - m * m + 1e-5)
    return (h - m) * inv


def _a2_body(w_ref, ones_ref, fc1w_ref, fc1b_ref, fc2w_ref, fc2b_ref,
             fc3w_ref, fc3b_ref, out_ref):
    w = w_ref[...]
    h = jnp.dot(fc1w_ref[...], w, preferred_element_type=jnp.float32)
    h = jax.nn.relu(h + fc1b_ref[...])
    h = _norm_cols(h, ones_ref)
    h = jnp.dot(fc2w_ref[...], h.astype(jnp.bfloat16),
                preferred_element_type=jnp.float32)
    h = jax.nn.relu(h + fc2b_ref[...])
    h = _norm_cols(h, ones_ref)
    o = jnp.dot(fc3w_ref[...], h.astype(jnp.bfloat16),
                preferred_element_type=jnp.float32)
    out_ref[...] = (o + fc3b_ref[...]).astype(jnp.bfloat16)


def _dist_weights(obj_center, params):
    objc = _f32(obj_center)
    obja = objc.T
    w4 = pl.pallas_call(
        _a1_body,
        grid=(_NIB,),
        in_specs=[
            pl.BlockSpec((_IB, 3), lambda i: (i, 0)),
            pl.BlockSpec((3, N), lambda i: (0, 0)),
        ],
        out_specs=pl.BlockSpec((4, _IB, N), lambda i: (0, i, 0)),
        out_shape=jax.ShapeDtypeStruct((4, N, N), jnp.float32),
    )(objc, obja)
    w4f = w4.reshape(4, N * N)

    p = params
    col = lambda v: v.reshape(-1, 1)
    full = lambda s: pl.BlockSpec(s, lambda i: tuple(0 for _ in s))
    fc2w = (p["fc2"]["w"] * p["ln1_g"][None, :]).astype(jnp.bfloat16)
    fc2b = col(p["fc2"]["b"]) + p["fc2"]["w"] @ col(p["ln1_b"])
    fc3w = (p["fc3"]["w"] * p["ln2_g"][None, :]).astype(jnp.bfloat16)
    fc3b = col(p["fc3"]["b"]) + p["fc3"]["w"] @ col(p["ln2_b"])
    ones = jnp.full((1, 32), 1.0 / 32.0, jnp.float32)
    dwf = pl.pallas_call(
        _a2_body,
        grid=(_NPB,),
        in_specs=[
            pl.BlockSpec((4, _PB), lambda i: (0, i)),
            full((1, 32)),
            full((32, 4)), full((32, 1)),
            full((32, 32)), full((32, 1)),
            full((8, 32)), full((8, 1)),
        ],
        out_specs=pl.BlockSpec((8, _PB), lambda i: (0, i)),
        out_shape=jax.ShapeDtypeStruct((8, N * N), jnp.bfloat16),
    )(w4f, ones, p["fc1"]["w"], col(p["fc1"]["b"]),
      fc2w, fc2b, fc3w, fc3b)
    return dwf.reshape(8, N, N)


def _attn_body(x_ref, wq_ref, bq_ref, wk_ref, bk_ref, wv_ref, bv_ref,
               wo_ref, bo_ref, dw_ref, out_ref):
    h = pl.program_id(0)
    x = x_ref[...]
    q = _dotb(x, wq_ref[0]) + bq_ref[0]
    k = _dotb(x, wk_ref[0]) + bk_ref[0]
    v = _dotb(x, wv_ref[0]) + bv_ref[0]
    att = lax.dot_general(q.astype(jnp.bfloat16), k.astype(jnp.bfloat16),
                          (((1,), (1,)), ((), ())),
                          preferred_element_type=jnp.float32)
    att = att * (1.0 / math.sqrt(DK)) + dw_ref[0].astype(jnp.float32)
    m = jnp.max(att, axis=-1, keepdims=True)
    e = jnp.exp(att - m)
    att = e / jnp.sum(e, axis=-1, keepdims=True)
    o = lax.dot_general(att.astype(jnp.bfloat16), v.astype(jnp.bfloat16),
                        (((1,), (0,)), ((), ())),
                        preferred_element_type=jnp.float32)
    contrib = _dotb(o, wo_ref[...])

    @pl.when(h == 0)
    def _():
        out_ref[...] = contrib + bo_ref[...]

    @pl.when(h > 0)
    def _():
        out_ref[...] = out_ref[...] + contrib


def _self_attn(x, lp, dw):
    full = lambda s: pl.BlockSpec(s, lambda h: tuple(0 for _ in s))
    hw = pl.BlockSpec((1, DN, DK), lambda h: (h, 0, 0))
    hb = pl.BlockSpec((1, 1, DK), lambda h: (h, 0, 0))
    perh = lambda p: p["w"].T.reshape(DN, MH, DK).transpose(1, 0, 2).astype(
        jnp.bfloat16)
    perb = lambda p: p["b"].reshape(MH, 1, DK)
    return pl.pallas_call(
        _attn_body,
        grid=(MH,),
        in_specs=[
            full((N, DN)),
            hw, hb, hw, hb, hw, hb,
            pl.BlockSpec((DK, DN), lambda h: (h, 0)),
            full((1, DN)),
            pl.BlockSpec((1, N, N), lambda h: (h, 0, 0)),
        ],
        out_specs=full((N, DN)),
        out_shape=jax.ShapeDtypeStruct((N, DN), jnp.float32),
    )(x, perh(lp["wq"]), perb(lp["wq"]),
      perh(lp["wk"]), perb(lp["wk"]),
      perh(lp["wv"]), perb(lp["wv"]),
      lp["wo"]["w"].T.astype(jnp.bfloat16), lp["wo"]["b"].reshape(1, DN), dw)


def _edge_body(xi_ref, xj_ref, ef_ref, ne1_ref, ne1b_ref, ne2_ref, ne2b_ref,
               pq_ref, pqb_ref, pe_ref, peb_ref, pv_ref, pvb_ref,
               a1_ref, a1b_ref, a2_ref, a2b_ref, unperm_ref,
               gcn_ref, prob_ref, msg_ref, *, relu_ef):
    xi16 = xi_ref[...].astype(jnp.bfloat16)
    xj16 = xj_ref[...].astype(jnp.bfloat16)
    e = ef_ref[...]
    if relu_ef:
        e = jax.nn.relu(e)
    ne1 = ne1_ref[...]
    e16 = e.astype(jnp.bfloat16)
    g1 = (jnp.dot(xi16, ne1[0:DN], preferred_element_type=jnp.float32)
          + jnp.dot(e16, ne1[DN:2 * DN], preferred_element_type=jnp.float32)
          + jnp.dot(xj16, ne1[2 * DN:], preferred_element_type=jnp.float32)
          + ne1b_ref[...])
    g1 = jax.nn.relu(g1)
    gcn_ref[...] = (_dotb(g1, ne2_ref[...])
                    + ne2b_ref[...]).astype(gcn_ref.dtype)
    q = jax.nn.relu(jnp.dot(xi16, pq_ref[...],
                            preferred_element_type=jnp.float32)
                    + pqb_ref[...])
    ed = jax.nn.relu(jnp.dot(e16, pe_ref[...],
                             preferred_element_type=jnp.float32)
                     + peb_ref[...])
    val = jax.nn.relu(jnp.dot(xj16, pv_ref[...],
                              preferred_element_type=jnp.float32)
                      + pvb_ref[...])
    msg_parts = []
    for h in range(H):
        sl = slice(h * 64, (h + 1) * 64)
        in_h = jnp.concatenate([q[:, sl], ed[:, sl]], axis=1)
        h1 = jax.nn.relu(_dotb(in_h, a1_ref[...]) + a1b_ref[...])
        logits = _dotb(h1, a2_ref[...]) + a2b_ref[...]
        m = jnp.max(logits, axis=-1, keepdims=True)
        ex = jnp.exp(logits - m)
        p = ex / jnp.sum(ex, axis=-1, keepdims=True)
        msg_parts.append(p)
    pcat = jnp.concatenate(msg_parts, axis=1)
    msg_ref[...] = pcat * val
    prob_ref[...] = jnp.dot(pcat.astype(jnp.bfloat16), unperm_ref[...],
                            preferred_element_type=jnp.float32)


def _edge_stage(gathered, ef, wp, relu_ef, gcn_dtype):
    full = lambda s: pl.BlockSpec(s, lambda i: tuple(0 for _ in s))
    eb = lambda c: pl.BlockSpec((_EB, c), lambda i: (i, 0))
    return pl.pallas_call(
        functools.partial(_edge_body, relu_ef=relu_ef),
        grid=(_NEB,),
        in_specs=[
            pl.BlockSpec((_EB, DN), lambda i: (i, 0)),
            pl.BlockSpec((_EB, DN), lambda i: (i + _NEB, 0)),
            eb(DN),
            full((3 * DN, 2 * DN)), full((1, 2 * DN)),
            full((2 * DN, DN)), full((1, DN)),
            full((DN, DN)), full((1, DN)),
            full((DN, DN)), full((1, DN)),
            full((DN, DN)), full((1, DN)),
            full((128, 128)), full((1, 128)),
            full((128, 64)), full((1, 64)),
            full((DN, DN)),
        ],
        out_specs=(
            eb(DN),
            eb(DN),
            eb(DN),
        ),
        out_shape=(
            jax.ShapeDtypeStruct((E, DN), gcn_dtype),
            jax.ShapeDtypeStruct((E, DN), jnp.float32),
            jax.ShapeDtypeStruct((E, DN), jnp.float32),
        ),
    )(gathered, gathered, ef, *wp)


_NACC = 16


def _seg_body(idx_ref, msg_ref, x_ref, p1a_ref, p1b_ref, p1bias_ref,
              p2_ref, p2b_ref, out_ref, *agg_refs, apply_relu):
    i = pl.program_id(0)

    @pl.when(i == 0)
    def _():
        for r in agg_refs:
            r[...] = jnp.zeros_like(r)

    base = i * _EB

    def body(g, carry):
        e = g * _NACC
        for k in range(_NACC):
            n = idx_ref[base + e + k]
            r = agg_refs[k]
            cur = r[pl.ds(n, 1), :]
            row = msg_ref[pl.ds(e + k, 1), :]
            r[pl.ds(n, 1), :] = jnp.maximum(cur, row)
        return carry

    lax.fori_loop(0, _EB // _NACC, body, 0)

    @pl.when(i == _NEB - 1)
    def _():
        x = x_ref[...]
        a = agg_refs[0][...]
        for k in range(1, _NACC):
            a = jnp.maximum(a, agg_refs[k][...])
        h = (jnp.dot(x, p1a_ref[...], preferred_element_type=jnp.float32)
             + jnp.dot(a, p1b_ref[...], preferred_element_type=jnp.float32)
             + p1bias_ref[...])
        h = jax.nn.relu(h)
        o = jnp.dot(h, p2_ref[...], preferred_element_type=jnp.float32) + p2b_ref[...]
        if apply_relu:
            o = jax.nn.relu(o)
        out_ref[...] = o


def _segment_stage(idx_i, msg, x, p1a, p1b, p1bias, p2, p2b, apply_relu):
    full = lambda s: pl.BlockSpec(s, lambda i, *_: tuple(0 for _ in s))
    grid_spec = pltpu.PrefetchScalarGridSpec(
        num_scalar_prefetch=1,
        grid=(_NEB,),
        in_specs=[
            pl.BlockSpec((_EB, DN), lambda i, *_: (i, 0)),
            full((N, DN)),
            full((DN, 2 * DN)), full((DN, 2 * DN)), full((1, 2 * DN)),
            full((2 * DN, DN)), full((1, DN)),
        ],
        out_specs=full((N, DN)),
        scratch_shapes=[pltpu.VMEM((N, DN), jnp.float32)
                        for _ in range(_NACC)],
    )
    return pl.pallas_call(
        functools.partial(_seg_body, apply_relu=apply_relu),
        grid_spec=grid_spec,
        out_shape=jax.ShapeDtypeStruct((N, DN), jnp.float32),
    )(idx_i, msg, x, p1a, p1b, p1bias, p2, p2b)


_GW = 128
_NWORK = 32


def _sc_gather(table, idx_all):
    b_total = idx_all.shape[0]
    bpw = b_total // _NWORK
    nch = bpw // _GW
    mesh = plsc.VectorSubcoreMesh(core_axis_name="c", subcore_axis_name="s")

    @functools.partial(
        pl.kernel, mesh=mesh,
        out_type=jax.ShapeDtypeStruct((b_total, DN), jnp.float32),
        scratch_types=[
            pltpu.VMEM((_GW,), jnp.int32),
            pltpu.VMEM((_GW, DN), jnp.float32),
            pltpu.VMEM((_GW,), jnp.int32),
            pltpu.VMEM((_GW, DN), jnp.float32),
            pltpu.SemaphoreType.DMA,
            pltpu.SemaphoreType.DMA,
        ],
    )
    def k(table_hbm, idx_hbm, out_hbm, idx0, rows0, idx1, rows1, sem0, sem1):
        wid = lax.axis_index("s") * 2 + lax.axis_index("c")
        base = wid * bpw

        @pl.loop(0, nch // 2)
        def _(c):
            b0 = base + (2 * c) * _GW
            b1 = b0 + _GW
            pltpu.sync_copy(idx_hbm.at[pl.ds(b0, _GW)], idx0)
            cp0 = pltpu.async_copy(table_hbm.at[idx0], rows0, sem0)
            pltpu.sync_copy(idx_hbm.at[pl.ds(b1, _GW)], idx1)
            cp1 = pltpu.async_copy(table_hbm.at[idx1], rows1, sem1)
            cp0.wait()
            pltpu.sync_copy(rows0, out_hbm.at[pl.ds(b0, _GW)])
            cp1.wait()
            pltpu.sync_copy(rows1, out_hbm.at[pl.ds(b1, _GW)])

    return k(table, idx_all)


def _perm_cols():
    return jnp.asarray([c * 4 + h for h in range(H) for c in range(64)],
                       jnp.int32)


def _edge_weights(lp, perm):
    t = lambda p: p["w"].T.astype(jnp.bfloat16)
    row = lambda p: p["b"].reshape(1, -1)
    pqT = t(lp["pq"])[:, perm]
    pqb = row(lp["pq"])[:, perm]
    peT = t(lp["pe"])[:, perm]
    peb = row(lp["pe"])[:, perm]
    pvT = t(lp["pv"])[:, perm]
    pvb = row(lp["pv"])[:, perm]
    unperm = jnp.eye(DN, dtype=jnp.bfloat16)[perm]
    return (t(lp["ne1"]), row(lp["ne1"]), t(lp["ne2"]), row(lp["ne2"]),
            pqT, pqb, peT, peb, pvT, pvb,
            t(lp["att1"]), row(lp["att1"]), t(lp["att2"]), row(lp["att2"]),
            unperm)


def kernel(node_feature, edge_feature, edges_indices, obj_center, batch_ids,
           params):
    del batch_ids
    perm = _perm_cols()
    dw = _dist_weights(obj_center, params)
    idx_i = edges_indices[0]
    idx_all = edges_indices.reshape(2 * E)

    nf = _f32(node_feature)
    ef = _f32(edge_feature)
    probs = []
    nl = len(params["layers"])
    for i, lp in enumerate(params["layers"]):
        inner = i < nl - 1
        nf = _self_attn(nf, lp, dw)
        gathered = _sc_gather(nf, idx_all)
        wp = _edge_weights(lp, perm)
        gcn_e, prob_flat, msg = _edge_stage(gathered, ef, wp,
                                            relu_ef=(i > 0),
                                            gcn_dtype=jnp.float32)
        probs.append(prob_flat.reshape(E, 64, H))
        p1 = lp["pr1"]["w"].T
        p1a = p1[:DN]
        p1b = p1[DN:][perm]
        nf = _segment_stage(idx_i, msg, nf, p1a, p1b,
                            lp["pr1"]["b"].reshape(1, -1),
                            lp["pr2"]["w"].T, lp["pr2"]["b"].reshape(1, -1),
                            apply_relu=inner)
        ef = gcn_e
    return nf, ef, jnp.stack(probs)

# --- scband reference (transcript-rebuilt; emitter-appended) ---
"""Pipeline reference for scband-graph-edge-atten-network-layers-40235253629112 (READ-ONLY COPY).

The authoritative reference and input builder live on the scoring server;
editing this copy changes nothing except your own understanding.
"""

import jax, jax.numpy as jnp
import numpy as np

N = 1024
E = 16384
DN = 256; DE = 256; DA = 256; NL = 2; H = 4; MH = 8; DK = DN // 8

def _lin(key, dout, din):
    k1, k2 = jax.random.split(key)
    return {"w": jax.random.normal(k1, (dout, din), dtype=jnp.float32) * 0.02,
            "b": jax.random.normal(k2, (dout,), dtype=jnp.float32) * 0.02}

def _apply(p, x):
    return x @ p["w"].T + p["b"]

def _layer_params(key):
    ks = jax.random.split(key, 13)
    dnh = DN // H; deh = DE // H; dah = DA // H
    return {
        "ne1": _lin(ks[0], DN + DE, 2 * DN + DE),
        "ne2": _lin(ks[1], DE, DN + DE),
        "pq": _lin(ks[2], DN, DN),
        "pe": _lin(ks[3], DE, DE),
        "pv": _lin(ks[4], DA, DN),
        "att1": _lin(ks[5], dnh + deh, dnh + deh),
        "att2": _lin(ks[6], dah, dnh + deh),
        "pr1": _lin(ks[7], DN + DA, DN + DA),
        "pr2": _lin(ks[8], DN, DN + DA),
        "wq": _lin(ks[9], MH * DK, DN),
        "wk": _lin(ks[10], MH * DK, DN),
        "wv": _lin(ks[11], MH * DK, DN),
        "wo": _lin(ks[12], DN, MH * DK),
    }

def _make_params(key):
    ks = jax.random.split(key, NL + 3)
    return {
        "layers": [_layer_params(ks[i]) for i in range(NL)],
        "fc1": _lin(ks[NL], 32, 4),
        "fc2": _lin(ks[NL + 1], 32, 32),
        "fc3": _lin(ks[NL + 2], 8, 32),
        "ln1_g": jnp.ones((32,), jnp.float32), "ln1_b": jnp.zeros((32,), jnp.float32),
        "ln2_g": jnp.ones((32,), jnp.float32), "ln2_b": jnp.zeros((32,), jnp.float32),
    }

def setup_inputs(seed: int = 0):
    key = jax.random.key(seed)
    ks = jax.random.split(key, 6)
    return {
        "node_feature": jax.random.normal(ks[0], (N, DN), dtype=jnp.float32),
        "edge_feature": jax.random.normal(ks[1], (E, DE), dtype=jnp.float32),
        "edges_indices": jax.random.randint(ks[2], (2, E), 0, N, dtype=jnp.int32),
        "obj_center": jax.random.normal(ks[3], (N, 3), dtype=jnp.float32),
        "batch_ids": jnp.zeros((N,), dtype=jnp.int32),
        "params": _make_params(ks[4]),
    }

def _ln(x, g, b):
    m = jnp.mean(x, axis=-1, keepdims=True)
    v = jnp.var(x, axis=-1, keepdims=True)
    return (x - m) / jnp.sqrt(v + 1e-5) * g + b

def _dist_weights(obj_center, params):
    # single scene (batch_ids all zero): mask is all-ones, distances over full node set
    cd = obj_center[None, :, :] - obj_center[:, None, :]  # center_A - center_B, [N,N,3]
    d = jnp.sqrt(jnp.sum(cd ** 2, axis=-1, keepdims=True))
    w = jnp.concatenate([cd, d], axis=-1)  # [N,N,4]
    w = jax.lax.stop_gradient(w)  # .detach() in torch
    h = jax.nn.relu(_apply(params["fc1"], w))
    h = _ln(h, params["ln1_g"], params["ln1_b"])
    h = jax.nn.relu(_apply(params["fc2"], h))
    h = _ln(h, params["ln2_g"], params["ln2_b"])
    h = _apply(params["fc3"], h)  # [N,N,8]
    return jnp.transpose(h, (2, 0, 1))  # [8,N,N]

def _self_attn(x, lp, dw):
    n = x.shape[0]
    q = _apply(lp["wq"], x).reshape(n, MH, DK).transpose(1, 0, 2)
    k = _apply(lp["wk"], x).reshape(n, MH, DK).transpose(1, 0, 2)
    v = _apply(lp["wv"], x).reshape(n, MH, DK).transpose(1, 0, 2)
    att = jnp.einsum('hqd,hkd->hqk', q, k) / jnp.sqrt(jnp.float32(DK))
    att = att + dw  # attention_matrix_way == 'add'
    att = jax.nn.softmax(att, axis=-1)
    o = jnp.einsum('hqk,hkd->hqd', att, v).transpose(1, 0, 2).reshape(n, MH * DK)
    return _apply(lp["wo"], o)

def _conv1d(p, x):
    # 1x1 Conv1d over channel dim: x [E, C, H] -> [E, O, H]
    return jnp.einsum('ech,oc->eoh', x, p["w"]) + p["b"][None, :, None]

def _gconv(x, ef, ei, lp):
    n = x.shape[0]
    x_i = x[ei[0]]
    x_j = x[ei[1]]
    gcn_e = _apply(lp["ne2"], jax.nn.relu(_apply(lp["ne1"], jnp.concatenate([x_i, ef, x_j], axis=1))))
    value = jax.nn.relu(_apply(lp["pv"], x_j))
    query = jax.nn.relu(_apply(lp["pq"], x_i)).reshape(-1, DN // H, H)
    edge = jax.nn.relu(_apply(lp["pe"], ef)).reshape(-1, DE // H, H)
    h = jax.nn.relu(_conv1d(lp["att1"], jnp.concatenate([query, edge], axis=1)))
    prob = jax.nn.softmax(_conv1d(lp["att2"], h), axis=1)  # [E, DA//H, H]
    msg = prob.reshape(-1, DA) * value
    agg = jax.ops.segment_max(msg, ei[0], num_segments=n)
    agg = jnp.where(jnp.isneginf(agg), 0.0, agg)  # torch_scatter: untouched rows -> 0
    out = _apply(lp["pr2"], jax.nn.relu(_apply(lp["pr1"], jnp.concatenate([x, agg], axis=1))))
    return out, gcn_e, prob

def reference(node_feature, edge_feature, edges_indices, obj_center, batch_ids, params):
    dw = _dist_weights(obj_center, params)
    nf, ef = node_feature, edge_feature
    probs = []
    for i in range(NL):
        lp = params["layers"][i]
        nf = _self_attn(nf, lp, dw)
        nf, ef, prob = _gconv(nf, ef, edges_indices, lp)
        if i < NL - 1 or NL == 1:
            nf = jax.nn.relu(nf)
            ef = jax.nn.relu(ef)
        probs.append(prob)
    return nf, ef, jnp.stack(probs)

if __name__ == "__main__":
    import jax
    _d = setup_inputs()
    print(jax.jit(kernel)(*tuple(_d.values())))

</pallas_src>

<mosaic_0001>
#map = affine_map<(d0, d1) -> (0, 0)>
#map1 = affine_map<(d0, d1) -> (0)>
module attributes {stable_mosaic.version = 14 : i64} {
  func.func @k(%arg0: i32, %arg1: i32, %arg2: memref<1024x256xf32, #tpu.memory_space<hbm>>, %arg3: memref<32768xi32, #tpu.memory_space<hbm>>, %arg4: memref<32768x256xf32, #tpu.memory_space<hbm>>, %arg5: memref<128xi32, #tpu.memory_space<vmem>>, %arg6: memref<128x256xf32, #tpu.memory_space<vmem>>, %arg7: memref<128xi32, #tpu.memory_space<vmem>>, %arg8: memref<128x256xf32, #tpu.memory_space<vmem>>, %arg9: memref<!tpu.dma_semaphore, #tpu.memory_space<semaphore_mem>>, %arg10: memref<!tpu.dma_semaphore, #tpu.memory_space<semaphore_mem>>) attributes {dimension_semantics = [#tpu.dimension_semantics<core_parallel>, #tpu.dimension_semantics<subcore_parallel>], iteration_bounds = array<i64: 2, 16>, scalar_prefetch = 0 : i64, scratch_operands = 6 : i64, tpu.core_type = #tpu.core_type<sc_vector_subcore>, window_params = [{transform_indices = #map}, {transform_indices = #map1}, {transform_indices = #map}]} {
    %mul3A = arith.constant 2 : i32
    %mul3A_0 = arith.muli %arg1, %mul3A : i32
    %add3A = arith.addi %mul3A_0, %arg0 : i32
    %mul3A_1 = arith.constant 1024 : i32
    %mul3A_2 = arith.muli %add3A, %mul3A_1 : i32
    %scan3A = arith.constant 0 : i32
    %scan3A_3 = arith.constant 4 : i32
    %scan3A_4 = arith.addi %scan3A, %scan3A_3 : i32
    %scan3A_5 = arith.constant 1 : i32
    scf.for %scan3A_7 = %scan3A to %scan3A_4 step %scan3A_5  : i32 {
      %mul3A_8 = arith.constant 1 : i32
      %mul3A_9 = arith.muli %scan3A_7, %mul3A_8 : i32
      %add3A_10 = arith.constant 0 : i32
      %add3A_11 = arith.addi %add3A_10, %mul3A_9 : i32
      %mul3A_12 = arith.constant 2 : i32
      %mul3A_13 = arith.muli %mul3A_12, %add3A_11 : i32
      %mul3A_14 = arith.constant 128 : i32
      %mul3A_15 = arith.muli %mul3A_13, %mul3A_14 : i32
      %add3A_16 = arith.addi %mul3A_2, %mul3A_15 : i32
      %add3A_17 = arith.constant 128 : i32
      %add3A_18 = arith.addi %add3A_16, %add3A_17 : i32
      "tpu.region"() ({
        %run_scoped3A = tpu.sem_alloc : memref<!tpu.dma_semaphore, #tpu.memory_space<semaphore_mem>>
        %dma_start3A_29 = tpu.memref_slice %arg3[%add3A_16] : memref<32768xi32, #tpu.memory_space<hbm>> -> memref<128xi32, #tpu.memory_space<hbm>>
        %dma_start3A_30 = tpu.memref_slice %arg3[%add3A_16] : memref<32768xi32, #tpu.memory_space<hbm>> -> memref<128xi32, #tpu.memory_space<hbm>>
        tpu.enqueue_dma source(%dma_start3A_30 : memref<128xi32, #tpu.memory_space<hbm>>) target(%arg5 : memref<128xi32, #tpu.memory_space<vmem>>) target_semaphore(%run_scoped3A : memref<!tpu.dma_semaphore, #tpu.memory_space<semaphore_mem>>)
        %dma_wait3A_31 = tpu.memref_slice %arg3[%add3A_16] : memref<32768xi32, #tpu.memory_space<hbm>> -> memref<128xi32, #tpu.memory_space<hbm>>
        %dma_wait3A_32 = tpu.memref_slice %arg3[%add3A_16] : memref<32768xi32, #tpu.memory_space<hbm>> -> memref<128xi32, #tpu.memory_space<hbm>>
        tpu.wait_dma2 semaphore(%run_scoped3A : memref<!tpu.dma_semaphore, #tpu.memory_space<semaphore_mem>>) src(%dma_wait3A_32 : memref<128xi32, #tpu.memory_space<hbm>>) dst(%arg5 : memref<128xi32, #tpu.memory_space<vmem>>)
        tpu.yield
      }) : () -> ()
      %dma_start3A = arith.constant 0 : i32
      %dma_start3A_19 = arith.constant 0 : i32
      %dma_start3A_20 = tpu.memref_slice %arg2[%dma_start3A, %dma_start3A_19] : memref<1024x256xf32, #tpu.memory_space<hbm>> -> memref<1024x256xf32, #tpu.memory_space<hbm>>
      tpu.enqueue_indirect_dma source(%dma_start3A_20 : memref<1024x256xf32, #tpu.memory_space<hbm>>) target(%arg6 : memref<128x256xf32, #tpu.memory_space<vmem>>) offsets(%arg5 : memref<128xi32, #tpu.memory_space<vmem>>) semaphore(%arg9 : memref<!tpu.dma_semaphore, #tpu.memory_space<semaphore_mem>>)
      "tpu.region"() ({
        %run_scoped3A = tpu.sem_alloc : memref<!tpu.dma_semaphore, #tpu.memory_space<semaphore_mem>>
        %dma_start3A_29 = tpu.memref_slice %arg3[%add3A_18] : memref<32768xi32, #tpu.memory_space<hbm>> -> memref<128xi32, #tpu.memory_space<hbm>>
        %dma_start3A_30 = tpu.memref_slice %arg3[%add3A_18] : memref<32768xi32, #tpu.memory_space<hbm>> -> memref<128xi32, #tpu.memory_space<hbm>>
        tpu.enqueue_dma source(%dma_start3A_30 : memref<128xi32, #tpu.memory_space<hbm>>) target(%arg7 : memref<128xi32, #tpu.memory_space<vmem>>) target_semaphore(%run_scoped3A : memref<!tpu.dma_semaphore, #tpu.memory_space<semaphore_mem>>)
        %dma_wait3A_31 = tpu.memref_slice %arg3[%add3A_18] : memref<32768xi32, #tpu.memory_space<hbm>> -> memref<128xi32, #tpu.memory_space<hbm>>
        %dma_wait3A_32 = tpu.memref_slice %arg3[%add3A_18] : memref<32768xi32, #tpu.memory_space<hbm>> -> memref<128xi32, #tpu.memory_space<hbm>>
        tpu.wait_dma2 semaphore(%run_scoped3A : memref<!tpu.dma_semaphore, #tpu.memory_space<semaphore_mem>>) src(%dma_wait3A_32 : memref<128xi32, #tpu.memory_space<hbm>>) dst(%arg7 : memref<128xi32, #tpu.memory_space<vmem>>)
        tpu.yield
      }) : () -> ()
      %dma_start3A_21 = arith.constant 0 : i32
      %dma_start3A_22 = arith.constant 0 : i32
      %dma_start3A_23 = tpu.memref_slice %arg2[%dma_start3A_21, %dma_start3A_22] : memref<1024x256xf32, #tpu.memory_space<hbm>> -> memref<1024x256xf32, #tpu.memory_space<hbm>>
      tpu.enqueue_indirect_dma source(%dma_start3A_23 : memref<1024x256xf32, #tpu.memory_space<hbm>>) target(%arg8 : memref<128x256xf32, #tpu.memory_space<vmem>>) offsets(%arg7 : memref<128xi32, #tpu.memory_space<vmem>>) semaphore(%arg10 : memref<!tpu.dma_semaphore, #tpu.memory_space<semaphore_mem>>)
      %dma_wait3A = arith.constant 0 : i32
      %dma_wait3A_24 = arith.constant 0 : i32
      %dma_wait3A_25 = tpu.memref_slice %arg2[%dma_wait3A, %dma_wait3A_24] : memref<1024x256xf32, #tpu.memory_space<hbm>> -> memref<1024x256xf32, #tpu.memory_space<hbm>>
      tpu.wait_indirect_dma semaphore(%arg9 : memref<!tpu.dma_semaphore, #tpu.memory_space<semaphore_mem>>) src(%dma_wait3A_25 : memref<1024x256xf32, #tpu.memory_space<hbm>>) dst(%arg6 : memref<128x256xf32, #tpu.memory_space<vmem>>)
      "tpu.region"() ({
        %run_scoped3A = tpu.sem_alloc : memref<!tpu.dma_semaphore, #tpu.memory_space<semaphore_mem>>
        %dma_start3A_29 = arith.constant 0 : i32
        %dma_start3A_30 = tpu.memref_slice %arg4[%add3A_16, %dma_start3A_29] : memref<32768x256xf32, #tpu.memory_space<hbm>> -> memref<128x256xf32, #tpu.memory_space<hbm>>
        %dma_start3A_31 = arith.constant 0 : i32
        %dma_start3A_32 = tpu.memref_slice %arg4[%add3A_16, %dma_start3A_31] : memref<32768x256xf32, #tpu.memory_space<hbm>> -> memref<128x256xf32, #tpu.memory_space<hbm>>
        tpu.enqueue_dma source(%arg6 : memref<128x256xf32, #tpu.memory_space<vmem>>) target(%dma_start3A_32 : memref<128x256xf32, #tpu.memory_space<hbm>>) target_semaphore(%run_scoped3A : memref<!tpu.dma_semaphore, #tpu.memory_space<semaphore_mem>>)
        %dma_wait3A_33 = arith.constant 0 : i32
        %dma_wait3A_34 = tpu.memref_slice %arg4[%add3A_16, %dma_wait3A_33] : memref<32768x256xf32, #tpu.memory_space<hbm>> -> memref<128x256xf32, #tpu.memory_space<hbm>>
        %dma_wait3A_35 = arith.constant 0 : i32
        %dma_wait3A_36 = tpu.memref_slice %arg4[%add3A_16, %dma_wait3A_35] : memref<32768x256xf32, #tpu.memory_space<hbm>> -> memref<128x256xf32, #tpu.memory_space<hbm>>
        tpu.wait_dma2 semaphore(%run_scoped3A : memref<!tpu.dma_semaphore, #tpu.memory_space<semaphore_mem>>) src(%arg6 : memref<128x256xf32, #tpu.memory_space<vmem>>) dst(%dma_wait3A_36 : memref<128x256xf32, #tpu.memory_space<hbm>>)
        tpu.yield
      }) : () -> ()
      %dma_wait3A_26 = arith.constant 0 : i32
      %dma_wait3A_27 = arith.constant 0 : i32
      %dma_wait3A_28 = tpu.memref_slice %arg2[%dma_wait3A_26, %dma_wait3A_27] : memref<1024x256xf32, #tpu.memory_space<hbm>> -> memref<1024x256xf32, #tpu.memory_space<hbm>>
      tpu.wait_indirect_dma semaphore(%arg10 : memref<!tpu.dma_semaphore, #tpu.memory_space<semaphore_mem>>) src(%dma_wait3A_28 : memref<1024x256xf32, #tpu.memory_space<hbm>>) dst(%arg8 : memref<128x256xf32, #tpu.memory_space<vmem>>)
      "tpu.region"() ({
        %run_scoped3A = tpu.sem_alloc : memref<!tpu.dma_semaphore, #tpu.memory_space<semaphore_mem>>
        %dma_start3A_29 = arith.constant 0 : i32
        %dma_start3A_30 = tpu.memref_slice %arg4[%add3A_18, %dma_start3A_29] : memref<32768x256xf32, #tpu.memory_space<hbm>> -> memref<128x256xf32, #tpu.memory_space<hbm>>
        %dma_start3A_31 = arith.constant 0 : i32
        %dma_start3A_32 = tpu.memref_slice %arg4[%add3A_18, %dma_start3A_31] : memref<32768x256xf32, #tpu.memory_space<hbm>> -> memref<128x256xf32, #tpu.memory_space<hbm>>
        tpu.enqueue_dma source(%arg8 : memref<128x256xf32, #tpu.memory_space<vmem>>) target(%dma_start3A_32 : memref<128x256xf32, #tpu.memory_space<hbm>>) target_semaphore(%run_scoped3A : memref<!tpu.dma_semaphore, #tpu.memory_space<semaphore_mem>>)
        %dma_wait3A_33 = arith.constant 0 : i32
        %dma_wait3A_34 = tpu.memref_slice %arg4[%add3A_18, %dma_wait3A_33] : memref<32768x256xf32, #tpu.memory_space<hbm>> -> memref<128x256xf32, #tpu.memory_space<hbm>>
        %dma_wait3A_35 = arith.constant 0 : i32
        %dma_wait3A_36 = tpu.memref_slice %arg4[%add3A_18, %dma_wait3A_35] : memref<32768x256xf32, #tpu.memory_space<hbm>> -> memref<128x256xf32, #tpu.memory_space<hbm>>
        tpu.wait_dma2 semaphore(%run_scoped3A : memref<!tpu.dma_semaphore, #tpu.memory_space<semaphore_mem>>) src(%arg8 : memref<128x256xf32, #tpu.memory_space<vmem>>) dst(%dma_wait3A_36 : memref<128x256xf32, #tpu.memory_space<hbm>>)
        tpu.yield
      }) : () -> ()
    }
    %scan3A_6 = arith.constant 4 : i32
    return
  }
}

#map = affine_map<(d0, d1) -> (0, 0)>
#map1 = affine_map<(d0, d1) -> (0)>
module attributes {stable_mosaic.version = 14 : i64} {
  func.func @k(%arg0: i32, %arg1: i32, %arg2: memref<1024x256xf32, #tpu.memory_space<hbm>>, %arg3: memref<32768xi32, #tpu.memory_space<hbm>>, %arg4: memref<32768x256xf32, #tpu.memory_space<hbm>>, %arg5: memref<128xi32, #tpu.memory_space<vmem>>, %arg6: memref<128x256xf32, #tpu.memory_space<vmem>>, %arg7: memref<128xi32, #tpu.memory_space<vmem>>, %arg8: memref<128x256xf32, #tpu.memory_space<vmem>>, %arg9: memref<!tpu.dma_semaphore, #tpu.memory_space<semaphore_mem>>, %arg10: memref<!tpu.dma_semaphore, #tpu.memory_space<semaphore_mem>>) attributes {dimension_semantics = [#tpu.dimension_semantics<core_parallel>, #tpu.dimension_semantics<subcore_parallel>], iteration_bounds = array<i64: 2, 16>, scalar_prefetch = 0 : i64, scratch_operands = 6 : i64, tpu.core_type = #tpu.core_type<sc_vector_subcore>, window_params = [{transform_indices = #map}, {transform_indices = #map1}, {transform_indices = #map}]} {
    %mul3A = arith.constant 2 : i32
    %mul3A_0 = arith.muli %arg1, %mul3A : i32
    %add3A = arith.addi %mul3A_0, %arg0 : i32
    %mul3A_1 = arith.constant 1024 : i32
    %mul3A_2 = arith.muli %add3A, %mul3A_1 : i32
    %scan3A = arith.constant 0 : i32
    %scan3A_3 = arith.constant 4 : i32
    %scan3A_4 = arith.addi %scan3A, %scan3A_3 : i32
    %scan3A_5 = arith.constant 1 : i32
    scf.for %scan3A_7 = %scan3A to %scan3A_4 step %scan3A_5  : i32 {
      %mul3A_8 = arith.constant 1 : i32
      %mul3A_9 = arith.muli %scan3A_7, %mul3A_8 : i32
      %add3A_10 = arith.constant 0 : i32
      %add3A_11 = arith.addi %add3A_10, %mul3A_9 : i32
      %mul3A_12 = arith.constant 2 : i32
      %mul3A_13 = arith.muli %mul3A_12, %add3A_11 : i32
      %mul3A_14 = arith.constant 128 : i32
      %mul3A_15 = arith.muli %mul3A_13, %mul3A_14 : i32
      %add3A_16 = arith.addi %mul3A_2, %mul3A_15 : i32
      %add3A_17 = arith.constant 128 : i32
      %add3A_18 = arith.addi %add3A_16, %add3A_17 : i32
      "tpu.region"() ({
        %run_scoped3A = tpu.sem_alloc : memref<!tpu.dma_semaphore, #tpu.memory_space<semaphore_mem>>
        %dma_start3A_29 = tpu.memref_slice %arg3[%add3A_16] : memref<32768xi32, #tpu.memory_space<hbm>> -> memref<128xi32, #tpu.memory_space<hbm>>
        %dma_start3A_30 = tpu.memref_slice %arg3[%add3A_16] : memref<32768xi32, #tpu.memory_space<hbm>> -> memref<128xi32, #tpu.memory_space<hbm>>
        tpu.enqueue_dma source(%dma_start3A_30 : memref<128xi32, #tpu.memory_space<hbm>>) target(%arg5 : memref<128xi32, #tpu.memory_space<vmem>>) target_semaphore(%run_scoped3A : memref<!tpu.dma_semaphore, #tpu.memory_space<semaphore_mem>>)
        %dma_wait3A_31 = tpu.memref_slice %arg3[%add3A_16] : memref<32768xi32, #tpu.memory_space<hbm>> -> memref<128xi32, #tpu.memory_space<hbm>>
        %dma_wait3A_32 = tpu.memref_slice %arg3[%add3A_16] : memref<32768xi32, #tpu.memory_space<hbm>> -> memref<128xi32, #tpu.memory_space<hbm>>
        tpu.wait_dma2 semaphore(%run_scoped3A : memref<!tpu.dma_semaphore, #tpu.memory_space<semaphore_mem>>) src(%dma_wait3A_32 : memref<128xi32, #tpu.memory_space<hbm>>) dst(%arg5 : memref<128xi32, #tpu.memory_space<vmem>>)
        tpu.yield
      }) : () -> ()
      %dma_start3A = arith.constant 0 : i32
      %dma_start3A_19 = arith.constant 0 : i32
      %dma_start3A_20 = tpu.memref_slice %arg2[%dma_start3A, %dma_start3A_19] : memref<1024x256xf32, #tpu.memory_space<hbm>> -> memref<1024x256xf32, #tpu.memory_space<hbm>>
      tpu.enqueue_indirect_dma source(%dma_start3A_20 : memref<1024x256xf32, #tpu.memory_space<hbm>>) target(%arg6 : memref<128x256xf32, #tpu.memory_space<vmem>>) offsets(%arg5 : memref<128xi32, #tpu.memory_space<vmem>>) semaphore(%arg9 : memref<!tpu.dma_semaphore, #tpu.memory_space<semaphore_mem>>)
      "tpu.region"() ({
        %run_scoped3A = tpu.sem_alloc : memref<!tpu.dma_semaphore, #tpu.memory_space<semaphore_mem>>
        %dma_start3A_29 = tpu.memref_slice %arg3[%add3A_18] : memref<32768xi32, #tpu.memory_space<hbm>> -> memref<128xi32, #tpu.memory_space<hbm>>
        %dma_start3A_30 = tpu.memref_slice %arg3[%add3A_18] : memref<32768xi32, #tpu.memory_space<hbm>> -> memref<128xi32, #tpu.memory_space<hbm>>
        tpu.enqueue_dma source(%dma_start3A_30 : memref<128xi32, #tpu.memory_space<hbm>>) target(%arg7 : memref<128xi32, #tpu.memory_space<vmem>>) target_semaphore(%run_scoped3A : memref<!tpu.dma_semaphore, #tpu.memory_space<semaphore_mem>>)
        %dma_wait3A_31 = tpu.memref_slice %arg3[%add3A_18] : memref<32768xi32, #tpu.memory_space<hbm>> -> memref<128xi32, #tpu.memory_space<hbm>>
        %dma_wait3A_32 = tpu.memref_slice %arg3[%add3A_18] : memref<32768xi32, #tpu.memory_space<hbm>> -> memref<128xi32, #tpu.memory_space<hbm>>
        tpu.wait_dma2 semaphore(%run_scoped3A : memref<!tpu.dma_semaphore, #tpu.memory_space<semaphore_mem>>) src(%dma_wait3A_32 : memref<128xi32, #tpu.memory_space<hbm>>) dst(%arg7 : memref<128xi32, #tpu.memory_space<vmem>>)
        tpu.yield
      }) : () -> ()
      %dma_start3A_21 = arith.constant 0 : i32
      %dma_start3A_22 = arith.constant 0 : i32
      %dma_start3A_23 = tpu.memref_slice %arg2[%dma_start3A_21, %dma_start3A_22] : memref<1024x256xf32, #tpu.memory_space<hbm>> -> memref<1024x256xf32, #tpu.memory_space<hbm>>
      tpu.enqueue_indirect_dma source(%dma_start3A_23 : memref<1024x256xf32, #tpu.memory_space<hbm>>) target(%arg8 : memref<128x256xf32, #tpu.memory_space<vmem>>) offsets(%arg7 : memref<128xi32, #tpu.memory_space<vmem>>) semaphore(%arg10 : memref<!tpu.dma_semaphore, #tpu.memory_space<semaphore_mem>>)
      %dma_wait3A = arith.constant 0 : i32
      %dma_wait3A_24 = arith.constant 0 : i32
      %dma_wait3A_25 = tpu.memref_slice %arg2[%dma_wait3A, %dma_wait3A_24] : memref<1024x256xf32, #tpu.memory_space<hbm>> -> memref<1024x256xf32, #tpu.memory_space<hbm>>
      tpu.wait_indirect_dma semaphore(%arg9 : memref<!tpu.dma_semaphore, #tpu.memory_space<semaphore_mem>>) src(%dma_wait3A_25 : memref<1024x256xf32, #tpu.memory_space<hbm>>) dst(%arg6 : memref<128x256xf32, #tpu.memory_space<vmem>>)
      "tpu.region"() ({
        %run_scoped3A = tpu.sem_alloc : memref<!tpu.dma_semaphore, #tpu.memory_space<semaphore_mem>>
        %dma_start3A_29 = arith.constant 0 : i32
        %dma_start3A_30 = tpu.memref_slice %arg4[%add3A_16, %dma_start3A_29] : memref<32768x256xf32, #tpu.memory_space<hbm>> -> memref<128x256xf32, #tpu.memory_space<hbm>>
        %dma_start3A_31 = arith.constant 0 : i32
        %dma_start3A_32 = tpu.memref_slice %arg4[%add3A_16, %dma_start3A_31] : memref<32768x256xf32, #tpu.memory_space<hbm>> -> memref<128x256xf32, #tpu.memory_space<hbm>>
        tpu.enqueue_dma source(%arg6 : memref<128x256xf32, #tpu.memory_space<vmem>>) target(%dma_start3A_32 : memref<128x256xf32, #tpu.memory_space<hbm>>) target_semaphore(%run_scoped3A : memref<!tpu.dma_semaphore, #tpu.memory_space<semaphore_mem>>)
        %dma_wait3A_33 = arith.constant 0 : i32
        %dma_wait3A_34 = tpu.memref_slice %arg4[%add3A_16, %dma_wait3A_33] : memref<32768x256xf32, #tpu.memory_space<hbm>> -> memref<128x256xf32, #tpu.memory_space<hbm>>
        %dma_wait3A_35 = arith.constant 0 : i32
        %dma_wait3A_36 = tpu.memref_slice %arg4[%add3A_16, %dma_wait3A_35] : memref<32768x256xf32, #tpu.memory_space<hbm>> -> memref<128x256xf32, #tpu.memory_space<hbm>>
        tpu.wait_dma2 semaphore(%run_scoped3A : memref<!tpu.dma_semaphore, #tpu.memory_space<semaphore_mem>>) src(%arg6 : memref<128x256xf32, #tpu.memory_space<vmem>>) dst(%dma_wait3A_36 : memref<128x256xf32, #tpu.memory_space<hbm>>)
        tpu.yield
      }) : () -> ()
      %dma_wait3A_26 = arith.constant 0 : i32
      %dma_wait3A_27 = arith.constant 0 : i32
      %dma_wait3A_28 = tpu.memref_slice %arg2[%dma_wait3A_26, %dma_wait3A_27] : memref<1024x256xf32, #tpu.memory_space<hbm>> -> memref<1024x256xf32, #tpu.memory_space<hbm>>
      tpu.wait_indirect_dma semaphore(%arg10 : memref<!tpu.dma_semaphore, #tpu.memory_space<semaphore_mem>>) src(%dma_wait3A_28 : memref<1024x256xf32, #tpu.memory_space<hbm>>) dst(%arg8 : memref<128x256xf32, #tpu.memory_space<vmem>>)
      "tpu.region"() ({
        %run_scoped3A = tpu.sem_alloc : memref<!tpu.dma_semaphore, #tpu.memory_space<semaphore_mem>>
        %dma_start3A_29 = arith.constant 0 : i32
        %dma_start3A_30 = tpu.memref_slice %arg4[%add3A_18, %dma_start3A_29] : memref<32768x256xf32, #tpu.memory_space<hbm>> -> memref<128x256xf32, #tpu.memory_space<hbm>>
        %dma_start3A_31 = arith.constant 0 : i32
        %dma_start3A_32 = tpu.memref_slice %arg4[%add3A_18, %dma_start3A_31] : memref<32768x256xf32, #tpu.memory_space<hbm>> -> memref<128x256xf32, #tpu.memory_space<hbm>>
        tpu.enqueue_dma source(%arg8 : memref<128x256xf32, #tpu.memory_space<vmem>>) target(%dma_start3A_32 : memref<128x256xf32, #tpu.memory_space<hbm>>) target_semaphore(%run_scoped3A : memref<!tpu.dma_semaphore, #tpu.memory_space<semaphore_mem>>)
        %dma_wait3A_33 = arith.constant 0 : i32
        %dma_wait3A_34 = tpu.memref_slice %arg4[%add3A_18, %dma_wait3A_33] : memref<32768x256xf32, #tpu.memory_space<hbm>> -> memref<128x256xf32, #tpu.memory_space<hbm>>
        %dma_wait3A_35 = arith.constant 0 : i32
        %dma_wait3A_36 = tpu.memref_slice %arg4[%add3A_18, %dma_wait3A_35] : memref<32768x256xf32, #tpu.memory_space<hbm>> -> memref<128x256xf32, #tpu.memory_space<hbm>>
        tpu.wait_dma2 semaphore(%run_scoped3A : memref<!tpu.dma_semaphore, #tpu.memory_space<semaphore_mem>>) src(%arg8 : memref<128x256xf32, #tpu.memory_space<vmem>>) dst(%dma_wait3A_36 : memref<128x256xf32, #tpu.memory_space<hbm>>)
        tpu.yield
      }) : () -> ()
    }
    %scan3A_6 = arith.constant 4 : i32
    return
  }
}

module {
  func.func @main(%arg0: i32, %arg1: i32, %arg2: i32, %arg3: memref<1x1024x1024xf32, #tpu.memory_space<vmem>>, %arg4: memref<1x1024x32xf32, #tpu.memory_space<vmem>>, %arg5: memref<1x1024x32xf32, #tpu.memory_space<vmem>>, %arg6: memref<1x1024x1xf32, #tpu.memory_space<vmem>>, %arg7: memref<1x1024x1xf32, #tpu.memory_space<vmem>>) attributes {dimension_semantics = [#tpu.dimension_semantics<parallel>, #tpu.dimension_semantics<parallel>, #tpu.dimension_semantics<arbitrary>], iteration_bounds = array<i64: 8, 1, 1>, scratch_operands = 2 : i64, window_params = [{transform_indices = @qk_fn, window_bounds = array<i64: 1, 1024, 1024>}, {transform_indices = @v_fn, window_bounds = array<i64: 1, 1024, 32>}, {transform_indices = @oi_fn, window_bounds = array<i64: 1, 1024, 32>}]} {
    %c0 = arith.constant 0 : index
    %c0_i32 = arith.constant 0 : i32
    %0 = arith.cmpi eq, %c0_i32, %arg2 : i32
    scf.if %0 {
      %cst_3 = arith.constant dense<0.000000e+00> : vector<1x1024x32xf32>
      vector.store %cst_3, %arg5[%c0, %c0, %c0] : memref<1x1024x32xf32, #tpu.memory_space<vmem>>, vector<1x1024x32xf32>
      %cst_4 = arith.constant dense<0xFF800000> : vector<1x1024x1xf32>
      vector.store %cst_4, %arg6[%c0, %c0, %c0] : memref<1x1024x1xf32, #tpu.memory_space<vmem>>, vector<1x1024x1xf32>
      %cst_5 = arith.constant dense<0.000000e+00> : vector<1x1024x1xf32>
      vector.store %cst_5, %arg7[%c0, %c0, %c0] : memref<1x1024x1xf32, #tpu.memory_space<vmem>>, vector<1x1024x1xf32>
    }
    %1 = vector.load %arg3[%c0, %c0, %c0] : memref<1x1024x1024xf32, #tpu.memory_space<vmem>>, vector<1x1024x1024xf32>
    %cst = arith.constant dense<0xFF800000> : vector<1x1024xf32>
    %2 = vector.multi_reduction <maximumf>, %1, %cst [2] : vector<1x1024x1024xf32> to vector<1x1024xf32>
    %3 = vector.shape_cast %2 : vector<1x1024xf32> to vector<1x1024x1xf32>
    %4 = vector.load %arg6[%c0, %c0, %c0] : memref<1x1024x1xf32, #tpu.memory_space<vmem>>, vector<1x1024x1xf32>
    %5 = arith.maximumf %4, %3 : vector<1x1024x1xf32>
    %cst_0 = arith.constant dense<0.000000e+00> : vector<1x1024x1xf32>
    %6 = arith.cmpf oeq, %4, %5 : vector<1x1024x1xf32>
    %7 = arith.subf %4, %5 : vector<1x1024x1xf32>
    %8 = arith.select %6, %cst_0, %7 : vector<1x1024x1xi1>, vector<1x1024x1xf32>
    %9 = vector.broadcast %5 : vector<1x1024x1xf32> to vector<1x1024x1024xf32>
    %10 = arith.subf %1, %9 : vector<1x1024x1024xf32>
    %11 = math.exp %10 : vector<1x1024x1024xf32>
    %cst_1 = arith.constant dense<0.000000e+00> : vector<1x1024xf32>
    %12 = vector.multi_reduction <add>, %11, %cst_1 [2] : vector<1x1024x1024xf32> to vector<1x1024xf32>
    %13 = vector.shape_cast %12 : vector<1x1024xf32> to vector<1x1024x1xf32>
    %14 = vector.load %arg7[%c0, %c0, %c0] : memref<1x1024x1xf32, #tpu.memory_space<vmem>>, vector<1x1024x1xf32>
    %15 = math.exp %8 : vector<1x1024x1xf32>
    %16 = arith.mulf %15, %14 : vector<1x1024x1xf32>
    %17 = arith.addf %16, %13 : vector<1x1024x1xf32>
    %18 = vector.load %arg5[%c0, %c0, %c0] : memref<1x1024x32xf32, #tpu.memory_space<vmem>>, vector<1x1024x32xf32>
    %19 = math.exp %8 : vector<1x1024x1xf32>
    %20 = arith.mulf %19, %14 : vector<1x1024x1xf32>
    %21 = vector.broadcast %20 : vector<1x1024x1xf32> to vector<1x1024x32xf32>
    %22 = arith.mulf %21, %18 : vector<1x1024x32xf32>
    %23 = vector.load %arg4[%c0, %c0, %c0] : memref<1x1024x32xf32, #tpu.memory_space<vmem>>, vector<1x1024x32xf32>
    %24 = vector.shape_cast %23 : vector<1x1024x32xf32> to vector<1024x32xf32>
    %25 = vector.shape_cast %11 : vector<1x1024x1024xf32> to vector<1024x1024xf32>
    %26 = vector.shape_cast %22 : vector<1x1024x32xf32> to vector<1024x32xf32>
    %27 = tpu.matmul %25, %24, %26 {dimension_numbers = #tpu.dot_dimension_numbers<[1], [0], [0], [1], [0, 0, 1, 1], [], []>, precision = #tpu.contract_precision<bf16>, transpose_lhs_hint = false} : vector<1024x1024xf32>, vector<1024x32xf32>, vector<1024x32xf32> -> vector<1024x32xf32>
    %28 = vector.shape_cast %27 : vector<1024x32xf32> to vector<1x1024x32xf32>
    %cst_2 = arith.constant dense<1.000000e+00> : vector<1x1024x1xf32>
    %29 = arith.divf %cst_2, %17 : vector<1x1024x1xf32>
    %30 = vector.broadcast %29 : vector<1x1024x1xf32> to vector<1x1024x32xf32>
    %31 = arith.mulf %28, %30 : vector<1x1024x32xf32>
    %32 = vector.shape_cast %31 : vector<1x1024x32xf32> to vector<1x1024x32xf32>
    vector.store %32, %arg5[%c0, %c0, %c0] : memref<1x1024x32xf32, #tpu.memory_space<vmem>>, vector<1x1024x32xf32>
    vector.store %5, %arg6[%c0, %c0, %c0] : memref<1x1024x1xf32, #tpu.memory_space<vmem>>, vector<1x1024x1xf32>
    vector.store %17, %arg7[%c0, %c0, %c0] : memref<1x1024x1xf32, #tpu.memory_space<vmem>>, vector<1x1024x1xf32>
    return
  }
  func.func @qk_fn(%arg0: i32, %arg1: i32, %arg2: i32) -> (i32, i32, i32) {
    return %arg0, %arg1, %arg2 : i32, i32, i32
  }
  func.func @v_fn(%arg0: i32, %arg1: i32, %arg2: i32) -> (i32, i32, i32) {
    %c0_i32 = arith.constant 0 : i32
    return %arg0, %arg2, %c0_i32 : i32, i32, i32
  }
  func.func @oi_fn(%arg0: i32, %arg1: i32, %arg2: i32) -> (i32, i32, i32) {
    %c0_i32 = arith.constant 0 : i32
    return %arg0, %arg1, %c0_i32 : i32, i32, i32
  }
}

module attributes {stable_mosaic.version = 14 : i64} {
  func.func @_edge_body(%arg0: i32, %arg1: memref<1024x256xf32, #tpu.memory_space<vmem>>, %arg2: memref<1024x256xf32, #tpu.memory_space<vmem>>, %arg3: memref<1024x256xf32, #tpu.memory_space<vmem>>, %arg4: memref<768x512xbf16, #tpu.memory_space<vmem>>, %arg5: memref<1x512xf32, #tpu.memory_space<vmem>>, %arg6: memref<512x256xbf16, #tpu.memory_space<vmem>>, %arg7: memref<1x256xf32, #tpu.memory_space<vmem>>, %arg8: memref<256x256xbf16, #tpu.memory_space<vmem>>, %arg9: memref<1x256xf32, #tpu.memory_space<vmem>>, %arg10: memref<256x256xbf16, #tpu.memory_space<vmem>>, %arg11: memref<1x256xf32, #tpu.memory_space<vmem>>, %arg12: memref<256x256xbf16, #tpu.memory_space<vmem>>, %arg13: memref<1x256xf32, #tpu.memory_space<vmem>>, %arg14: memref<128x128xbf16, #tpu.memory_space<vmem>>, %arg15: memref<1x128xf32, #tpu.memory_space<vmem>>, %arg16: memref<128x64xbf16, #tpu.memory_space<vmem>>, %arg17: memref<1x64xf32, #tpu.memory_space<vmem>>, %arg18: memref<256x256xbf16, #tpu.memory_space<vmem>>, %arg19: memref<1024x256xf32, #tpu.memory_space<vmem>>, %arg20: memref<1024x256xf32, #tpu.memory_space<vmem>>, %arg21: memref<1024x256xf32, #tpu.memory_space<vmem>>) attributes {dimension_semantics = [#tpu.dimension_semantics<arbitrary>], iteration_bounds = array<i64: 16>, scalar_prefetch = 0 : i64, scratch_operands = 0 : i64, tpu.core_type = #tpu.core_type<tc>, window_params = [{transform_indices = @transform_0, window_bounds = array<i64: 1024, 256>}, {transform_indices = @transform_1, window_bounds = array<i64: 1024, 256>}, {transform_indices = @transform_2, window_bounds = array<i64: 1024, 256>}, {pipeline_mode = #tpu.pipeline_mode<synchronous>, transform_indices = @transform_3, window_bounds = array<i64: 768, 512>}, {pipeline_mode = #tpu.pipeline_mode<synchronous>, transform_indices = @transform_4, window_bounds = array<i64: 1, 512>}, {pipeline_mode = #tpu.pipeline_mode<synchronous>, transform_indices = @transform_5, window_bounds = array<i64: 512, 256>}, {pipeline_mode = #tpu.pipeline_mode<synchronous>, transform_indices = @transform_6, window_bounds = array<i64: 1, 256>}, {pipeline_mode = #tpu.pipeline_mode<synchronous>, transform_indices = @transform_7, window_bounds = array<i64: 256, 256>}, {pipeline_mode = #tpu.pipeline_mode<synchronous>, transform_indices = @transform_8, window_bounds = array<i64: 1, 256>}, {pipeline_mode = #tpu.pipeline_mode<synchronous>, transform_indices = @transform_9, window_bounds = array<i64: 256, 256>}, {pipeline_mode = #tpu.pipeline_mode<synchronous>, transform_indices = @transform_10, window_bounds = array<i64: 1, 256>}, {pipeline_mode = #tpu.pipeline_mode<synchronous>, transform_indices = @transform_11, window_bounds = array<i64: 256, 256>}, {pipeline_mode = #tpu.pipeline_mode<synchronous>, transform_indices = @transform_12, window_bounds = array<i64: 1, 256>}, {pipeline_mode = #tpu.pipeline_mode<synchronous>, transform_indices = @transform_13, window_bounds = array<i64: 128, 128>}, {pipeline_mode = #tpu.pipeline_mode<synchronous>, transform_indices = @transform_14, window_bounds = array<i64: 1, 128>}, {pipeline_mode = #tpu.pipeline_mode<synchronous>, transform_indices = @transform_15, window_bounds = array<i64: 128, 64>}, {pipeline_mode = #tpu.pipeline_mode<synchronous>, transform_indices = @transform_16, window_bounds = array<i64: 1, 64>}, {pipeline_mode = #tpu.pipeline_mode<synchronous>, transform_indices = @transform_17, window_bounds = array<i64: 256, 256>}, {transform_indices = @transform_18, window_bounds = array<i64: 1024, 256>}, {transform_indices = @transform_19, window_bounds = array<i64: 1024, 256>}, {transform_indices = @transform_20, window_bounds = array<i64: 1024, 256>}]} {
    %get3A = arith.constant 0 : index
    %get3A_0 = arith.constant 0 : index
    %get3A_1 = vector.load %arg1[%get3A, %get3A_0] : memref<1024x256xf32, #tpu.memory_space<vmem>>, vector<1024x256xf32>
    %convert_element_type3A = arith.truncf %get3A_1 : vector<1024x256xf32> to vector<1024x256xbf16>
    %get3A_2 = arith.constant 0 : index
    %get3A_3 = arith.constant 0 : index
    %get3A_4 = vector.load %arg2[%get3A_2, %get3A_3] : memref<1024x256xf32, #tpu.memory_space<vmem>>, vector<1024x256xf32>
    %convert_element_type3A_5 = arith.truncf %get3A_4 : vector<1024x256xf32> to vector<1024x256xbf16>
    %get3A_6 = arith.constant 0 : index
    %get3A_7 = arith.constant 0 : index
    %get3A_8 = vector.load %arg3[%get3A_6, %get3A_7] : memref<1024x256xf32, #tpu.memory_space<vmem>>, vector<1024x256xf32>
    %get3A_9 = arith.constant 0 : index
    %get3A_10 = arith.constant 0 : index
    %get3A_11 = vector.load %arg4[%get3A_9, %get3A_10] : memref<768x512xbf16, #tpu.memory_space<vmem>>, vector<768x512xbf16>
    %convert_element_type3A_12 = arith.truncf %get3A_8 : vector<1024x256xf32> to vector<1024x256xbf16>
    %slice3A = vector.extract_strided_slice %get3A_11 {offsets = [0, 0], sizes = [256, 512], strides = [1, 1]} : vector<768x512xbf16> to vector<256x512xbf16>
    %dot_general3A = arith.constant dense<0.000000e+00> : vector<1024x512xf32>
    %dot_general3A_13 = tpu.matmul %convert_element_type3A, %slice3A, %dot_general3A {dimension_numbers = #tpu.dot_dimension_numbers<[1], [0], [0], [1], [0, 0, 1, 1], [], []>, transpose_lhs_hint = false} : vector<1024x256xbf16>, vector<256x512xbf16>, vector<1024x512xf32> -> vector<1024x512xf32>
    %slice3A_14 = vector.extract_strided_slice %get3A_11 {offsets = [256, 0], sizes = [256, 512], strides = [1, 1]} : vector<768x512xbf16> to vector<256x512xbf16>
    %dot_general3A_15 = arith.constant dense<0.000000e+00> : vector<1024x512xf32>
    %dot_general3A_16 = tpu.matmul %convert_element_type3A_12, %slice3A_14, %dot_general3A_15 {dimension_numbers = #tpu.dot_dimension_numbers<[1], [0], [0], [1], [0, 0, 1, 1], [], []>, transpose_lhs_hint = false} : vector<1024x256xbf16>, vector<256x512xbf16>, vector<1024x512xf32> -> vector<1024x512xf32>
    %add3A = arith.addf %dot_general3A_13, %dot_general3A_16 : vector<1024x512xf32>
    %slice3A_17 = vector.extract_strided_slice %get3A_11 {offsets = [512, 0], sizes = [256, 512], strides = [1, 1]} : vector<768x512xbf16> to vector<256x512xbf16>
    %dot_general3A_18 = arith.constant dense<0.000000e+00> : vector<1024x512xf32>
    %dot_general3A_19 = tpu.matmul %convert_element_type3A_5, %slice3A_17, %dot_general3A_18 {dimension_numbers = #tpu.dot_dimension_numbers<[1], [0], [0], [1], [0, 0, 1, 1], [], []>, transpose_lhs_hint = false} : vector<1024x256xbf16>, vector<256x512xbf16>, vector<1024x512xf32> -> vector<1024x512xf32>
    %add3A_20 = arith.addf %add3A, %dot_general3A_19 : vector<1024x512xf32>
    %get3A_21 = arith.constant 0 : index
    %get3A_22 = arith.constant 0 : index
    %get3A_23 = vector.load %arg5[%get3A_21, %get3A_22] : memref<1x512xf32, #tpu.memory_space<vmem>>, vector<1x512xf32>
    %add3A_24 = vector.broadcast %get3A_23 : vector<1x512xf32> to vector<1024x512xf32>
    %add3A_25 = arith.addf %add3A_20, %add3A_24 : vector<1024x512xf32>
    %max3A = arith.constant 0.000000e+00 : f32
    %max3A_26 = vector.broadcast %max3A : f32 to vector<1024x512xf32>
    %max3A_27 = arith.maximumf %add3A_25, %max3A_26 : vector<1024x512xf32>
    %get3A_28 = arith.constant 0 : index
    %get3A_29 = arith.constant 0 : index
    %get3A_30 = vector.load %arg6[%get3A_28, %get3A_29] : memref<512x256xbf16, #tpu.memory_space<vmem>>, vector<512x256xbf16>
    %convert_element_type3A_31 = arith.truncf %max3A_27 : vector<1024x512xf32> to vector<1024x512xbf16>
    %dot_general3A_32 = arith.constant dense<0.000000e+00> : vector<1024x256xf32>
    %dot_general3A_33 = tpu.matmul %convert_element_type3A_31, %get3A_30, %dot_general3A_32 {dimension_numbers = #tpu.dot_dimension_numbers<[1], [0], [0], [1], [0, 0, 1, 1], [], []>, transpose_lhs_hint = false} : vector<1024x512xbf16>, vector<512x256xbf16>, vector<1024x256xf32> -> vector<1024x256xf32>
    %get3A_34 = arith.constant 0 : index
    %get3A_35 = arith.constant 0 : index
    %get3A_36 = vector.load %arg7[%get3A_34, %get3A_35] : memref<1x256xf32, #tpu.memory_space<vmem>>, vector<1x256xf32>
    %add3A_37 = vector.broadcast %get3A_36 : vector<1x256xf32> to vector<1024x256xf32>
    %add3A_38 = arith.addf %dot_general3A_33, %add3A_37 : vector<1024x256xf32>
    %swap3A = arith.constant 0 : index
    %swap3A_39 = arith.constant 0 : index
    %swap3A_40 = vector.load %arg19[%swap3A, %swap3A_39] : memref<1024x256xf32, #tpu.memory_space<vmem>>, vector<1024x256xf32>
    tpu.vector_store %arg19[%swap3A, %swap3A_39], %add3A_38 {strides = array<i32>} : memref<1024x256xf32, #tpu.memory_space<vmem>>, vector<1024x256xf32>,
    %get3A_41 = arith.constant 0 : index
    %get3A_42 = arith.constant 0 : index
    %get3A_43 = vector.load %arg8[%get3A_41, %get3A_42] : memref<256x256xbf16, #tpu.memory_space<vmem>>, vector<256x256xbf16>
    %dot_general3A_44 = arith.constant dense<0.000000e+00> : vector<1024x256xf32>
    %dot_general3A_45 = tpu.matmul %convert_element_type3A, %get3A_43, %dot_general3A_44 {dimension_numbers = #tpu.dot_dimension_numbers<[1], [0], [0], [1], [0, 0, 1, 1], [], []>, transpose_lhs_hint = false} : vector<1024x256xbf16>, vector<256x256xbf16>, vector<1024x256xf32> -> vector<1024x256xf32>
    %get3A_46 = arith.constant 0 : index
    %get3A_47 = arith.constant 0 : index
    %get3A_48 = vector.load %arg9[%get3A_46, %get3A_47] : memref<1x256xf32, #tpu.memory_space<vmem>>, vector<1x256xf32>
    %add3A_49 = vector.broadcast %get3A_48 : vector<1x256xf32> to vector<1024x256xf32>
    %add3A_50 = arith.addf %dot_general3A_45, %add3A_49 : vector<1024x256xf32>
    %max3A_51 = arith.constant 0.000000e+00 : f32
    %max3A_52 = vector.broadcast %max3A_51 : f32 to vector<1024x256xf32>
    %max3A_53 = arith.maximumf %add3A_50, %max3A_52 : vector<1024x256xf32>
    %get3A_54 = arith.constant 0 : index
    %get3A_55 = arith.constant 0 : index
    %get3A_56 = vector.load %arg10[%get3A_54, %get3A_55] : memref<256x256xbf16, #tpu.memory_space<vmem>>, vector<256x256xbf16>
    %dot_general3A_57 = arith.constant dense<0.000000e+00> : vector<1024x256xf32>
    %dot_general3A_58 = tpu.matmul %convert_element_type3A_12, %get3A_56, %dot_general3A_57 {dimension_numbers = #tpu.dot_dimension_numbers<[1], [0], [0], [1], [0, 0, 1, 1], [], []>, transpose_lhs_hint = false} : vector<1024x256xbf16>, vector<256x256xbf16>, vector<1024x256xf32> -> vector<1024x256xf32>
    %get3A_59 = arith.constant 0 : index
    %get3A_60 = arith.constant 0 : index
    %get3A_61 = vector.load %arg11[%get3A_59, %get3A_60] : memref<1x256xf32, #tpu.memory_space<vmem>>, vector<1x256xf32>
    %add3A_62 = vector.broadcast %get3A_61 : vector<1x256xf32> to vector<1024x256xf32>
    %add3A_63 = arith.addf %dot_general3A_58, %add3A_62 : vector<1024x256xf32>
    %max3A_64 = arith.constant 0.000000e+00 : f32
    %max3A_65 = vector.broadcast %max3A_64 : f32 to vector<1024x256xf32>
    %max3A_66 = arith.maximumf %add3A_63, %max3A_65 : vector<1024x256xf32>
    %get3A_67 = arith.constant 0 : index
    %get3A_68 = arith.constant 0 : index
    %get3A_69 = vector.load %arg12[%get3A_67, %get3A_68] : memref<256x256xbf16, #tpu.memory_space<vmem>>, vector<256x256xbf16>
    %dot_general3A_70 = arith.constant dense<0.000000e+00> : vector<1024x256xf32>
    %dot_general3A_71 = tpu.matmul %convert_element_type3A_5, %get3A_69, %dot_general3A_70 {dimension_numbers = #tpu.dot_dimension_numbers<[1], [0], [0], [1], [0, 0, 1, 1], [], []>, transpose_lhs_hint = false} : vector<1024x256xbf16>, vector<256x256xbf16>, vector<1024x256xf32> -> vector<1024x256xf32>
    %get3A_72 = arith.constant 0 : index
    %get3A_73 = arith.constant 0 : index
    %get3A_74 = vector.load %arg13[%get3A_72, %get3A_73] : memref<1x256xf32, #tpu.memory_space<vmem>>, vector<1x256xf32>
    %add3A_75 = vector.broadcast %get3A_74 : vector<1x256xf32> to vector<1024x256xf32>
    %add3A_76 = arith.addf %dot_general3A_71, %add3A_75 : vector<1024x256xf32>
    %max3A_77 = arith.constant 0.000000e+00 : f32
    %max3A_78 = vector.broadcast %max3A_77 : f32 to vector<1024x256xf32>
    %max3A_79 = arith.maximumf %add3A_76, %max3A_78 : vector<1024x256xf32>
    %slice3A_80 = vector.extract_strided_slice %max3A_53 {offsets = [0, 0], sizes = [1024, 64], strides = [1, 1]} : vector<1024x256xf32> to vector<1024x64xf32>
    %slice3A_81 = vector.extract_strided_slice %max3A_66 {offsets = [0, 0], sizes = [1024, 64], strides = [1, 1]} : vector<1024x256xf32> to vector<1024x64xf32>
    %concatenate3A = tpu.concatenate %slice3A_80, %slice3A_81 in 1 : vector<1024x64xf32>, vector<1024x64xf32> -> vector<1024x128xf32>
    %get3A_82 = arith.constant 0 : index
    %get3A_83 = arith.constant 0 : index
    %get3A_84 = vector.load %arg14[%get3A_82, %get3A_83] : memref<128x128xbf16, #tpu.memory_space<vmem>>, vector<128x128xbf16>
    %convert_element_type3A_85 = arith.truncf %concatenate3A : vector<1024x128xf32> to vector<1024x128xbf16>
    %dot_general3A_86 = arith.constant dense<0.000000e+00> : vector<1024x128xf32>
    %dot_general3A_87 = tpu.matmul %convert_element_type3A_85, %get3A_84, %dot_general3A_86 {dimension_numbers = #tpu.dot_dimension_numbers<[1], [0], [0], [1], [0, 0, 1, 1], [], []>, transpose_lhs_hint = false} : vector<1024x128xbf16>, vector<128x128xbf16>, vector<1024x128xf32> -> vector<1024x128xf32>
    %get3A_88 = arith.constant 0 : index
    %get3A_89 = arith.constant 0 : index
    %get3A_90 = vector.load %arg15[%get3A_88, %get3A_89] : memref<1x128xf32, #tpu.memory_space<vmem>>, vector<1x128xf32>
    %add3A_91 = vector.broadcast %get3A_90 : vector<1x128xf32> to vector<1024x128xf32>
    %add3A_92 = arith.addf %dot_general3A_87, %add3A_91 : vector<1024x128xf32>
    %max3A_93 = arith.constant 0.000000e+00 : f32
    %max3A_94 = vector.broadcast %max3A_93 : f32 to vector<1024x128xf32>
    %max3A_95 = arith.maximumf %add3A_92, %max3A_94 : vector<1024x128xf32>
    %get3A_96 = arith.constant 0 : index
    %get3A_97 = arith.constant 0 : index
    %get3A_98 = vector.load %arg16[%get3A_96, %get3A_97] : memref<128x64xbf16, #tpu.memory_space<vmem>>, vector<128x64xbf16>
    %convert_element_type3A_99 = arith.truncf %max3A_95 : vector<1024x128xf32> to vector<1024x128xbf16>
    %dot_general3A_100 = arith.constant dense<0.000000e+00> : vector<1024x64xf32>
    %dot_general3A_101 = tpu.matmul %convert_element_type3A_99, %get3A_98, %dot_general3A_100 {dimension_numbers = #tpu.dot_dimension_numbers<[1], [0], [0], [1], [0, 0, 1, 1], [], []>, transpose_lhs_hint = false} : vector<1024x128xbf16>, vector<128x64xbf16>, vector<1024x64xf32> -> vector<1024x64xf32>
    %get3A_102 = arith.constant 0 : index
    %get3A_103 = arith.constant 0 : index
    %get3A_104 = vector.load %arg17[%get3A_102, %get3A_103] : memref<1x64xf32, #tpu.memory_space<vmem>>, vector<1x64xf32>
    %add3A_105 = vector.broadcast %get3A_104 : vector<1x64xf32> to vector<1024x64xf32>
    %add3A_106 = arith.addf %dot_general3A_101, %add3A_105 : vector<1024x64xf32>
    %reduce_max3A = arith.constant dense<0xFF800000> : vector<1024xf32>
    %reduce_max3A_107 = vector.multi_reduction <maximumf>, %add3A_106, %reduce_max3A [1] : vector<1024x64xf32> to vector<1024xf32>
    %broadcast_in_dim3A = vector.shape_cast %reduce_max3A_107 : vector<1024xf32> to vector<1024x1xf32>
    %sub3A = vector.broadcast %broadcast_in_dim3A : vector<1024x1xf32> to vector<1024x64xf32>
    %sub3A_108 = arith.subf %add3A_106, %sub3A : vector<1024x64xf32>
    %exp3A = math.exp %sub3A_108 : vector<1024x64xf32>
    %reduce_sum3A = arith.constant dense<0.000000e+00> : vector<1024xf32>
    %reduce_sum3A_109 = vector.multi_reduction <add>, %exp3A, %reduce_sum3A [1] : vector<1024x64xf32> to vector<1024xf32>
    %broadcast_in_dim3A_110 = vector.shape_cast %reduce_sum3A_109 : vector<1024xf32> to vector<1024x1xf32>
    %div3A = vector.broadcast %broadcast_in_dim3A_110 : vector<1024x1xf32> to vector<1024x64xf32>
    %div3A_111 = arith.divf %exp3A, %div3A : vector<1024x64xf32>
    %slice3A_112 = vector.extract_strided_slice %max3A_53 {offsets = [0, 64], sizes = [1024, 64], strides = [1, 1]} : vector<1024x256xf32> to vector<1024x64xf32>
    %slice3A_113 = vector.extract_strided_slice %max3A_66 {offsets = [0, 64], sizes = [1024, 64], strides = [1, 1]} : vector<1024x256xf32> to vector<1024x64xf32>
    %concatenate3A_114 = tpu.concatenate %slice3A_112, %slice3A_113 in 1 : vector<1024x64xf32>, vector<1024x64xf32> -> vector<1024x128xf32>
    %get3A_115 = arith.constant 0 : index
    %get3A_116 = arith.constant 0 : index
    %get3A_117 = vector.load %arg14[%get3A_115, %get3A_116] : memref<128x128xbf16, #tpu.memory_space<vmem>>, vector<128x128xbf16>
    %convert_element_type3A_118 = arith.truncf %concatenate3A_114 : vector<1024x128xf32> to vector<1024x128xbf16>
    %dot_general3A_119 = arith.constant dense<0.000000e+00> : vector<1024x128xf32>
    %dot_general3A_120 = tpu.matmul %convert_element_type3A_118, %get3A_117, %dot_general3A_119 {dimension_numbers = #tpu.dot_dimension_numbers<[1], [0], [0], [1], [0, 0, 1, 1], [], []>, transpose_lhs_hint = false} : vector<1024x128xbf16>, vector<128x128xbf16>, vector<1024x128xf32> -> vector<1024x128xf32>
    %get3A_121 = arith.constant 0 : index
    %get3A_122 = arith.constant 0 : index
    %get3A_123 = vector.load %arg15[%get3A_121, %get3A_122] : memref<1x128xf32, #tpu.memory_space<vmem>>, vector<1x128xf32>
    %add3A_124 = vector.broadcast %get3A_123 : vector<1x128xf32> to vector<1024x128xf32>
    %add3A_125 = arith.addf %dot_general3A_120, %add3A_124 : vector<1024x128xf32>
    %max3A_126 = arith.constant 0.000000e+00 : f32
    %max3A_127 = vector.broadcast %max3A_126 : f32 to vector<1024x128xf32>
    %max3A_128 = arith.maximumf %add3A_125, %max3A_127 : vector<1024x128xf32>
    %get3A_129 = arith.constant 0 : index
    %get3A_130 = arith.constant 0 : index
    %get3A_131 = vector.load %arg16[%get3A_129, %get3A_130] : memref<128x64xbf16, #tpu.memory_space<vmem>>, vector<128x64xbf16>
    %convert_element_type3A_132 = arith.truncf %max3A_128 : vector<1024x128xf32> to vector<1024x128xbf16>
    %dot_general3A_133 = arith.constant dense<0.000000e+00> : vector<1024x64xf32>
    %dot_general3A_134 = tpu.matmul %convert_element_type3A_132, %get3A_131, %dot_general3A_133 {dimension_numbers = #tpu.dot_dimension_numbers<[1], [0], [0], [1], [0, 0, 1, 1], [], []>, transpose_lhs_hint = false} : vector<1024x128xbf16>, vector<128x64xbf16>, vector<1024x64xf32> -> vector<1024x64xf32>
    %get3A_135 = arith.constant 0 : index
    %get3A_136 = arith.constant 0 : index
    %get3A_137 = vector.load %arg17[%get3A_135, %get3A_136] : memref<1x64xf32, #tpu.memory_space<vmem>>, vector<1x64xf32>
    %add3A_138 = vector.broadcast %get3A_137 : vector<1x64xf32> to vector<1024x64xf32>
    %add3A_139 = arith.addf %dot_general3A_134, %add3A_138 : vector<1024x64xf32>
    %reduce_max3A_140 = arith.constant dense<0xFF800000> : vector<1024xf32>
    %reduce_max3A_141 = vector.multi_reduction <maximumf>, %add3A_139, %reduce_max3A_140 [1] : vector<1024x64xf32> to vector<1024xf32>
    %broadcast_in_dim3A_142 = vector.shape_cast %reduce_max3A_141 : vector<1024xf32> to vector<1024x1xf32>
    %sub3A_143 = vector.broadcast %broadcast_in_dim3A_142 : vector<1024x1xf32> to vector<1024x64xf32>
    %sub3A_144 = arith.subf %add3A_139, %sub3A_143 : vector<1024x64xf32>
    %exp3A_145 = math.exp %sub3A_144 : vector<1024x64xf32>
    %reduce_sum3A_146 = arith.constant dense<0.000000e+00> : vector<1024xf32>
    %reduce_sum3A_147 = vector.multi_reduction <add>, %exp3A_145, %reduce_sum3A_146 [1] : vector<1024x64xf32> to vector<1024xf32>
    %broadcast_in_dim3A_148 = vector.shape_cast %reduce_sum3A_147 : vector<1024xf32> to vector<1024x1xf32>
    %div3A_149 = vector.broadcast %broadcast_in_dim3A_148 : vector<1024x1xf32> to vector<1024x64xf32>
    %div3A_150 = arith.divf %exp3A_145, %div3A_149 : vector<1024x64xf32>
    %slice3A_151 = vector.extract_strided_slice %max3A_53 {offsets = [0, 128], sizes = [1024, 64], strides = [1, 1]} : vector<1024x256xf32> to vector<1024x64xf32>
    %slice3A_152 = vector.extract_strided_slice %max3A_66 {offsets = [0, 128], sizes = [1024, 64], strides = [1, 1]} : vector<1024x256xf32> to vector<1024x64xf32>
    %concatenate3A_153 = tpu.concatenate %slice3A_151, %slice3A_152 in 1 : vector<1024x64xf32>, vector<1024x64xf32> -> vector<1024x128xf32>
    %get3A_154 = arith.constant 0 : index
    %get3A_155 = arith.constant 0 : index
    %get3A_156 = vector.load %arg14[%get3A_154, %get3A_155] : memref<128x128xbf16, #tpu.memory_space<vmem>>, vector<128x128xbf16>
    %convert_element_type3A_157 = arith.truncf %concatenate3A_153 : vector<1024x128xf32> to vector<1024x128xbf16>
    %dot_general3A_158 = arith.constant dense<0.000000e+00> : vector<1024x128xf32>
    %dot_general3A_159 = tpu.matmul %convert_element_type3A_157, %get3A_156, %dot_general3A_158 {dimension_numbers = #tpu.dot_dimension_numbers<[1], [0], [0], [1], [0, 0, 1, 1], [], []>, transpose_lhs_hint = false} : vector<1024x128xbf16>, vector<128x128xbf16>, vector<1024x128xf32> -> vector<1024x128xf32>
    %get3A_160 = arith.constant 0 : index
    %get3A_161 = arith.constant 0 : index
    %get3A_162 = vector.load %arg15[%get3A_160, %get3A_161] : memref<1x128xf32, #tpu.memory_space<vmem>>, vector<1x128xf32>
    %add3A_163 = vector.broadcast %get3A_162 : vector<1x128xf32> to vector<1024x128xf32>
    %add3A_164 = arith.addf %dot_general3A_159, %add3A_163 : vector<1024x128xf32>
    %max3A_165 = arith.constant 0.000000e+00 : f32
    %max3A_166 = vector.broadcast %max3A_165 : f32 to vector<1024x128xf32>
    %max3A_167 = arith.maximumf %add3A_164, %max3A_166 : vector<1024x128xf32>
    %get3A_168 = arith.constant 0 : index
    %get3A_169 = arith.constant 0 : index
    %get3A_170 = vector.load %arg16[%get3A_168, %get3A_169] : memref<128x64xbf16, #tpu.memory_space<vmem>>, vector<128x64xbf16>
    %convert_element_type3A_171 = arith.truncf %max3A_167 : vector<1024x128xf32> to vector<1024x128xbf16>
    %dot_general3A_172 = arith.constant dense<0.000000e+00> : vector<1024x64xf32>
    %dot_general3A_173 = tpu.matmul %convert_element_type3A_171, %get3A_170, %dot_general3A_172 {dimension_numbers = #tpu.dot_dimension_numbers<[1], [0], [0], [1], [0, 0, 1, 1], [], []>, transpose_lhs_hint = false} : vector<1024x128xbf16>, vector<128x64xbf16>, vector<1024x64xf32> -> vector<1024x64xf32>
    %get3A_174 = arith.constant 0 : index
    %get3A_175 = arith.constant 0 : index
    %get3A_176 = vector.load %arg17[%get3A_174, %get3A_175] : memref<1x64xf32, #tpu.memory_space<vmem>>, vector<1x64xf32>
    %add3A_177 = vector.broadcast %get3A_176 : vector<1x64xf32> to vector<1024x64xf32>
    %add3A_178 = arith.addf %dot_general3A_173, %add3A_177 : vector<1024x64xf32>
    %reduce_max3A_179 = arith.constant dense<0xFF800000> : vector<1024xf32>
    %reduce_max3A_180 = vector.multi_reduction <maximumf>, %add3A_178, %reduce_max3A_179 [1] : vector<1024x64xf32> to vector<1024xf32>
    %broadcast_in_dim3A_181 = vector.shape_cast %reduce_max3A_180 : vector<1024xf32> to vector<1024x1xf32>
    %sub3A_182 = vector.broadcast %broadcast_in_dim3A_181 : vector<1024x1xf32> to vector<1024x64xf32>
    %sub3A_183 = arith.subf %add3A_178, %sub3A_182 : vector<1024x64xf32>
    %exp3A_184 = math.exp %sub3A_183 : vector<1024x64xf32>
    %reduce_sum3A_185 = arith.constant dense<0.000000e+00> : vector<1024xf32>
    %reduce_sum3A_186 = vector.multi_reduction <add>, %exp3A_184, %reduce_sum3A_185 [1] : vector<1024x64xf32> to vector<1024xf32>
    %broadcast_in_dim3A_187 = vector.shape_cast %reduce_sum3A_186 : vector<1024xf32> to vector<1024x1xf32>
    %div3A_188 = vector.broadcast %broadcast_in_dim3A_187 : vector<1024x1xf32> to vector<1024x64xf32>
    %div3A_189 = arith.divf %exp3A_184, %div3A_188 : vector<1024x64xf32>
    %slice3A_190 = vector.extract_strided_slice %max3A_53 {offsets = [0, 192], sizes = [1024, 64], strides = [1, 1]} : vector<1024x256xf32> to vector<1024x64xf32>
    %slice3A_191 = vector.extract_strided_slice %max3A_66 {offsets = [0, 192], sizes = [1024, 64], strides = [1, 1]} : vector<1024x256xf32> to vector<1024x64xf32>
    %concatenate3A_192 = tpu.concatenate %slice3A_190, %slice3A_191 in 1 : vector<1024x64xf32>, vector<1024x64xf32> -> vector<1024x128xf32>
    %get3A_193 = arith.constant 0 : index
    %get3A_194 = arith.constant 0 : index
    %get3A_195 = vector.load %arg14[%get3A_193, %get3A_194] : memref<128x128xbf16, #tpu.memory_space<vmem>>, vector<128x128xbf16>
    %convert_element_type3A_196 = arith.truncf %concatenate3A_192 : vector<1024x128xf32> to vector<1024x128xbf16>
    %dot_general3A_197 = arith.constant dense<0.000000e+00> : vector<1024x128xf32>
    %dot_general3A_198 = tpu.matmul %convert_element_type3A_196, %get3A_195, %dot_general3A_197 {dimension_numbers = #tpu.dot_dimension_numbers<[1], [0], [0], [1], [0, 0, 1, 1], [], []>, transpose_lhs_hint = false} : vector<1024x128xbf16>, vector<128x128xbf16>, vector<1024x128xf32> -> vector<1024x128xf32>
    %get3A_199 = arith.constant 0 : index
    %get3A_200 = arith.constant 0 : index
    %get3A_201 = vector.load %arg15[%get3A_199, %get3A_200] : memref<1x128xf32, #tpu.memory_space<vmem>>, vector<1x128xf32>
    %add3A_202 = vector.broadcast %get3A_201 : vector<1x128xf32> to vector<1024x128xf32>
    %add3A_203 = arith.addf %dot_general3A_198, %add3A_202 : vector<1024x128xf32>
    %max3A_204 = arith.constant 0.000000e+00 : f32
    %max3A_205 = vector.broadcast %max3A_204 : f32 to vector<1024x128xf32>
    %max3A_206 = arith.maximumf %add3A_203, %max3A_205 : vector<1024x128xf32>
    %get3A_207 = arith.constant 0 : index
    %get3A_208 = arith.constant 0 : index
    %get3A_209 = vector.load %arg16[%get3A_207, %get3A_208] : memref<128x64xbf16, #tpu.memory_space<vmem>>, vector<128x64xbf16>
    %convert_element_type3A_210 = arith.truncf %max3A_206 : vector<1024x128xf32> to vector<1024x128xbf16>
    %dot_general3A_211 = arith.constant dense<0.000000e+00> : vector<1024x64xf32>
    %dot_general3A_212 = tpu.matmul %convert_element_type3A_210, %get3A_209, %dot_general3A_211 {dimension_numbers = #tpu.dot_dimension_numbers<[1], [0], [0], [1], [0, 0, 1, 1], [], []>, transpose_lhs_hint = false} : vector<1024x128xbf16>, vector<128x64xbf16>, vector<1024x64xf32> -> vector<1024x64xf32>
    %get3A_213 = arith.constant 0 : index
    %get3A_214 = arith.constant 0 : index
    %get3A_215 = vector.load %arg17[%get3A_213, %get3A_214] : memref<1x64xf32, #tpu.memory_space<vmem>>, vector<1x64xf32>
    %add3A_216 = vector.broadcast %get3A_215 : vector<1x64xf32> to vector<1024x64xf32>
    %add3A_217 = arith.addf %dot_general3A_212, %add3A_216 : vector<1024x64xf32>
    %reduce_max3A_218 = arith.constant dense<0xFF800000> : vector<1024xf32>
    %reduce_max3A_219 = vector.multi_reduction <maximumf>, %add3A_217, %reduce_max3A_218 [1] : vector<1024x64xf32> to vector<1024xf32>
    %broadcast_in_dim3A_220 = vector.shape_cast %reduce_max3A_219 : vector<1024xf32> to vector<1024x1xf32>
    %sub3A_221 = vector.broadcast %broadcast_in_dim3A_220 : vector<1024x1xf32> to vector<1024x64xf32>
    %sub3A_222 = arith.subf %add3A_217, %sub3A_221 : vector<1024x64xf32>
    %exp3A_223 = math.exp %sub3A_222 : vector<1024x64xf32>
    %reduce_sum3A_224 = arith.constant dense<0.000000e+00> : vector<1024xf32>
    %reduce_sum3A_225 = vector.multi_reduction <add>, %exp3A_223, %reduce_sum3A_224 [1] : vector<1024x64xf32> to vector<1024xf32>
    %broadcast_in_dim3A_226 = vector.shape_cast %reduce_sum3A_225 : vector<1024xf32> to vector<1024x1xf32>
    %div3A_227 = vector.broadcast %broadcast_in_dim3A_226 : vector<1024x1xf32> to vector<1024x64xf32>
    %div3A_228 = arith.divf %exp3A_223, %div3A_227 : vector<1024x64xf32>
    %concatenate3A_229 = tpu.concatenate %div3A_111, %div3A_150, %div3A_189, %div3A_228 in 1 : vector<1024x64xf32>, vector<1024x64xf32>, vector<1024x64xf32>, vector<1024x64xf32> -> vector<1024x256xf32>
    %mul3A = arith.mulf %concatenate3A_229, %max3A_79 : vector<1024x256xf32>
    %swap3A_230 = arith.constant 0 : index
    %swap3A_231 = arith.constant 0 : index
    %swap3A_232 = vector.load %arg21[%swap3A_230, %swap3A_231] : memref<1024x256xf32, #tpu.memory_space<vmem>>, vector<1024x256xf32>
    tpu.vector_store %arg21[%swap3A_230, %swap3A_231], %mul3A {strides = array<i32>} : memref<1024x256xf32, #tpu.memory_space<vmem>>, vector<1024x256xf32>,
    %convert_element_type3A_233 = arith.truncf %concatenate3A_229 : vector<1024x256xf32> to vector<1024x256xbf16>
    %get3A_234 = arith.constant 0 : index
    %get3A_235 = arith.constant 0 : index
    %get3A_236 = vector.load %arg18[%get3A_234, %get3A_235] : memref<256x256xbf16, #tpu.memory_space<vmem>>, vector<256x256xbf16>
    %dot_general3A_237 = arith.constant dense<0.000000e+00> : vector<1024x256xf32>
    %dot_general3A_238 = tpu.matmul %convert_element_type3A_233, %get3A_236, %dot_general3A_237 {dimension_numbers = #tpu.dot_dimension_numbers<[1], [0], [0], [1], [0, 0, 1, 1], [], []>, transpose_lhs_hint = false} : vector<1024x256xbf16>, vector<256x256xbf16>, vector<1024x256xf32> -> vector<1024x256xf32>
    %swap3A_239 = arith.constant 0 : index
    %swap3A_240 = arith.constant 0 : index
    %swap3A_241 = vector.load %arg20[%swap3A_239, %swap3A_240] : memref<1024x256xf32, #tpu.memory_space<vmem>>, vector<1024x256xf32>
    tpu.vector_store %arg20[%swap3A_239, %swap3A_240], %dot_general3A_238 {strides = array<i32>} : memref<1024x256xf32, #tpu.memory_space<vmem>>, vector<1024x256xf32>,
    return
  }
  func.func @transform_0(%arg0: i32) -> (i32, i32) {
    %c0_i32 = arith.constant 0 : i32
    %c0_i32_0 = arith.constant 0 : i32
    return %arg0, %c0_i32 : i32, i32
  }
  func.func @transform_1(%arg0: i32) -> (i32, i32) {
    %add3A = arith.constant 16 : i32
    %add3A_0 = arith.addi %arg0, %add3A : i32
    %c0_i32 = arith.constant 0 : i32
    %c0_i32_1 = arith.constant 0 : i32
    return %add3A_0, %c0_i32 : i32, i32
  }
  func.func @transform_2(%arg0: i32) -> (i32, i32) {
    %c0_i32 = arith.constant 0 : i32
    %c0_i32_0 = arith.constant 0 : i32
    return %arg0, %c0_i32 : i32, i32
  }
  func.func @transform_3(%arg0: i32) -> (i32, i32) {
    %c0_i32 = arith.constant 0 : i32
    %c0_i32_0 = arith.constant 0 : i32
    %c0_i32_1 = arith.constant 0 : i32
    return %c0_i32, %c0_i32_0 : i32, i32
  }
  func.func @transform_4(%arg0: i32) -> (i32, i32) {
    %c0_i32 = arith.constant 0 : i32
    %c0_i32_0 = arith.constant 0 : i32
    %c0_i32_1 = arith.constant 0 : i32
    return %c0_i32, %c0_i32_0 : i32, i32
  }
  func.func @transform_5(%arg0: i32) -> (i32, i32) {
    %c0_i32 = arith.constant 0 : i32
    %c0_i32_0 = arith.constant 0 : i32
    %c0_i32_1 = arith.constant 0 : i32
    return %c0_i32, %c0_i32_0 : i32, i32
  }
  func.func @transform_6(%arg0: i32) -> (i32, i32) {
    %c0_i32 = arith.constant 0 : i32
    %c0_i32_0 = arith.constant 0 : i32
    %c0_i32_1 = arith.constant 0 : i32
    return %c0_i32, %c0_i32_0 : i32, i32
  }
  func.func @transform_7(%arg0: i32) -> (i32, i32) {
    %c0_i32 = arith.constant 0 : i32
    %c0_i32_0 = arith.constant 0 : i32
    %c0_i32_1 = arith.constant 0 : i32
    return %c0_i32, %c0_i32_0 : i32, i32
  }
  func.func @transform_8(%arg0: i32) -> (i32, i32) {
    %c0_i32 = arith.constant 0 : i32
    %c0_i32_0 = arith.constant 0 : i32
    %c0_i32_1 = arith.constant 0 : i32
    return %c0_i32, %c0_i32_0 : i32, i32
  }
  func.func @transform_9(%arg0: i32) -> (i32, i32) {
    %c0_i32 = arith.constant 0 : i32
    %c0_i32_0 = arith.constant 0 : i32
    %c0_i32_1 = arith.constant 0 : i32
    return %c0_i32, %c0_i32_0 : i32, i32
  }
  func.func @transform_10(%arg0: i32) -> (i32, i32) {
    %c0_i32 = arith.constant 0 : i32
    %c0_i32_0 = arith.constant 0 : i32
    %c0_i32_1 = arith.constant 0 : i32
    return %c0_i32, %c0_i32_0 : i32, i32
  }
  func.func @transform_11(%arg0: i32) -> (i32, i32) {
    %c0_i32 = arith.constant 0 : i32
    %c0_i32_0 = arith.constant 0 : i32
    %c0_i32_1 = arith.constant 0 : i32
    return %c0_i32, %c0_i32_0 : i32, i32
  }
  func.func @transform_12(%arg0: i32) -> (i32, i32) {
    %c0_i32 = arith.constant 0 : i32
    %c0_i32_0 = arith.constant 0 : i32
    %c0_i32_1 = arith.constant 0 : i32
    return %c0_i32, %c0_i32_0 : i32, i32
  }
  func.func @transform_13(%arg0: i32) -> (i32, i32) {
    %c0_i32 = arith.constant 0 : i32
    %c0_i32_0 = arith.constant 0 : i32
    %c0_i32_1 = arith.constant 0 : i32
    return %c0_i32, %c0_i32_0 : i32, i32
  }
  func.func @transform_14(%arg0: i32) -> (i32, i32) {
    %c0_i32 = arith.constant 0 : i32
    %c0_i32_0 = arith.constant 0 : i32
    %c0_i32_1 = arith.constant 0 : i32
    return %c0_i32, %c0_i32_0 : i32, i32
  }
  func.func @transform_15(%arg0: i32) -> (i32, i32) {
    %c0_i32 = arith.constant 0 : i32
    %c0_i32_0 = arith.constant 0 : i32
    %c0_i32_1 = arith.constant 0 : i32
    return %c0_i32, %c0_i32_0 : i32, i32
  }
  func.func @transform_16(%arg0: i32) -> (i32, i32) {
    %c0_i32 = arith.constant 0 : i32
    %c0_i32_0 = arith.constant 0 : i32
    %c0_i32_1 = arith.constant 0 : i32
    return %c0_i32, %c0_i32_0 : i32, i32
  }
  func.func @transform_17(%arg0: i32) -> (i32, i32) {
    %c0_i32 = arith.constant 0 : i32
    %c0_i32_0 = arith.constant 0 : i32
    %c0_i32_1 = arith.constant 0 : i32
    return %c0_i32, %c0_i32_0 : i32, i32
  }
  func.func @transform_18(%arg0: i32) -> (i32, i32) {
    %c0_i32 = arith.constant 0 : i32
    %c0_i32_0 = arith.constant 0 : i32
    return %arg0, %c0_i32 : i32, i32
  }
  func.func @transform_19(%arg0: i32) -> (i32, i32) {
    %c0_i32 = arith.constant 0 : i32
    %c0_i32_0 = arith.constant 0 : i32
    return %arg0, %c0_i32 : i32, i32
  }
  func.func @transform_20(%arg0: i32) -> (i32, i32) {
    %c0_i32 = arith.constant 0 : i32
    %c0_i32_0 = arith.constant 0 : i32
    return %arg0, %c0_i32 : i32, i32
  }
}

module attributes {stable_mosaic.version = 14 : i64} {
  func.func @_seg_body(%arg0: i32, %arg1: memref<16384xi32, #tpu.memory_space<smem>>, %arg2: memref<1024x256xf32, #tpu.memory_space<vmem>>, %arg3: memref<1024x256xf32, #tpu.memory_space<vmem>>, %arg4: memref<256x512xf32, #tpu.memory_space<vmem>>, %arg5: memref<256x512xf32, #tpu.memory_space<vmem>>, %arg6: memref<1x512xf32, #tpu.memory_space<vmem>>, %arg7: memref<512x256xf32, #tpu.memory_space<vmem>>, %arg8: memref<1x256xf32, #tpu.memory_space<vmem>>, %arg9: memref<1024x256xf32, #tpu.memory_space<vmem>>, %arg10: memref<1024x256xf32, #tpu.memory_space<vmem>>, %arg11: memref<1024x256xf32, #tpu.memory_space<vmem>>, %arg12: memref<1024x256xf32, #tpu.memory_space<vmem>>, %arg13: memref<1024x256xf32, #tpu.memory_space<vmem>>, %arg14: memref<1024x256xf32, #tpu.memory_space<vmem>>, %arg15: memref<1024x256xf32, #tpu.memory_space<vmem>>, %arg16: memref<1024x256xf32, #tpu.memory_space<vmem>>, %arg17: memref<1024x256xf32, #tpu.memory_space<vmem>>, %arg18: memref<1024x256xf32, #tpu.memory_space<vmem>>, %arg19: memref<1024x256xf32, #tpu.memory_space<vmem>>, %arg20: memref<1024x256xf32, #tpu.memory_space<vmem>>, %arg21: memref<1024x256xf32, #tpu.memory_space<vmem>>, %arg22: memref<1024x256xf32, #tpu.memory_space<vmem>>, %arg23: memref<1024x256xf32, #tpu.memory_space<vmem>>, %arg24: memref<1024x256xf32, #tpu.memory_space<vmem>>, %arg25: memref<1024x256xf32, #tpu.memory_space<vmem>>) attributes {dimension_semantics = [#tpu.dimension_semantics<arbitrary>], iteration_bounds = array<i64: 16>, scalar_prefetch = 1 : i64, scratch_operands = 16 : i64, tpu.core_type = #tpu.core_type<tc>, window_params = [{transform_indices = @transform_0, window_bounds = array<i64: 1024, 256>}, {pipeline_mode = #tpu.pipeline_mode<synchronous>, transform_indices = @transform_1, window_bounds = array<i64: 1024, 256>}, {pipeline_mode = #tpu.pipeline_mode<synchronous>, transform_indices = @transform_2, window_bounds = array<i64: 256, 512>}, {pipeline_mode = #tpu.pipeline_mode<synchronous>, transform_indices = @transform_3, window_bounds = array<i64: 256, 512>}, {pipeline_mode = #tpu.pipeline_mode<synchronous>, transform_indices = @transform_4, window_bounds = array<i64: 1, 512>}, {pipeline_mode = #tpu.pipeline_mode<synchronous>, transform_indices = @transform_5, window_bounds = array<i64: 512, 256>}, {pipeline_mode = #tpu.pipeline_mode<synchronous>, transform_indices = @transform_6, window_bounds = array<i64: 1, 256>}, {pipeline_mode = #tpu.pipeline_mode<synchronous>, transform_indices = @transform_7, window_bounds = array<i64: 1024, 256>}]} {
    %eq3A = arith.constant 0 : i32
    %eq3A_0 = arith.cmpi eq, %arg0, %eq3A : i32
    %convert_element_type3A = arith.extui %eq3A_0 : i1 to i32
    %cond3A = arith.constant 0 : i32
    %cond3A_1 = arith.cmpi ne, %convert_element_type3A, %cond3A : i32
    scf.if %cond3A_1 {
      %broadcast_in_dim3A = arith.constant 0.000000e+00 : f32
      %broadcast_in_dim3A_12 = vector.broadcast %broadcast_in_dim3A : f32 to vector<1024x256xf32>
      %swap3A = arith.constant 0 : index
      %swap3A_13 = arith.constant 0 : index
      %swap3A_14 = vector.load %arg10[%swap3A, %swap3A_13] : memref<1024x256xf32, #tpu.memory_space<vmem>>, vector<1024x256xf32>
      tpu.vector_store %arg10[%swap3A, %swap3A_13], %broadcast_in_dim3A_12 {strides = array<i32>} : memref<1024x256xf32, #tpu.memory_space<vmem>>, vector<1024x256xf32>,
      %broadcast_in_dim3A_15 = arith.constant 0.000000e+00 : f32
      %broadcast_in_dim3A_16 = vector.broadcast %broadcast_in_dim3A_15 : f32 to vector<1024x256xf32>
      %swap3A_17 = arith.constant 0 : index
      %swap3A_18 = arith.constant 0 : index
      %swap3A_19 = vector.load %arg11[%swap3A_17, %swap3A_18] : memref<1024x256xf32, #tpu.memory_space<vmem>>, vector<1024x256xf32>
      tpu.vector_store %arg11[%swap3A_17, %swap3A_18], %broadcast_in_dim3A_16 {strides = array<i32>} : memref<1024x256xf32, #tpu.memory_space<vmem>>, vector<1024x256xf32>,
      %broadcast_in_dim3A_20 = arith.constant 0.000000e+00 : f32
      %broadcast_in_dim3A_21 = vector.broadcast %broadcast_in_dim3A_20 : f32 to vector<1024x256xf32>
      %swap3A_22 = arith.constant 0 : index
      %swap3A_23 = arith.constant 0 : index
      %swap3A_24 = vector.load %arg12[%swap3A_22, %swap3A_23] : memref<1024x256xf32, #tpu.memory_space<vmem>>, vector<1024x256xf32>
      tpu.vector_store %arg12[%swap3A_22, %swap3A_23], %broadcast_in_dim3A_21 {strides = array<i32>} : memref<1024x256xf32, #tpu.memory_space<vmem>>, vector<1024x256xf32>,
      %broadcast_in_dim3A_25 = arith.constant 0.000000e+00 : f32
      %broadcast_in_dim3A_26 = vector.broadcast %broadcast_in_dim3A_25 : f32 to vector<1024x256xf32>
      %swap3A_27 = arith.constant 0 : index
      %swap3A_28 = arith.constant 0 : index
      %swap3A_29 = vector.load %arg13[%swap3A_27, %swap3A_28] : memref<1024x256xf32, #tpu.memory_space<vmem>>, vector<1024x256xf32>
      tpu.vector_store %arg13[%swap3A_27, %swap3A_28], %broadcast_in_dim3A_26 {strides = array<i32>} : memref<1024x256xf32, #tpu.memory_space<vmem>>, vector<1024x256xf32>,
      %broadcast_in_dim3A_30 = arith.constant 0.000000e+00 : f32
      %broadcast_in_dim3A_31 = vector.broadcast %broadcast_in_dim3A_30 : f32 to vector<1024x256xf32>
      %swap3A_32 = arith.constant 0 : index
      %swap3A_33 = arith.constant 0 : index
      %swap3A_34 = vector.load %arg14[%swap3A_32, %swap3A_33] : memref<1024x256xf32, #tpu.memory_space<vmem>>, vector<1024x256xf32>
      tpu.vector_store %arg14[%swap3A_32, %swap3A_33], %broadcast_in_dim3A_31 {strides = array<i32>} : memref<1024x256xf32, #tpu.memory_space<vmem>>, vector<1024x256xf32>,
      %broadcast_in_dim3A_35 = arith.constant 0.000000e+00 : f32
      %broadcast_in_dim3A_36 = vector.broadcast %broadcast_in_dim3A_35 : f32 to vector<1024x256xf32>
      %swap3A_37 = arith.constant 0 : index
      %swap3A_38 = arith.constant 0 : index
      %swap3A_39 = vector.load %arg15[%swap3A_37, %swap3A_38] : memref<1024x256xf32, #tpu.memory_space<vmem>>, vector<1024x256xf32>
      tpu.vector_store %arg15[%swap3A_37, %swap3A_38], %broadcast_in_dim3A_36 {strides = array<i32>} : memref<1024x256xf32, #tpu.memory_space<vmem>>, vector<1024x256xf32>,
      %broadcast_in_dim3A_40 = arith.constant 0.000000e+00 : f32
      %broadcast_in_dim3A_41 = vector.broadcast %broadcast_in_dim3A_40 : f32 to vector<1024x256xf32>
      %swap3A_42 = arith.constant 0 : index
      %swap3A_43 = arith.constant 0 : index
      %swap3A_44 = vector.load %arg16[%swap3A_42, %swap3A_43] : memref<1024x256xf32, #tpu.memory_space<vmem>>, vector<1024x256xf32>
      tpu.vector_store %arg16[%swap3A_42, %swap3A_43], %broadcast_in_dim3A_41 {strides = array<i32>} : memref<1024x256xf32, #tpu.memory_space<vmem>>, vector<1024x256xf32>,
      %broadcast_in_dim3A_45 = arith.constant 0.000000e+00 : f32
      %broadcast_in_dim3A_46 = vector.broadcast %broadcast_in_dim3A_45 : f32 to vector<1024x256xf32>
      %swap3A_47 = arith.constant 0 : index
      %swap3A_48 = arith.constant 0 : index
      %swap3A_49 = vector.load %arg17[%swap3A_47, %swap3A_48] : memref<1024x256xf32, #tpu.memory_space<vmem>>, vector<1024x256xf32>
      tpu.vector_store %arg17[%swap3A_47, %swap3A_48], %broadcast_in_dim3A_46 {strides = array<i32>} : memref<1024x256xf32, #tpu.memory_space<vmem>>, vector<1024x256xf32>,
      %broadcast_in_dim3A_50 = arith.constant 0.000000e+00 : f32
      %broadcast_in_dim3A_51 = vector.broadcast %broadcast_in_dim3A_50 : f32 to vector<1024x256xf32>
      %swap3A_52 = arith.constant 0 : index
      %swap3A_53 = arith.constant 0 : index
      %swap3A_54 = vector.load %arg18[%swap3A_52, %swap3A_53] : memref<1024x256xf32, #tpu.memory_space<vmem>>, vector<1024x256xf32>
      tpu.vector_store %arg18[%swap3A_52, %swap3A_53], %broadcast_in_dim3A_51 {strides = array<i32>} : memref<1024x256xf32, #tpu.memory_space<vmem>>, vector<1024x256xf32>,
      %broadcast_in_dim3A_55 = arith.constant 0.000000e+00 : f32
      %broadcast_in_dim3A_56 = vector.broadcast %broadcast_in_dim3A_55 : f32 to vector<1024x256xf32>
      %swap3A_57 = arith.constant 0 : index
      %swap3A_58 = arith.constant 0 : index
      %swap3A_59 = vector.load %arg19[%swap3A_57, %swap3A_58] : memref<1024x256xf32, #tpu.memory_space<vmem>>, vector<1024x256xf32>
      tpu.vector_store %arg19[%swap3A_57, %swap3A_58], %broadcast_in_dim3A_56 {strides = array<i32>} : memref<1024x256xf32, #tpu.memory_space<vmem>>, vector<1024x256xf32>,
      %broadcast_in_dim3A_60 = arith.constant 0.000000e+00 : f32
      %broadcast_in_dim3A_61 = vector.broadcast %broadcast_in_dim3A_60 : f32 to vector<1024x256xf32>
      %swap3A_62 = arith.constant 0 : index
      %swap3A_63 = arith.constant 0 : index
      %swap3A_64 = vector.load %arg20[%swap3A_62, %swap3A_63] : memref<1024x256xf32, #tpu.memory_space<vmem>>, vector<1024x256xf32>
      tpu.vector_store %arg20[%swap3A_62, %swap3A_63], %broadcast_in_dim3A_61 {strides = array<i32>} : memref<1024x256xf32, #tpu.memory_space<vmem>>, vector<1024x256xf32>,
      %broadcast_in_dim3A_65 = arith.constant 0.000000e+00 : f32
      %broadcast_in_dim3A_66 = vector.broadcast %broadcast_in_dim3A_65 : f32 to vector<1024x256xf32>
      %swap3A_67 = arith.constant 0 : index
      %swap3A_68 = arith.constant 0 : index
      %swap3A_69 = vector.load %arg21[%swap3A_67, %swap3A_68] : memref<1024x256xf32, #tpu.memory_space<vmem>>, vector<1024x256xf32>
      tpu.vector_store %arg21[%swap3A_67, %swap3A_68], %broadcast_in_dim3A_66 {strides = array<i32>} : memref<1024x256xf32, #tpu.memory_space<vmem>>, vector<1024x256xf32>,
      %broadcast_in_dim3A_70 = arith.constant 0.000000e+00 : f32
      %broadcast_in_dim3A_71 = vector.broadcast %broadcast_in_dim3A_70 : f32 to vector<1024x256xf32>
      %swap3A_72 = arith.constant 0 : index
      %swap3A_73 = arith.constant 0 : index
      %swap3A_74 = vector.load %arg22[%swap3A_72, %swap3A_73] : memref<1024x256xf32, #tpu.memory_space<vmem>>, vector<1024x256xf32>
      tpu.vector_store %arg22[%swap3A_72, %swap3A_73], %broadcast_in_dim3A_71 {strides = array<i32>} : memref<1024x256xf32, #tpu.memory_space<vmem>>, vector<1024x256xf32>,
      %broadcast_in_dim3A_75 = arith.constant 0.000000e+00 : f32
      %broadcast_in_dim3A_76 = vector.broadcast %broadcast_in_dim3A_75 : f32 to vector<1024x256xf32>
      %swap3A_77 = arith.constant 0 : index
      %swap3A_78 = arith.constant 0 : index
      %swap3A_79 = vector.load %arg23[%swap3A_77, %swap3A_78] : memref<1024x256xf32, #tpu.memory_space<vmem>>, vector<1024x256xf32>
      tpu.vector_store %arg23[%swap3A_77, %swap3A_78], %broadcast_in_dim3A_76 {strides = array<i32>} : memref<1024x256xf32, #tpu.memory_space<vmem>>, vector<1024x256xf32>,
      %broadcast_in_dim3A_80 = arith.constant 0.000000e+00 : f32
      %broadcast_in_dim3A_81 = vector.broadcast %broadcast_in_dim3A_80 : f32 to vector<1024x256xf32>
      %swap3A_82 = arith.constant 0 : index
      %swap3A_83 = arith.constant 0 : index
      %swap3A_84 = vector.load %arg24[%swap3A_82, %swap3A_83] : memref<1024x256xf32, #tpu.memory_space<vmem>>, vector<1024x256xf32>
      tpu.vector_store %arg24[%swap3A_82, %swap3A_83], %broadcast_in_dim3A_81 {strides = array<i32>} : memref<1024x256xf32, #tpu.memory_space<vmem>>, vector<1024x256xf32>,
      %broadcast_in_dim3A_85 = arith.constant 0.000000e+00 : f32
      %broadcast_in_dim3A_86 = vector.broadcast %broadcast_in_dim3A_85 : f32 to vector<1024x256xf32>
      %swap3A_87 = arith.constant 0 : index
      %swap3A_88 = arith.constant 0 : index
      %swap3A_89 = vector.load %arg25[%swap3A_87, %swap3A_88] : memref<1024x256xf32, #tpu.memory_space<vmem>>, vector<1024x256xf32>
      tpu.vector_store %arg25[%swap3A_87, %swap3A_88], %broadcast_in_dim3A_86 {strides = array<i32>} : memref<1024x256xf32, #tpu.memory_space<vmem>>, vector<1024x256xf32>,
    } else {
    }
    %mul3A = arith.constant 1024 : i32
    %mul3A_2 = arith.muli %arg0, %mul3A : i32
    %scan3A = arith.constant 0 : i32
    %scan3A_3 = arith.constant 64 : i32
    %scan3A_4 = arith.addi %scan3A, %scan3A_3 : i32
    %scan3A_5 = arith.constant 1 : i32
    scf.for %scan3A_12 = %scan3A to %scan3A_4 step %scan3A_5  : i32 {
      %mul3A_13 = arith.constant 16 : i32
      %mul3A_14 = arith.muli %scan3A_12, %mul3A_13 : i32
      %add3A = arith.addi %mul3A_2, %mul3A_14 : i32
      %add3A_15 = arith.constant 0 : i32
      %add3A_16 = arith.addi %add3A, %add3A_15 : i32
      %get3A = arith.index_cast %add3A_16 : i32 to index
      %get3A_17 = memref.load %arg1[%get3A] : memref<16384xi32, #tpu.memory_space<smem>>
      %get3A_18 = arith.index_cast %get3A_17 : i32 to index
      %get3A_19 = arith.constant 0 : index
      %get3A_20 = vector.load %arg10[%get3A_18, %get3A_19] : memref<1024x256xf32, #tpu.memory_space<vmem>>, vector<1x256xf32>
      %add3A_21 = arith.constant 0 : i32
      %add3A_22 = arith.addi %mul3A_14, %add3A_21 : i32
      %get3A_23 = arith.index_cast %add3A_22 : i32 to index
      %get3A_24 = arith.constant 0 : index
      %get3A_25 = vector.load %arg2[%get3A_23, %get3A_24] : memref<1024x256xf32, #tpu.memory_space<vmem>>, vector<1x256xf32>
      %max3A = arith.maximumf %get3A_20, %get3A_25 : vector<1x256xf32>
      %swap3A = arith.index_cast %get3A_17 : i32 to index
      %swap3A_26 = arith.constant 0 : index
      %swap3A_27 = vector.load %arg10[%swap3A, %swap3A_26] : memref<1024x256xf32, #tpu.memory_space<vmem>>, vector<1x256xf32>
      tpu.vector_store %arg10[%swap3A, %swap3A_26], %max3A {strides = array<i32>} : memref<1024x256xf32, #tpu.memory_space<vmem>>, vector<1x256xf32>,
      %add3A_28 = arith.addi %mul3A_2, %mul3A_14 : i32
      %add3A_29 = arith.constant 1 : i32
      %add3A_30 = arith.addi %add3A_28, %add3A_29 : i32
      %get3A_31 = arith.index_cast %add3A_30 : i32 to index
      %get3A_32 = memref.load %arg1[%get3A_31] : memref<16384xi32, #tpu.memory_space<smem>>
      %get3A_33 = arith.index_cast %get3A_32 : i32 to index
      %get3A_34 = arith.constant 0 : index
      %get3A_35 = vector.load %arg11[%get3A_33, %get3A_34] : memref<1024x256xf32, #tpu.memory_space<vmem>>, vector<1x256xf32>
      %add3A_36 = arith.constant 1 : i32
      %add3A_37 = arith.addi %mul3A_14, %add3A_36 : i32
      %get3A_38 = arith.index_cast %add3A_37 : i32 to index
      %get3A_39 = arith.constant 0 : index
      %get3A_40 = vector.load %arg2[%get3A_38, %get3A_39] : memref<1024x256xf32, #tpu.memory_space<vmem>>, vector<1x256xf32>
      %max3A_41 = arith.maximumf %get3A_35, %get3A_40 : vector<1x256xf32>
      %swap3A_42 = arith.index_cast %get3A_32 : i32 to index
      %swap3A_43 = arith.constant 0 : index
      %swap3A_44 = vector.load %arg11[%swap3A_42, %swap3A_43] : memref<1024x256xf32, #tpu.memory_space<vmem>>, vector<1x256xf32>
      tpu.vector_store %arg11[%swap3A_42, %swap3A_43], %max3A_41 {strides = array<i32>} : memref<1024x256xf32, #tpu.memory_space<vmem>>, vector<1x256xf32>,
      %add3A_45 = arith.addi %mul3A_2, %mul3A_14 : i32
      %add3A_46 = arith.constant 2 : i32
      %add3A_47 = arith.addi %add3A_45, %add3A_46 : i32
      %get3A_48 = arith.index_cast %add3A_47 : i32 to index
      %get3A_49 = memref.load %arg1[%get3A_48] : memref<16384xi32, #tpu.memory_space<smem>>
      %get3A_50 = arith.index_cast %get3A_49 : i32 to index
      %get3A_51 = arith.constant 0 : index
      %get3A_52 = vector.load %arg12[%get3A_50, %get3A_51] : memref<1024x256xf32, #tpu.memory_space<vmem>>, vector<1x256xf32>
      %add3A_53 = arith.constant 2 : i32
      %add3A_54 = arith.addi %mul3A_14, %add3A_53 : i32
      %get3A_55 = arith.index_cast %add3A_54 : i32 to index
      %get3A_56 = arith.constant 0 : index
      %get3A_57 = vector.load %arg2[%get3A_55, %get3A_56] : memref<1024x256xf32, #tpu.memory_space<vmem>>, vector<1x256xf32>
      %max3A_58 = arith.maximumf %get3A_52, %get3A_57 : vector<1x256xf32>
      %swap3A_59 = arith.index_cast %get3A_49 : i32 to index
      %swap3A_60 = arith.constant 0 : index
      %swap3A_61 = vector.load %arg12[%swap3A_59, %swap3A_60] : memref<1024x256xf32, #tpu.memory_space<vmem>>, vector<1x256xf32>
      tpu.vector_store %arg12[%swap3A_59, %swap3A_60], %max3A_58 {strides = array<i32>} : memref<1024x256xf32, #tpu.memory_space<vmem>>, vector<1x256xf32>,
      %add3A_62 = arith.addi %mul3A_2, %mul3A_14 : i32
      %add3A_63 = arith.constant 3 : i32
      %add3A_64 = arith.addi %add3A_62, %add3A_63 : i32
      %get3A_65 = arith.index_cast %add3A_64 : i32 to index
      %get3A_66 = memref.load %arg1[%get3A_65] : memref<16384xi32, #tpu.memory_space<smem>>
      %get3A_67 = arith.index_cast %get3A_66 : i32 to index
      %get3A_68 = arith.constant 0 : index
      %get3A_69 = vector.load %arg13[%get3A_67, %get3A_68] : memref<1024x256xf32, #tpu.memory_space<vmem>>, vector<1x256xf32>
      %add3A_70 = arith.constant 3 : i32
      %add3A_71 = arith.addi %mul3A_14, %add3A_70 : i32
      %get3A_72 = arith.index_cast %add3A_71 : i32 to index
      %get3A_73 = arith.constant 0 : index
      %get3A_74 = vector.load %arg2[%get3A_72, %get3A_73] : memref<1024x256xf32, #tpu.memory_space<vmem>>, vector<1x256xf32>
      %max3A_75 = arith.maximumf %get3A_69, %get3A_74 : vector<1x256xf32>
      %swap3A_76 = arith.index_cast %get3A_66 : i32 to index
      %swap3A_77 = arith.constant 0 : index
      %swap3A_78 = vector.load %arg13[%swap3A_76, %swap3A_77] : memref<1024x256xf32, #tpu.memory_space<vmem>>, vector<1x256xf32>
      tpu.vector_store %arg13[%swap3A_76, %swap3A_77], %max3A_75 {strides = array<i32>} : memref<1024x256xf32, #tpu.memory_space<vmem>>, vector<1x256xf32>,
      %add3A_79 = arith.addi %mul3A_2, %mul3A_14 : i32
      %add3A_80 = arith.constant 4 : i32
      %add3A_81 = arith.addi %add3A_79, %add3A_80 : i32
      %get3A_82 = arith.index_cast %add3A_81 : i32 to index
      %get3A_83 = memref.load %arg1[%get3A_82] : memref<16384xi32, #tpu.memory_space<smem>>
      %get3A_84 = arith.index_cast %get3A_83 : i32 to index
      %get3A_85 = arith.constant 0 : index
      %get3A_86 = vector.load %arg14[%get3A_84, %get3A_85] : memref<1024x256xf32, #tpu.memory_space<vmem>>, vector<1x256xf32>
      %add3A_87 = arith.constant 4 : i32
      %add3A_88 = arith.addi %mul3A_14, %add3A_87 : i32
      %get3A_89 = arith.index_cast %add3A_88 : i32 to index
      %get3A_90 = arith.constant 0 : index
      %get3A_91 = vector.load %arg2[%get3A_89, %get3A_90] : memref<1024x256xf32, #tpu.memory_space<vmem>>, vector<1x256xf32>
      %max3A_92 = arith.maximumf %get3A_86, %get3A_91 : vector<1x256xf32>
      %swap3A_93 = arith.index_cast %get3A_83 : i32 to index
      %swap3A_94 = arith.constant 0 : index
      %swap3A_95 = vector.load %arg14[%swap3A_93, %swap3A_94] : memref<1024x256xf32, #tpu.memory_space<vmem>>, vector<1x256xf32>
      tpu.vector_store %arg14[%swap3A_93, %swap3A_94], %max3A_92 {strides = array<i32>} : memref<1024x256xf32, #tpu.memory_space<vmem>>, vector<1x256xf32>,
      %add3A_96 = arith.addi %mul3A_2, %mul3A_14 : i32
      %add3A_97 = arith.constant 5 : i32
      %add3A_98 = arith.addi %add3A_96, %add3A_97 : i32
      %get3A_99 = arith.index_cast %add3A_98 : i32 to index
      %get3A_100 = memref.load %arg1[%get3A_99] : memref<16384xi32, #tpu.memory_space<smem>>
      %get3A_101 = arith.index_cast %get3A_100 : i32 to index
      %get3A_102 = arith.constant 0 : index
      %get3A_103 = vector.load %arg15[%get3A_101, %get3A_102] : memref<1024x256xf32, #tpu.memory_space<vmem>>, vector<1x256xf32>
      %add3A_104 = arith.constant 5 : i32
      %add3A_105 = arith.addi %mul3A_14, %add3A_104 : i32
      %get3A_106 = arith.index_cast %add3A_105 : i32 to index
      %get3A_107 = arith.constant 0 : index
      %get3A_108 = vector.load %arg2[%get3A_106, %get3A_107] : memref<1024x256xf32, #tpu.memory_space<vmem>>, vector<1x256xf32>
      %max3A_109 = arith.maximumf %get3A_103, %get3A_108 : vector<1x256xf32>
      %swap3A_110 = arith.index_cast %get3A_100 : i32 to index
      %swap3A_111 = arith.constant 0 : index
      %swap3A_112 = vector.load %arg15[%swap3A_110, %swap3A_111] : memref<1024x256xf32, #tpu.memory_space<vmem>>, vector<1x256xf32>
      tpu.vector_store %arg15[%swap3A_110, %swap3A_111], %max3A_109 {strides = array<i32>} : memref<1024x256xf32, #tpu.memory_space<vmem>>, vector<1x256xf32>,
      %add3A_113 = arith.addi %mul3A_2, %mul3A_14 : i32
      %add3A_114 = arith.constant 6 : i32
      %add3A_115 = arith.addi %add3A_113, %add3A_114 : i32
      %get3A_116 = arith.index_cast %add3A_115 : i32 to index
      %get3A_117 = memref.load %arg1[%get3A_116] : memref<16384xi32, #tpu.memory_space<smem>>
      %get3A_118 = arith.index_cast %get3A_117 : i32 to index
      %get3A_119 = arith.constant 0 : index
      %get3A_120 = vector.load %arg16[%get3A_118, %get3A_119] : memref<1024x256xf32, #tpu.memory_space<vmem>>, vector<1x256xf32>
      %add3A_121 = arith.constant 6 : i32
      %add3A_122 = arith.addi %mul3A_14, %add3A_121 : i32
      %get3A_123 = arith.index_cast %add3A_122 : i32 to index
      %get3A_124 = arith.constant 0 : index
      %get3A_125 = vector.load %arg2[%get3A_123, %get3A_124] : memref<1024x256xf32, #tpu.memory_space<vmem>>, vector<1x256xf32>
      %max3A_126 = arith.maximumf %get3A_120, %get3A_125 : vector<1x256xf32>
      %swap3A_127 = arith.index_cast %get3A_117 : i32 to index
      %swap3A_128 = arith.constant 0 : index
      %swap3A_129 = vector.load %arg16[%swap3A_127, %swap3A_128] : memref<1024x256xf32, #tpu.memory_space<vmem>>, vector<1x256xf32>
      tpu.vector_store %arg16[%swap3A_127, %swap3A_128], %max3A_126 {strides = array<i32>} : memref<1024x256xf32, #tpu.memory_space<vmem>>, vector<1x256xf32>,
      %add3A_130 = arith.addi %mul3A_2, %mul3A_14 : i32
      %add3A_131 = arith.constant 7 : i32
      %add3A_132 = arith.addi %add3A_130, %add3A_131 : i32
      %get3A_133 = arith.index_cast %add3A_132 : i32 to index
      %get3A_134 = memref.load %arg1[%get3A_133] : memref<16384xi32, #tpu.memory_space<smem>>
      %get3A_135 = arith.index_cast %get3A_134 : i32 to index
      %get3A_136 = arith.constant 0 : index
      %get3A_137 = vector.load %arg17[%get3A_135, %get3A_136] : memref<1024x256xf32, #tpu.memory_space<vmem>>, vector<1x256xf32>
      %add3A_138 = arith.constant 7 : i32
      %add3A_139 = arith.addi %mul3A_14, %add3A_138 : i32
      %get3A_140 = arith.index_cast %add3A_139 : i32 to index
      %get3A_141 = arith.constant 0 : index
      %get3A_142 = vector.load %arg2[%get3A_140, %get3A_141] : memref<1024x256xf32, #tpu.memory_space<vmem>>, vector<1x256xf32>
      %max3A_143 = arith.maximumf %get3A_137, %get3A_142 : vector<1x256xf32>
      %swap3A_144 = arith.index_cast %get3A_134 : i32 to index
      %swap3A_145 = arith.constant 0 : index
      %swap3A_146 = vector.load %arg17[%swap3A_144, %swap3A_145] : memref<1024x256xf32, #tpu.memory_space<vmem>>, vector<1x256xf32>
      tpu.vector_store %arg17[%swap3A_144, %swap3A_145], %max3A_143 {strides = array<i32>} : memref<1024x256xf32, #tpu.memory_space<vmem>>, vector<1x256xf32>,
      %add3A_147 = arith.addi %mul3A_2, %mul3A_14 : i32
      %add3A_148 = arith.constant 8 : i32
      %add3A_149 = arith.addi %add3A_147, %add3A_148 : i32
      %get3A_150 = arith.index_cast %add3A_149 : i32 to index
      %get3A_151 = memref.load %arg1[%get3A_150] : memref<16384xi32, #tpu.memory_space<smem>>
      %get3A_152 = arith.index_cast %get3A_151 : i32 to index
      %get3A_153 = arith.constant 0 : index
      %get3A_154 = vector.load %arg18[%get3A_152, %get3A_153] : memref<1024x256xf32, #tpu.memory_space<vmem>>, vector<1x256xf32>
      %add3A_155 = arith.constant 8 : i32
      %add3A_156 = arith.addi %mul3A_14, %add3A_155 : i32
      %get3A_157 = arith.index_cast %add3A_156 : i32 to index
      %get3A_158 = arith.constant 0 : index
      %get3A_159 = vector.load %arg2[%get3A_157, %get3A_158] : memref<1024x256xf32, #tpu.memory_space<vmem>>, vector<1x256xf32>
      %max3A_160 = arith.maximumf %get3A_154, %get3A_159 : vector<1x256xf32>
      %swap3A_161 = arith.index_cast %get3A_151 : i32 to index
      %swap3A_162 = arith.constant 0 : index
      %swap3A_163 = vector.load %arg18[%swap3A_161, %swap3A_162] : memref<1024x256xf32, #tpu.memory_space<vmem>>, vector<1x256xf32>
      tpu.vector_store %arg18[%swap3A_161, %swap3A_162], %max3A_160 {strides = array<i32>} : memref<1024x256xf32, #tpu.memory_space<vmem>>, vector<1x256xf32>,
      %add3A_164 = arith.addi %mul3A_2, %mul3A_14 : i32
      %add3A_165 = arith.constant 9 : i32
      %add3A_166 = arith.addi %add3A_164, %add3A_165 : i32
      %get3A_167 = arith.index_cast %add3A_166 : i32 to index
      %get3A_168 = memref.load %arg1[%get3A_167] : memref<16384xi32, #tpu.memory_space<smem>>
      %get3A_169 = arith.index_cast %get3A_168 : i32 to index
      %get3A_170 = arith.constant 0 : index
      %get3A_171 = vector.load %arg19[%get3A_169, %get3A_170] : memref<1024x256xf32, #tpu.memory_space<vmem>>, vector<1x256xf32>
      %add3A_172 = arith.constant 9 : i32
      %add3A_173 = arith.addi %mul3A_14, %add3A_172 : i32
      %get3A_174 = arith.index_cast %add3A_173 : i32 to index
      %get3A_175 = arith.constant 0 : index
      %get3A_176 = vector.load %arg2[%get3A_174, %get3A_175] : memref<1024x256xf32, #tpu.memory_space<vmem>>, vector<1x256xf32>
      %max3A_177 = arith.maximumf %get3A_171, %get3A_176 : vector<1x256xf32>
      %swap3A_178 = arith.index_cast %get3A_168 : i32 to index
      %swap3A_179 = arith.constant 0 : index
      %swap3A_180 = vector.load %arg19[%swap3A_178, %swap3A_179] : memref<1024x256xf32, #tpu.memory_space<vmem>>, vector<1x256xf32>
      tpu.vector_store %arg19[%swap3A_178, %swap3A_179], %max3A_177 {strides = array<i32>} : memref<1024x256xf32, #tpu.memory_space<vmem>>, vector<1x256xf32>,
      %add3A_181 = arith.addi %mul3A_2, %mul3A_14 : i32
      %add3A_182 = arith.constant 10 : i32
      %add3A_183 = arith.addi %add3A_181, %add3A_182 : i32
      %get3A_184 = arith.index_cast %add3A_183 : i32 to index
      %get3A_185 = memref.load %arg1[%get3A_184] : memref<16384xi32, #tpu.memory_space<smem>>
      %get3A_186 = arith.index_cast %get3A_185 : i32 to index
      %get3A_187 = arith.constant 0 : index
      %get3A_188 = vector.load %arg20[%get3A_186, %get3A_187] : memref<1024x256xf32, #tpu.memory_space<vmem>>, vector<1x256xf32>
      %add3A_189 = arith.constant 10 : i32
      %add3A_190 = arith.addi %mul3A_14, %add3A_189 : i32
      %get3A_191 = arith.index_cast %add3A_190 : i32 to index
      %get3A_192 = arith.constant 0 : index
      %get3A_193 = vector.load %arg2[%get3A_191, %get3A_192] : memref<1024x256xf32, #tpu.memory_space<vmem>>, vector<1x256xf32>
      %max3A_194 = arith.maximumf %get3A_188, %get3A_193 : vector<1x256xf32>
      %swap3A_195 = arith.index_cast %get3A_185 : i32 to index
      %swap3A_196 = arith.constant 0 : index
      %swap3A_197 = vector.load %arg20[%swap3A_195, %swap3A_196] : memref<1024x256xf32, #tpu.memory_space<vmem>>, vector<1x256xf32>
      tpu.vector_store %arg20[%swap3A_195, %swap3A_196], %max3A_194 {strides = array<i32>} : memref<1024x256xf32, #tpu.memory_space<vmem>>, vector<1x256xf32>,
      %add3A_198 = arith.addi %mul3A_2, %mul3A_14 : i32
      %add3A_199 = arith.constant 11 : i32
      %add3A_200 = arith.addi %add3A_198, %add3A_199 : i32
      %get3A_201 = arith.index_cast %add3A_200 : i32 to index
      %get3A_202 = memref.load %arg1[%get3A_201] : memref<16384xi32, #tpu.memory_space<smem>>
      %get3A_203 = arith.index_cast %get3A_202 : i32 to index
      %get3A_204 = arith.constant 0 : index
      %get3A_205 = vector.load %arg21[%get3A_203, %get3A_204] : memref<1024x256xf32, #tpu.memory_space<vmem>>, vector<1x256xf32>
      %add3A_206 = arith.constant 11 : i32
      %add3A_207 = arith.addi %mul3A_14, %add3A_206 : i32
      %get3A_208 = arith.index_cast %add3A_207 : i32 to index
      %get3A_209 = arith.constant 0 : index
      %get3A_210 = vector.load %arg2[%get3A_208, %get3A_209] : memref<1024x256xf32, #tpu.memory_space<vmem>>, vector<1x256xf32>
      %max3A_211 = arith.maximumf %get3A_205, %get3A_210 : vector<1x256xf32>
      %swap3A_212 = arith.index_cast %get3A_202 : i32 to index
      %swap3A_213 = arith.constant 0 : index
      %swap3A_214 = vector.load %arg21[%swap3A_212, %swap3A_213] : memref<1024x256xf32, #tpu.memory_space<vmem>>, vector<1x256xf32>
      tpu.vector_store %arg21[%swap3A_212, %swap3A_213], %max3A_211 {strides = array<i32>} : memref<1024x256xf32, #tpu.memory_space<vmem>>, vector<1x256xf32>,
      %add3A_215 = arith.addi %mul3A_2, %mul3A_14 : i32
      %add3A_216 = arith.constant 12 : i32
      %add3A_217 = arith.addi %add3A_215, %add3A_216 : i32
      %get3A_218 = arith.index_cast %add3A_217 : i32 to index
      %get3A_219 = memref.load %arg1[%get3A_218] : memref<16384xi32, #tpu.memory_space<smem>>
      %get3A_220 = arith.index_cast %get3A_219 : i32 to index
      %get3A_221 = arith.constant 0 : index
      %get3A_222 = vector.load %arg22[%get3A_220, %get3A_221] : memref<1024x256xf32, #tpu.memory_space<vmem>>, vector<1x256xf32>
      %add3A_223 = arith.constant 12 : i32
      %add3A_224 = arith.addi %mul3A_14, %add3A_223 : i32
      %get3A_225 = arith.index_cast %add3A_224 : i32 to index
      %get3A_226 = arith.constant 0 : index
      %get3A_227 = vector.load %arg2[%get3A_225, %get3A_226] : memref<1024x256xf32, #tpu.memory_space<vmem>>, vector<1x256xf32>
      %max3A_228 = arith.maximumf %get3A_222, %get3A_227 : vector<1x256xf32>
      %swap3A_229 = arith.index_cast %get3A_219 : i32 to index
      %swap3A_230 = arith.constant 0 : index
      %swap3A_231 = vector.load %arg22[%swap3A_229, %swap3A_230] : memref<1024x256xf32, #tpu.memory_space<vmem>>, vector<1x256xf32>
      tpu.vector_store %arg22[%swap3A_229, %swap3A_230], %max3A_228 {strides = array<i32>} : memref<1024x256xf32, #tpu.memory_space<vmem>>, vector<1x256xf32>,
      %add3A_232 = arith.addi %mul3A_2, %mul3A_14 : i32
      %add3A_233 = arith.constant 13 : i32
      %add3A_234 = arith.addi %add3A_232, %add3A_233 : i32
      %get3A_235 = arith.index_cast %add3A_234 : i32 to index
      %get3A_236 = memref.load %arg1[%get3A_235] : memref<16384xi32, #tpu.memory_space<smem>>
      %get3A_237 = arith.index_cast %get3A_236 : i32 to index
      %get3A_238 = arith.constant 0 : index
      %get3A_239 = vector.load %arg23[%get3A_237, %get3A_238] : memref<1024x256xf32, #tpu.memory_space<vmem>>, vector<1x256xf32>
      %add3A_240 = arith.constant 13 : i32
      %add3A_241 = arith.addi %mul3A_14, %add3A_240 : i32
      %get3A_242 = arith.index_cast %add3A_241 : i32 to index
      %get3A_243 = arith.constant 0 : index
      %get3A_244 = vector.load %arg2[%get3A_242, %get3A_243] : memref<1024x256xf32, #tpu.memory_space<vmem>>, vector<1x256xf32>
      %max3A_245 = arith.maximumf %get3A_239, %get3A_244 : vector<1x256xf32>
      %swap3A_246 = arith.index_cast %get3A_236 : i32 to index
      %swap3A_247 = arith.constant 0 : index
      %swap3A_248 = vector.load %arg23[%swap3A_246, %swap3A_247] : memref<1024x256xf32, #tpu.memory_space<vmem>>, vector<1x256xf32>
      tpu.vector_store %arg23[%swap3A_246, %swap3A_247], %max3A_245 {strides = array<i32>} : memref<1024x256xf32, #tpu.memory_space<vmem>>, vector<1x256xf32>,
      %add3A_249 = arith.addi %mul3A_2, %mul3A_14 : i32
      %add3A_250 = arith.constant 14 : i32
      %add3A_251 = arith.addi %add3A_249, %add3A_250 : i32
      %get3A_252 = arith.index_cast %add3A_251 : i32 to index
      %get3A_253 = memref.load %arg1[%get3A_252] : memref<16384xi32, #tpu.memory_space<smem>>
      %get3A_254 = arith.index_cast %get3A_253 : i32 to index
      %get3A_255 = arith.constant 0 : index
      %get3A_256 = vector.load %arg24[%get3A_254, %get3A_255] : memref<1024x256xf32, #tpu.memory_space<vmem>>, vector<1x256xf32>
      %add3A_257 = arith.constant 14 : i32
      %add3A_258 = arith.addi %mul3A_14, %add3A_257 : i32
      %get3A_259 = arith.index_cast %add3A_258 : i32 to index
      %get3A_260 = arith.constant 0 : index
      %get3A_261 = vector.load %arg2[%get3A_259, %get3A_260] : memref<1024x256xf32, #tpu.memory_space<vmem>>, vector<1x256xf32>
      %max3A_262 = arith.maximumf %get3A_256, %get3A_261 : vector<1x256xf32>
      %swap3A_263 = arith.index_cast %get3A_253 : i32 to index
      %swap3A_264 = arith.constant 0 : index
      %swap3A_265 = vector.load %arg24[%swap3A_263, %swap3A_264] : memref<1024x256xf32, #tpu.memory_space<vmem>>, vector<1x256xf32>
      tpu.vector_store %arg24[%swap3A_263, %swap3A_264], %max3A_262 {strides = array<i32>} : memref<1024x256xf32, #tpu.memory_space<vmem>>, vector<1x256xf32>,
      %add3A_266 = arith.addi %mul3A_2, %mul3A_14 : i32
      %add3A_267 = arith.constant 15 : i32
      %add3A_268 = arith.addi %add3A_266, %add3A_267 : i32
      %get3A_269 = arith.index_cast %add3A_268 : i32 to index
      %get3A_270 = memref.load %arg1[%get3A_269] : memref<16384xi32, #tpu.memory_space<smem>>
      %get3A_271 = arith.index_cast %get3A_270 : i32 to index
      %get3A_272 = arith.constant 0 : index
      %get3A_273 = vector.load %arg25[%get3A_271, %get3A_272] : memref<1024x256xf32, #tpu.memory_space<vmem>>, vector<1x256xf32>
      %add3A_274 = arith.constant 15 : i32
      %add3A_275 = arith.addi %mul3A_14, %add3A_274 : i32
      %get3A_276 = arith.index_cast %add3A_275 : i32 to index
      %get3A_277 = arith.constant 0 : index
      %get3A_278 = vector.load %arg2[%get3A_276, %get3A_277] : memref<1024x256xf32, #tpu.memory_space<vmem>>, vector<1x256xf32>
      %max3A_279 = arith.maximumf %get3A_273, %get3A_278 : vector<1x256xf32>
      %swap3A_280 = arith.index_cast %get3A_270 : i32 to index
      %swap3A_281 = arith.constant 0 : index
      %swap3A_282 = vector.load %arg25[%swap3A_280, %swap3A_281] : memref<1024x256xf32, #tpu.memory_space<vmem>>, vector<1x256xf32>
      tpu.vector_store %arg25[%swap3A_280, %swap3A_281], %max3A_279 {strides = array<i32>} : memref<1024x256xf32, #tpu.memory_space<vmem>>, vector<1x256xf32>,
    }
    %scan3A_6 = arith.constant 64 : i32
    %eq3A_7 = arith.constant 15 : i32
    %eq3A_8 = arith.cmpi eq, %arg0, %eq3A_7 : i32
    %convert_element_type3A_9 = arith.extui %eq3A_8 : i1 to i32
    %cond3A_10 = arith.constant 0 : i32
    %cond3A_11 = arith.cmpi ne, %convert_element_type3A_9, %cond3A_10 : i32
    scf.if %cond3A_11 {
      %get3A = arith.constant 0 : index
      %get3A_12 = arith.constant 0 : index
      %get3A_13 = vector.load %arg3[%get3A, %get3A_12] : memref<1024x256xf32, #tpu.memory_space<vmem>>, vector<1024x256xf32>
      %get3A_14 = arith.constant 0 : index
      %get3A_15 = arith.constant 0 : index
      %get3A_16 = vector.load %arg10[%get3A_14, %get3A_15] : memref<1024x256xf32, #tpu.memory_space<vmem>>, vector<1024x256xf32>
      %get3A_17 = arith.constant 0 : index
      %get3A_18 = arith.constant 0 : index
      %get3A_19 = vector.load %arg11[%get3A_17, %get3A_18] : memref<1024x256xf32, #tpu.memory_space<vmem>>, vector<1024x256xf32>
      %max3A = arith.maximumf %get3A_16, %get3A_19 : vector<1024x256xf32>
      %get3A_20 = arith.constant 0 : index
      %get3A_21 = arith.constant 0 : index
      %get3A_22 = vector.load %arg12[%get3A_20, %get3A_21] : memref<1024x256xf32, #tpu.memory_space<vmem>>, vector<1024x256xf32>
      %max3A_23 = arith.maximumf %max3A, %get3A_22 : vector<1024x256xf32>
      %get3A_24 = arith.constant 0 : index
      %get3A_25 = arith.constant 0 : index
      %get3A_26 = vector.load %arg13[%get3A_24, %get3A_25] : memref<1024x256xf32, #tpu.memory_space<vmem>>, vector<1024x256xf32>
      %max3A_27 = arith.maximumf %max3A_23, %get3A_26 : vector<1024x256xf32>
      %get3A_28 = arith.constant 0 : index
      %get3A_29 = arith.constant 0 : index
      %get3A_30 = vector.load %arg14[%get3A_28, %get3A_29] : memref<1024x256xf32, #tpu.memory_space<vmem>>, vector<1024x256xf32>
      %max3A_31 = arith.maximumf %max3A_27, %get3A_30 : vector<1024x256xf32>
      %get3A_32 = arith.constant 0 : index
      %get3A_33 = arith.constant 0 : index
      %get3A_34 = vector.load %arg15[%get3A_32, %get3A_33] : memref<1024x256xf32, #tpu.memory_space<vmem>>, vector<1024x256xf32>
      %max3A_35 = arith.maximumf %max3A_31, %get3A_34 : vector<1024x256xf32>
      %get3A_36 = arith.constant 0 : index
      %get3A_37 = arith.constant 0 : index
      %get3A_38 = vector.load %arg16[%get3A_36, %get3A_37] : memref<1024x256xf32, #tpu.memory_space<vmem>>, vector<1024x256xf32>
      %max3A_39 = arith.maximumf %max3A_35, %get3A_38 : vector<1024x256xf32>
      %get3A_40 = arith.constant 0 : index
      %get3A_41 = arith.constant 0 : index
      %get3A_42 = vector.load %arg17[%get3A_40, %get3A_41] : memref<1024x256xf32, #tpu.memory_space<vmem>>, vector<1024x256xf32>
      %max3A_43 = arith.maximumf %max3A_39, %get3A_42 : vector<1024x256xf32>
      %get3A_44 = arith.constant 0 : index
      %get3A_45 = arith.constant 0 : index
      %get3A_46 = vector.load %arg18[%get3A_44, %get3A_45] : memref<1024x256xf32, #tpu.memory_space<vmem>>, vector<1024x256xf32>
      %max3A_47 = arith.maximumf %max3A_43, %get3A_46 : vector<1024x256xf32>
      %get3A_48 = arith.constant 0 : index
      %get3A_49 = arith.constant 0 : index
      %get3A_50 = vector.load %arg19[%get3A_48, %get3A_49] : memref<1024x256xf32, #tpu.memory_space<vmem>>, vector<1024x256xf32>
      %max3A_51 = arith.maximumf %max3A_47, %get3A_50 : vector<1024x256xf32>
      %get3A_52 = arith.constant 0 : index
      %get3A_53 = arith.constant 0 : index
      %get3A_54 = vector.load %arg20[%get3A_52, %get3A_53] : memref<1024x256xf32, #tpu.memory_space<vmem>>, vector<1024x256xf32>
      %max3A_55 = arith.maximumf %max3A_51, %get3A_54 : vector<1024x256xf32>
      %get3A_56 = arith.constant 0 : index
      %get3A_57 = arith.constant 0 : index
      %get3A_58 = vector.load %arg21[%get3A_56, %get3A_57] : memref<1024x256xf32, #tpu.memory_space<vmem>>, vector<1024x256xf32>
      %max3A_59 = arith.maximumf %max3A_55, %get3A_58 : vector<1024x256xf32>
      %get3A_60 = arith.constant 0 : index
      %get3A_61 = arith.constant 0 : index
      %get3A_62 = vector.load %arg22[%get3A_60, %get3A_61] : memref<1024x256xf32, #tpu.memory_space<vmem>>, vector<1024x256xf32>
      %max3A_63 = arith.maximumf %max3A_59, %get3A_62 : vector<1024x256xf32>
      %get3A_64 = arith.constant 0 : index
      %get3A_65 = arith.constant 0 : index
      %get3A_66 = vector.load %arg23[%get3A_64, %get3A_65] : memref<1024x256xf32, #tpu.memory_space<vmem>>, vector<1024x256xf32>
      %max3A_67 = arith.maximumf %max3A_63, %get3A_66 : vector<1024x256xf32>
      %get3A_68 = arith.constant 0 : index
      %get3A_69 = arith.constant 0 : index
      %get3A_70 = vector.load %arg24[%get3A_68, %get3A_69] : memref<1024x256xf32, #tpu.memory_space<vmem>>, vector<1024x256xf32>
      %max3A_71 = arith.maximumf %max3A_67, %get3A_70 : vector<1024x256xf32>
      %get3A_72 = arith.constant 0 : index
      %get3A_73 = arith.constant 0 : index
      %get3A_74 = vector.load %arg25[%get3A_72, %get3A_73] : memref<1024x256xf32, #tpu.memory_space<vmem>>, vector<1024x256xf32>
      %max3A_75 = arith.maximumf %max3A_71, %get3A_74 : vector<1024x256xf32>
      %get3A_76 = arith.constant 0 : index
      %get3A_77 = arith.constant 0 : index
      %get3A_78 = vector.load %arg4[%get3A_76, %get3A_77] : memref<256x512xf32, #tpu.memory_space<vmem>>, vector<256x512xf32>
      %dot_general3A = arith.constant dense<0.000000e+00> : vector<1024x512xf32>
      %dot_general3A_79 = tpu.matmul %get3A_13, %get3A_78, %dot_general3A {dimension_numbers = #tpu.dot_dimension_numbers<[1], [0], [0], [1], [0, 0, 1, 1], [], []>, transpose_lhs_hint = false} : vector<1024x256xf32>, vector<256x512xf32>, vector<1024x512xf32> -> vector<1024x512xf32>
      %get3A_80 = arith.constant 0 : index
      %get3A_81 = arith.constant 0 : index
      %get3A_82 = vector.load %arg5[%get3A_80, %get3A_81] : memref<256x512xf32, #tpu.memory_space<vmem>>, vector<256x512xf32>
      %dot_general3A_83 = arith.constant dense<0.000000e+00> : vector<1024x512xf32>
      %dot_general3A_84 = tpu.matmul %max3A_75, %get3A_82, %dot_general3A_83 {dimension_numbers = #tpu.dot_dimension_numbers<[1], [0], [0], [1], [0, 0, 1, 1], [], []>, transpose_lhs_hint = false} : vector<1024x256xf32>, vector<256x512xf32>, vector<1024x512xf32> -> vector<1024x512xf32>
      %add3A = arith.addf %dot_general3A_79, %dot_general3A_84 : vector<1024x512xf32>
      %get3A_85 = arith.constant 0 : index
      %get3A_86 = arith.constant 0 : index
      %get3A_87 = vector.load %arg6[%get3A_85, %get3A_86] : memref<1x512xf32, #tpu.memory_space<vmem>>, vector<1x512xf32>
      %add3A_88 = vector.broadcast %get3A_87 : vector<1x512xf32> to vector<1024x512xf32>
      %add3A_89 = arith.addf %add3A, %add3A_88 : vector<1024x512xf32>
      %max3A_90 = arith.constant 0.000000e+00 : f32
      %max3A_91 = vector.broadcast %max3A_90 : f32 to vector<1024x512xf32>
      %max3A_92 = arith.maximumf %add3A_89, %max3A_91 : vector<1024x512xf32>
      %get3A_93 = arith.constant 0 : index
      %get3A_94 = arith.constant 0 : index
      %get3A_95 = vector.load %arg7[%get3A_93, %get3A_94] : memref<512x256xf32, #tpu.memory_space<vmem>>, vector<512x256xf32>
      %dot_general3A_96 = arith.constant dense<0.000000e+00> : vector<1024x256xf32>
      %dot_general3A_97 = tpu.matmul %max3A_92, %get3A_95, %dot_general3A_96 {dimension_numbers = #tpu.dot_dimension_numbers<[1], [0], [0], [1], [0, 0, 1, 1], [], []>, transpose_lhs_hint = false} : vector<1024x512xf32>, vector<512x256xf32>, vector<1024x256xf32> -> vector<1024x256xf32>
      %get3A_98 = arith.constant 0 : index
      %get3A_99 = arith.constant 0 : index
      %get3A_100 = vector.load %arg8[%get3A_98, %get3A_99] : memref<1x256xf32, #tpu.memory_space<vmem>>, vector<1x256xf32>
      %add3A_101 = vector.broadcast %get3A_100 : vector<1x256xf32> to vector<1024x256xf32>
      %add3A_102 = arith.addf %dot_general3A_97, %add3A_101 : vector<1024x256xf32>
      %max3A_103 = arith.constant 0.000000e+00 : f32
      %max3A_104 = vector.broadcast %max3A_103 : f32 to vector<1024x256xf32>
      %max3A_105 = arith.maximumf %add3A_102, %max3A_104 : vector<1024x256xf32>
      %swap3A = arith.constant 0 : index
      %swap3A_106 = arith.constant 0 : index
      %swap3A_107 = vector.load %arg9[%swap3A, %swap3A_106] : memref<1024x256xf32, #tpu.memory_space<vmem>>, vector<1024x256xf32>
      tpu.vector_store %arg9[%swap3A, %swap3A_106], %max3A_105 {strides = array<i32>} : memref<1024x256xf32, #tpu.memory_space<vmem>>, vector<1024x256xf32>,
    } else {
    }
    return
  }
  func.func @transform_0(%arg0: i32, %arg1: memref<16384xi32, #tpu.memory_space<smem>>) -> (i32, i32) {
    %c0_i32 = arith.constant 0 : i32
    %c0_i32_0 = arith.constant 0 : i32
    return %arg0, %c0_i32 : i32, i32
  }
  func.func @transform_1(%arg0: i32, %arg1: memref<16384xi32, #tpu.memory_space<smem>>) -> (i32, i32) {
    %c0_i32 = arith.constant 0 : i32
    %c0_i32_0 = arith.constant 0 : i32
    %c0_i32_1 = arith.constant 0 : i32
    return %c0_i32, %c0_i32_0 : i32, i32
  }
  func.func @transform_2(%arg0: i32, %arg1: memref<16384xi32, #tpu.memory_space<smem>>) -> (i32, i32) {
    %c0_i32 = arith.constant 0 : i32
    %c0_i32_0 = arith.constant 0 : i32
    %c0_i32_1 = arith.constant 0 : i32
    return %c0_i32, %c0_i32_0 : i32, i32
  }
  func.func @transform_3(%arg0: i32, %arg1: memref<16384xi32, #tpu.memory_space<smem>>) -> (i32, i32) {
    %c0_i32 = arith.constant 0 : i32
    %c0_i32_0 = arith.constant 0 : i32
    %c0_i32_1 = arith.constant 0 : i32
    return %c0_i32, %c0_i32_0 : i32, i32
  }
  func.func @transform_4(%arg0: i32, %arg1: memref<16384xi32, #tpu.memory_space<smem>>) -> (i32, i32) {
    %c0_i32 = arith.constant 0 : i32
    %c0_i32_0 = arith.constant 0 : i32
    %c0_i32_1 = arith.constant 0 : i32
    return %c0_i32, %c0_i32_0 : i32, i32
  }
  func.func @transform_5(%arg0: i32, %arg1: memref<16384xi32, #tpu.memory_space<smem>>) -> (i32, i32) {
    %c0_i32 = arith.constant 0 : i32
    %c0_i32_0 = arith.constant 0 : i32
    %c0_i32_1 = arith.constant 0 : i32
    return %c0_i32, %c0_i32_0 : i32, i32
  }
  func.func @transform_6(%arg0: i32, %arg1: memref<16384xi32, #tpu.memory_space<smem>>) -> (i32, i32) {
    %c0_i32 = arith.constant 0 : i32
    %c0_i32_0 = arith.constant 0 : i32
    %c0_i32_1 = arith.constant 0 : i32
    return %c0_i32, %c0_i32_0 : i32, i32
  }
  func.func @transform_7(%arg0: i32, %arg1: memref<16384xi32, #tpu.memory_space<smem>>) -> (i32, i32) {
    %c0_i32 = arith.constant 0 : i32
    %c0_i32_0 = arith.constant 0 : i32
    %c0_i32_1 = arith.constant 0 : i32
    return %c0_i32, %c0_i32_0 : i32, i32
  }
}

module attributes {stable_mosaic.version = 14 : i64} {
  func.func @_edge_body(%arg0: i32, %arg1: memref<1024x256xf32, #tpu.memory_space<vmem>>, %arg2: memref<1024x256xf32, #tpu.memory_space<vmem>>, %arg3: memref<1024x256xf32, #tpu.memory_space<vmem>>, %arg4: memref<768x512xbf16, #tpu.memory_space<vmem>>, %arg5: memref<1x512xf32, #tpu.memory_space<vmem>>, %arg6: memref<512x256xbf16, #tpu.memory_space<vmem>>, %arg7: memref<1x256xf32, #tpu.memory_space<vmem>>, %arg8: memref<256x256xbf16, #tpu.memory_space<vmem>>, %arg9: memref<1x256xf32, #tpu.memory_space<vmem>>, %arg10: memref<256x256xbf16, #tpu.memory_space<vmem>>, %arg11: memref<1x256xf32, #tpu.memory_space<vmem>>, %arg12: memref<256x256xbf16, #tpu.memory_space<vmem>>, %arg13: memref<1x256xf32, #tpu.memory_space<vmem>>, %arg14: memref<128x128xbf16, #tpu.memory_space<vmem>>, %arg15: memref<1x128xf32, #tpu.memory_space<vmem>>, %arg16: memref<128x64xbf16, #tpu.memory_space<vmem>>, %arg17: memref<1x64xf32, #tpu.memory_space<vmem>>, %arg18: memref<256x256xbf16, #tpu.memory_space<vmem>>, %arg19: memref<1024x256xf32, #tpu.memory_space<vmem>>, %arg20: memref<1024x256xf32, #tpu.memory_space<vmem>>, %arg21: memref<1024x256xf32, #tpu.memory_space<vmem>>) attributes {dimension_semantics = [#tpu.dimension_semantics<arbitrary>], iteration_bounds = array<i64: 16>, scalar_prefetch = 0 : i64, scratch_operands = 0 : i64, tpu.core_type = #tpu.core_type<tc>, window_params = [{transform_indices = @transform_0, window_bounds = array<i64: 1024, 256>}, {transform_indices = @transform_1, window_bounds = array<i64: 1024, 256>}, {transform_indices = @transform_2, window_bounds = array<i64: 1024, 256>}, {pipeline_mode = #tpu.pipeline_mode<synchronous>, transform_indices = @transform_3, window_bounds = array<i64: 768, 512>}, {pipeline_mode = #tpu.pipeline_mode<synchronous>, transform_indices = @transform_4, window_bounds = array<i64: 1, 512>}, {pipeline_mode = #tpu.pipeline_mode<synchronous>, transform_indices = @transform_5, window_bounds = array<i64: 512, 256>}, {pipeline_mode = #tpu.pipeline_mode<synchronous>, transform_indices = @transform_6, window_bounds = array<i64: 1, 256>}, {pipeline_mode = #tpu.pipeline_mode<synchronous>, transform_indices = @transform_7, window_bounds = array<i64: 256, 256>}, {pipeline_mode = #tpu.pipeline_mode<synchronous>, transform_indices = @transform_8, window_bounds = array<i64: 1, 256>}, {pipeline_mode = #tpu.pipeline_mode<synchronous>, transform_indices = @transform_9, window_bounds = array<i64: 256, 256>}, {pipeline_mode = #tpu.pipeline_mode<synchronous>, transform_indices = @transform_10, window_bounds = array<i64: 1, 256>}, {pipeline_mode = #tpu.pipeline_mode<synchronous>, transform_indices = @transform_11, window_bounds = array<i64: 256, 256>}, {pipeline_mode = #tpu.pipeline_mode<synchronous>, transform_indices = @transform_12, window_bounds = array<i64: 1, 256>}, {pipeline_mode = #tpu.pipeline_mode<synchronous>, transform_indices = @transform_13, window_bounds = array<i64: 128, 128>}, {pipeline_mode = #tpu.pipeline_mode<synchronous>, transform_indices = @transform_14, window_bounds = array<i64: 1, 128>}, {pipeline_mode = #tpu.pipeline_mode<synchronous>, transform_indices = @transform_15, window_bounds = array<i64: 128, 64>}, {pipeline_mode = #tpu.pipeline_mode<synchronous>, transform_indices = @transform_16, window_bounds = array<i64: 1, 64>}, {pipeline_mode = #tpu.pipeline_mode<synchronous>, transform_indices = @transform_17, window_bounds = array<i64: 256, 256>}, {transform_indices = @transform_18, window_bounds = array<i64: 1024, 256>}, {transform_indices = @transform_19, window_bounds = array<i64: 1024, 256>}, {transform_indices = @transform_20, window_bounds = array<i64: 1024, 256>}]} {
    %get3A = arith.constant 0 : index
    %get3A_0 = arith.constant 0 : index
    %get3A_1 = vector.load %arg1[%get3A, %get3A_0] : memref<1024x256xf32, #tpu.memory_space<vmem>>, vector<1024x256xf32>
    %convert_element_type3A = arith.truncf %get3A_1 : vector<1024x256xf32> to vector<1024x256xbf16>
    %get3A_2 = arith.constant 0 : index
    %get3A_3 = arith.constant 0 : index
    %get3A_4 = vector.load %arg2[%get3A_2, %get3A_3] : memref<1024x256xf32, #tpu.memory_space<vmem>>, vector<1024x256xf32>
    %convert_element_type3A_5 = arith.truncf %get3A_4 : vector<1024x256xf32> to vector<1024x256xbf16>
    %get3A_6 = arith.constant 0 : index
    %get3A_7 = arith.constant 0 : index
    %get3A_8 = vector.load %arg3[%get3A_6, %get3A_7] : memref<1024x256xf32, #tpu.memory_space<vmem>>, vector<1024x256xf32>
    %max3A = arith.constant 0.000000e+00 : f32
    %max3A_9 = vector.broadcast %max3A : f32 to vector<1024x256xf32>
    %max3A_10 = arith.maximumf %get3A_8, %max3A_9 : vector<1024x256xf32>
    %get3A_11 = arith.constant 0 : index
    %get3A_12 = arith.constant 0 : index
    %get3A_13 = vector.load %arg4[%get3A_11, %get3A_12] : memref<768x512xbf16, #tpu.memory_space<vmem>>, vector<768x512xbf16>
    %convert_element_type3A_14 = arith.truncf %max3A_10 : vector<1024x256xf32> to vector<1024x256xbf16>
    %slice3A = vector.extract_strided_slice %get3A_13 {offsets = [0, 0], sizes = [256, 512], strides = [1, 1]} : vector<768x512xbf16> to vector<256x512xbf16>
    %dot_general3A = arith.constant dense<0.000000e+00> : vector<1024x512xf32>
    %dot_general3A_15 = tpu.matmul %convert_element_type3A, %slice3A, %dot_general3A {dimension_numbers = #tpu.dot_dimension_numbers<[1], [0], [0], [1], [0, 0, 1, 1], [], []>, transpose_lhs_hint = false} : vector<1024x256xbf16>, vector<256x512xbf16>, vector<1024x512xf32> -> vector<1024x512xf32>
    %slice3A_16 = vector.extract_strided_slice %get3A_13 {offsets = [256, 0], sizes = [256, 512], strides = [1, 1]} : vector<768x512xbf16> to vector<256x512xbf16>
    %dot_general3A_17 = arith.constant dense<0.000000e+00> : vector<1024x512xf32>
    %dot_general3A_18 = tpu.matmul %convert_element_type3A_14, %slice3A_16, %dot_general3A_17 {dimension_numbers = #tpu.dot_dimension_numbers<[1], [0], [0], [1], [0, 0, 1, 1], [], []>, transpose_lhs_hint = false} : vector<1024x256xbf16>, vector<256x512xbf16>, vector<1024x512xf32> -> vector<1024x512xf32>
    %add3A = arith.addf %dot_general3A_15, %dot_general3A_18 : vector<1024x512xf32>
    %slice3A_19 = vector.extract_strided_slice %get3A_13 {offsets = [512, 0], sizes = [256, 512], strides = [1, 1]} : vector<768x512xbf16> to vector<256x512xbf16>
    %dot_general3A_20 = arith.constant dense<0.000000e+00> : vector<1024x512xf32>
    %dot_general3A_21 = tpu.matmul %convert_element_type3A_5, %slice3A_19, %dot_general3A_20 {dimension_numbers = #tpu.dot_dimension_numbers<[1], [0], [0], [1], [0, 0, 1, 1], [], []>, transpose_lhs_hint = false} : vector<1024x256xbf16>, vector<256x512xbf16>, vector<1024x512xf32> -> vector<1024x512xf32>
    %add3A_22 = arith.addf %add3A, %dot_general3A_21 : vector<1024x512xf32>
    %get3A_23 = arith.constant 0 : index
    %get3A_24 = arith.constant 0 : index
    %get3A_25 = vector.load %arg5[%get3A_23, %get3A_24] : memref<1x512xf32, #tpu.memory_space<vmem>>, vector<1x512xf32>
    %add3A_26 = vector.broadcast %get3A_25 : vector<1x512xf32> to vector<1024x512xf32>
    %add3A_27 = arith.addf %add3A_22, %add3A_26 : vector<1024x512xf32>
    %max3A_28 = arith.constant 0.000000e+00 : f32
    %max3A_29 = vector.broadcast %max3A_28 : f32 to vector<1024x512xf32>
    %max3A_30 = arith.maximumf %add3A_27, %max3A_29 : vector<1024x512xf32>
    %get3A_31 = arith.constant 0 : index
    %get3A_32 = arith.constant 0 : index
    %get3A_33 = vector.load %arg6[%get3A_31, %get3A_32] : memref<512x256xbf16, #tpu.memory_space<vmem>>, vector<512x256xbf16>
    %convert_element_type3A_34 = arith.truncf %max3A_30 : vector<1024x512xf32> to vector<1024x512xbf16>
    %dot_general3A_35 = arith.constant dense<0.000000e+00> : vector<1024x256xf32>
    %dot_general3A_36 = tpu.matmul %convert_element_type3A_34, %get3A_33, %dot_general3A_35 {dimension_numbers = #tpu.dot_dimension_numbers<[1], [0], [0], [1], [0, 0, 1, 1], [], []>, transpose_lhs_hint = false} : vector<1024x512xbf16>, vector<512x256xbf16>, vector<1024x256xf32> -> vector<1024x256xf32>
    %get3A_37 = arith.constant 0 : index
    %get3A_38 = arith.constant 0 : index
    %get3A_39 = vector.load %arg7[%get3A_37, %get3A_38] : memref<1x256xf32, #tpu.memory_space<vmem>>, vector<1x256xf32>
    %add3A_40 = vector.broadcast %get3A_39 : vector<1x256xf32> to vector<1024x256xf32>
    %add3A_41 = arith.addf %dot_general3A_36, %add3A_40 : vector<1024x256xf32>
    %swap3A = arith.constant 0 : index
    %swap3A_42 = arith.constant 0 : index
    %swap3A_43 = vector.load %arg19[%swap3A, %swap3A_42] : memref<1024x256xf32, #tpu.memory_space<vmem>>, vector<1024x256xf32>
    tpu.vector_store %arg19[%swap3A, %swap3A_42], %add3A_41 {strides = array<i32>} : memref<1024x256xf32, #tpu.memory_space<vmem>>, vector<1024x256xf32>,
    %get3A_44 = arith.constant 0 : index
    %get3A_45 = arith.constant 0 : index
    %get3A_46 = vector.load %arg8[%get3A_44, %get3A_45] : memref<256x256xbf16, #tpu.memory_space<vmem>>, vector<256x256xbf16>
    %dot_general3A_47 = arith.constant dense<0.000000e+00> : vector<1024x256xf32>
    %dot_general3A_48 = tpu.matmul %convert_element_type3A, %get3A_46, %dot_general3A_47 {dimension_numbers = #tpu.dot_dimension_numbers<[1], [0], [0], [1], [0, 0, 1, 1], [], []>, transpose_lhs_hint = false} : vector<1024x256xbf16>, vector<256x256xbf16>, vector<1024x256xf32> -> vector<1024x256xf32>
    %get3A_49 = arith.constant 0 : index
    %get3A_50 = arith.constant 0 : index
    %get3A_51 = vector.load %arg9[%get3A_49, %get3A_50] : memref<1x256xf32, #tpu.memory_space<vmem>>, vector<1x256xf32>
    %add3A_52 = vector.broadcast %get3A_51 : vector<1x256xf32> to vector<1024x256xf32>
    %add3A_53 = arith.addf %dot_general3A_48, %add3A_52 : vector<1024x256xf32>
    %max3A_54 = arith.constant 0.000000e+00 : f32
    %max3A_55 = vector.broadcast %max3A_54 : f32 to vector<1024x256xf32>
    %max3A_56 = arith.maximumf %add3A_53, %max3A_55 : vector<1024x256xf32>
    %get3A_57 = arith.constant 0 : index
    %get3A_58 = arith.constant 0 : index
    %get3A_59 = vector.load %arg10[%get3A_57, %get3A_58] : memref<256x256xbf16, #tpu.memory_space<vmem>>, vector<256x256xbf16>
    %dot_general3A_60 = arith.constant dense<0.000000e+00> : vector<1024x256xf32>
    %dot_general3A_61 = tpu.matmul %convert_element_type3A_14, %get3A_59, %dot_general3A_60 {dimension_numbers = #tpu.dot_dimension_numbers<[1], [0], [0], [1], [0, 0, 1, 1], [], []>, transpose_lhs_hint = false} : vector<1024x256xbf16>, vector<256x256xbf16>, vector<1024x256xf32> -> vector<1024x256xf32>
    %get3A_62 = arith.constant 0 : index
    %get3A_63 = arith.constant 0 : index
    %get3A_64 = vector.load %arg11[%get3A_62, %get3A_63] : memref<1x256xf32, #tpu.memory_space<vmem>>, vector<1x256xf32>
    %add3A_65 = vector.broadcast %get3A_64 : vector<1x256xf32> to vector<1024x256xf32>
    %add3A_66 = arith.addf %dot_general3A_61, %add3A_65 : vector<1024x256xf32>
    %max3A_67 = arith.constant 0.000000e+00 : f32
    %max3A_68 = vector.broadcast %max3A_67 : f32 to vector<1024x256xf32>
    %max3A_69 = arith.maximumf %add3A_66, %max3A_68 : vector<1024x256xf32>
    %get3A_70 = arith.constant 0 : index
    %get3A_71 = arith.constant 0 : index
    %get3A_72 = vector.load %arg12[%get3A_70, %get3A_71] : memref<256x256xbf16, #tpu.memory_space<vmem>>, vector<256x256xbf16>
    %dot_general3A_73 = arith.constant dense<0.000000e+00> : vector<1024x256xf32>
    %dot_general3A_74 = tpu.matmul %convert_element_type3A_5, %get3A_72, %dot_general3A_73 {dimension_numbers = #tpu.dot_dimension_numbers<[1], [0], [0], [1], [0, 0, 1, 1], [], []>, transpose_lhs_hint = false} : vector<1024x256xbf16>, vector<256x256xbf16>, vector<1024x256xf32> -> vector<1024x256xf32>
    %get3A_75 = arith.constant 0 : index
    %get3A_76 = arith.constant 0 : index
    %get3A_77 = vector.load %arg13[%get3A_75, %get3A_76] : memref<1x256xf32, #tpu.memory_space<vmem>>, vector<1x256xf32>
    %add3A_78 = vector.broadcast %get3A_77 : vector<1x256xf32> to vector<1024x256xf32>
    %add3A_79 = arith.addf %dot_general3A_74, %add3A_78 : vector<1024x256xf32>
    %max3A_80 = arith.constant 0.000000e+00 : f32
    %max3A_81 = vector.broadcast %max3A_80 : f32 to vector<1024x256xf32>
    %max3A_82 = arith.maximumf %add3A_79, %max3A_81 : vector<1024x256xf32>
    %slice3A_83 = vector.extract_strided_slice %max3A_56 {offsets = [0, 0], sizes = [1024, 64], strides = [1, 1]} : vector<1024x256xf32> to vector<1024x64xf32>
    %slice3A_84 = vector.extract_strided_slice %max3A_69 {offsets = [0, 0], sizes = [1024, 64], strides = [1, 1]} : vector<1024x256xf32> to vector<1024x64xf32>
    %concatenate3A = tpu.concatenate %slice3A_83, %slice3A_84 in 1 : vector<1024x64xf32>, vector<1024x64xf32> -> vector<1024x128xf32>
    %get3A_85 = arith.constant 0 : index
    %get3A_86 = arith.constant 0 : index
    %get3A_87 = vector.load %arg14[%get3A_85, %get3A_86] : memref<128x128xbf16, #tpu.memory_space<vmem>>, vector<128x128xbf16>
    %convert_element_type3A_88 = arith.truncf %concatenate3A : vector<1024x128xf32> to vector<1024x128xbf16>
    %dot_general3A_89 = arith.constant dense<0.000000e+00> : vector<1024x128xf32>
    %dot_general3A_90 = tpu.matmul %convert_element_type3A_88, %get3A_87, %dot_general3A_89 {dimension_numbers = #tpu.dot_dimension_numbers<[1], [0], [0], [1], [0, 0, 1, 1], [], []>, transpose_lhs_hint = false} : vector<1024x128xbf16>, vector<128x128xbf16>, vector<1024x128xf32> -> vector<1024x128xf32>
    %get3A_91 = arith.constant 0 : index
    %get3A_92 = arith.constant 0 : index
    %get3A_93 = vector.load %arg15[%get3A_91, %get3A_92] : memref<1x128xf32, #tpu.memory_space<vmem>>, vector<1x128xf32>
    %add3A_94 = vector.broadcast %get3A_93 : vector<1x128xf32> to vector<1024x128xf32>
    %add3A_95 = arith.addf %dot_general3A_90, %add3A_94 : vector<1024x128xf32>
    %max3A_96 = arith.constant 0.000000e+00 : f32
    %max3A_97 = vector.broadcast %max3A_96 : f32 to vector<1024x128xf32>
    %max3A_98 = arith.maximumf %add3A_95, %max3A_97 : vector<1024x128xf32>
    %get3A_99 = arith.constant 0 : index
    %get3A_100 = arith.constant 0 : index
    %get3A_101 = vector.load %arg16[%get3A_99, %get3A_100] : memref<128x64xbf16, #tpu.memory_space<vmem>>, vector<128x64xbf16>
    %convert_element_type3A_102 = arith.truncf %max3A_98 : vector<1024x128xf32> to vector<1024x128xbf16>
    %dot_general3A_103 = arith.constant dense<0.000000e+00> : vector<1024x64xf32>
    %dot_general3A_104 = tpu.matmul %convert_element_type3A_102, %get3A_101, %dot_general3A_103 {dimension_numbers = #tpu.dot_dimension_numbers<[1], [0], [0], [1], [0, 0, 1, 1], [], []>, transpose_lhs_hint = false} : vector<1024x128xbf16>, vector<128x64xbf16>, vector<1024x64xf32> -> vector<1024x64xf32>
    %get3A_105 = arith.constant 0 : index
    %get3A_106 = arith.constant 0 : index
    %get3A_107 = vector.load %arg17[%get3A_105, %get3A_106] : memref<1x64xf32, #tpu.memory_space<vmem>>, vector<1x64xf32>
    %add3A_108 = vector.broadcast %get3A_107 : vector<1x64xf32> to vector<1024x64xf32>
    %add3A_109 = arith.addf %dot_general3A_104, %add3A_108 : vector<1024x64xf32>
    %reduce_max3A = arith.constant dense<0xFF800000> : vector<1024xf32>
    %reduce_max3A_110 = vector.multi_reduction <maximumf>, %add3A_109, %reduce_max3A [1] : vector<1024x64xf32> to vector<1024xf32>
    %broadcast_in_dim3A = vector.shape_cast %reduce_max3A_110 : vector<1024xf32> to vector<1024x1xf32>
    %sub3A = vector.broadcast %broadcast_in_dim3A : vector<1024x1xf32> to vector<1024x64xf32>
    %sub3A_111 = arith.subf %add3A_109, %sub3A : vector<1024x64xf32>
    %exp3A = math.exp %sub3A_111 : vector<1024x64xf32>
    %reduce_sum3A = arith.constant dense<0.000000e+00> : vector<1024xf32>
    %reduce_sum3A_112 = vector.multi_reduction <add>, %exp3A, %reduce_sum3A [1] : vector<1024x64xf32> to vector<1024xf32>
    %broadcast_in_dim3A_113 = vector.shape_cast %reduce_sum3A_112 : vector<1024xf32> to vector<1024x1xf32>
    %div3A = vector.broadcast %broadcast_in_dim3A_113 : vector<1024x1xf32> to vector<1024x64xf32>
    %div3A_114 = arith.divf %exp3A, %div3A : vector<1024x64xf32>
    %slice3A_115 = vector.extract_strided_slice %max3A_56 {offsets = [0, 64], sizes = [1024, 64], strides = [1, 1]} : vector<1024x256xf32> to vector<1024x64xf32>
    %slice3A_116 = vector.extract_strided_slice %max3A_69 {offsets = [0, 64], sizes = [1024, 64], strides = [1, 1]} : vector<1024x256xf32> to vector<1024x64xf32>
    %concatenate3A_117 = tpu.concatenate %slice3A_115, %slice3A_116 in 1 : vector<1024x64xf32>, vector<1024x64xf32> -> vector<1024x128xf32>
    %get3A_118 = arith.constant 0 : index
    %get3A_119 = arith.constant 0 : index
    %get3A_120 = vector.load %arg14[%get3A_118, %get3A_119] : memref<128x128xbf16, #tpu.memory_space<vmem>>, vector<128x128xbf16>
    %convert_element_type3A_121 = arith.truncf %concatenate3A_117 : vector<1024x128xf32> to vector<1024x128xbf16>
    %dot_general3A_122 = arith.constant dense<0.000000e+00> : vector<1024x128xf32>
    %dot_general3A_123 = tpu.matmul %convert_element_type3A_121, %get3A_120, %dot_general3A_122 {dimension_numbers = #tpu.dot_dimension_numbers<[1], [0], [0], [1], [0, 0, 1, 1], [], []>, transpose_lhs_hint = false} : vector<1024x128xbf16>, vector<128x128xbf16>, vector<1024x128xf32> -> vector<1024x128xf32>
    %get3A_124 = arith.constant 0 : index
    %get3A_125 = arith.constant 0 : index
    %get3A_126 = vector.load %arg15[%get3A_124, %get3A_125] : memref<1x128xf32, #tpu.memory_space<vmem>>, vector<1x128xf32>
    %add3A_127 = vector.broadcast %get3A_126 : vector<1x128xf32> to vector<1024x128xf32>
    %add3A_128 = arith.addf %dot_general3A_123, %add3A_127 : vector<1024x128xf32>
    %max3A_129 = arith.constant 0.000000e+00 : f32
    %max3A_130 = vector.broadcast %max3A_129 : f32 to vector<1024x128xf32>
    %max3A_131 = arith.maximumf %add3A_128, %max3A_130 : vector<1024x128xf32>
    %get3A_132 = arith.constant 0 : index
    %get3A_133 = arith.constant 0 : index
    %get3A_134 = vector.load %arg16[%get3A_132, %get3A_133] : memref<128x64xbf16, #tpu.memory_space<vmem>>, vector<128x64xbf16>
    %convert_element_type3A_135 = arith.truncf %max3A_131 : vector<1024x128xf32> to vector<1024x128xbf16>
    %dot_general3A_136 = arith.constant dense<0.000000e+00> : vector<1024x64xf32>
    %dot_general3A_137 = tpu.matmul %convert_element_type3A_135, %get3A_134, %dot_general3A_136 {dimension_numbers = #tpu.dot_dimension_numbers<[1], [0], [0], [1], [0, 0, 1, 1], [], []>, transpose_lhs_hint = false} : vector<1024x128xbf16>, vector<128x64xbf16>, vector<1024x64xf32> -> vector<1024x64xf32>
    %get3A_138 = arith.constant 0 : index
    %get3A_139 = arith.constant 0 : index
    %get3A_140 = vector.load %arg17[%get3A_138, %get3A_139] : memref<1x64xf32, #tpu.memory_space<vmem>>, vector<1x64xf32>
    %add3A_141 = vector.broadcast %get3A_140 : vector<1x64xf32> to vector<1024x64xf32>
    %add3A_142 = arith.addf %dot_general3A_137, %add3A_141 : vector<1024x64xf32>
    %reduce_max3A_143 = arith.constant dense<0xFF800000> : vector<1024xf32>
    %reduce_max3A_144 = vector.multi_reduction <maximumf>, %add3A_142, %reduce_max3A_143 [1] : vector<1024x64xf32> to vector<1024xf32>
    %broadcast_in_dim3A_145 = vector.shape_cast %reduce_max3A_144 : vector<1024xf32> to vector<1024x1xf32>
    %sub3A_146 = vector.broadcast %broadcast_in_dim3A_145 : vector<1024x1xf32> to vector<1024x64xf32>
    %sub3A_147 = arith.subf %add3A_142, %sub3A_146 : vector<1024x64xf32>
    %exp3A_148 = math.exp %sub3A_147 : vector<1024x64xf32>
    %reduce_sum3A_149 = arith.constant dense<0.000000e+00> : vector<1024xf32>
    %reduce_sum3A_150 = vector.multi_reduction <add>, %exp3A_148, %reduce_sum3A_149 [1] : vector<1024x64xf32> to vector<1024xf32>
    %broadcast_in_dim3A_151 = vector.shape_cast %reduce_sum3A_150 : vector<1024xf32> to vector<1024x1xf32>
    %div3A_152 = vector.broadcast %broadcast_in_dim3A_151 : vector<1024x1xf32> to vector<1024x64xf32>
    %div3A_153 = arith.divf %exp3A_148, %div3A_152 : vector<1024x64xf32>
    %slice3A_154 = vector.extract_strided_slice %max3A_56 {offsets = [0, 128], sizes = [1024, 64], strides = [1, 1]} : vector<1024x256xf32> to vector<1024x64xf32>
    %slice3A_155 = vector.extract_strided_slice %max3A_69 {offsets = [0, 128], sizes = [1024, 64], strides = [1, 1]} : vector<1024x256xf32> to vector<1024x64xf32>
    %concatenate3A_156 = tpu.concatenate %slice3A_154, %slice3A_155 in 1 : vector<1024x64xf32>, vector<1024x64xf32> -> vector<1024x128xf32>
    %get3A_157 = arith.constant 0 : index
    %get3A_158 = arith.constant 0 : index
    %get3A_159 = vector.load %arg14[%get3A_157, %get3A_158] : memref<128x128xbf16, #tpu.memory_space<vmem>>, vector<128x128xbf16>
    %convert_element_type3A_160 = arith.truncf %concatenate3A_156 : vector<1024x128xf32> to vector<1024x128xbf16>
    %dot_general3A_161 = arith.constant dense<0.000000e+00> : vector<1024x128xf32>
    %dot_general3A_162 = tpu.matmul %convert_element_type3A_160, %get3A_159, %dot_general3A_161 {dimension_numbers = #tpu.dot_dimension_numbers<[1], [0], [0], [1], [0, 0, 1, 1], [], []>, transpose_lhs_hint = false} : vector<1024x128xbf16>, vector<128x128xbf16>, vector<1024x128xf32> -> vector<1024x128xf32>
    %get3A_163 = arith.constant 0 : index
    %get3A_164 = arith.constant 0 : index
    %get3A_165 = vector.load %arg15[%get3A_163, %get3A_164] : memref<1x128xf32, #tpu.memory_space<vmem>>, vector<1x128xf32>
    %add3A_166 = vector.broadcast %get3A_165 : vector<1x128xf32> to vector<1024x128xf32>
    %add3A_167 = arith.addf %dot_general3A_162, %add3A_166 : vector<1024x128xf32>
    %max3A_168 = arith.constant 0.000000e+00 : f32
    %max3A_169 = vector.broadcast %max3A_168 : f32 to vector<1024x128xf32>
    %max3A_170 = arith.maximumf %add3A_167, %max3A_169 : vector<1024x128xf32>
    %get3A_171 = arith.constant 0 : index
    %get3A_172 = arith.constant 0 : index
    %get3A_173 = vector.load %arg16[%get3A_171, %get3A_172] : memref<128x64xbf16, #tpu.memory_space<vmem>>, vector<128x64xbf16>
    %convert_element_type3A_174 = arith.truncf %max3A_170 : vector<1024x128xf32> to vector<1024x128xbf16>
    %dot_general3A_175 = arith.constant dense<0.000000e+00> : vector<1024x64xf32>
    %dot_general3A_176 = tpu.matmul %convert_element_type3A_174, %get3A_173, %dot_general3A_175 {dimension_numbers = #tpu.dot_dimension_numbers<[1], [0], [0], [1], [0, 0, 1, 1], [], []>, transpose_lhs_hint = false} : vector<1024x128xbf16>, vector<128x64xbf16>, vector<1024x64xf32> -> vector<1024x64xf32>
    %get3A_177 = arith.constant 0 : index
    %get3A_178 = arith.constant 0 : index
    %get3A_179 = vector.load %arg17[%get3A_177, %get3A_178] : memref<1x64xf32, #tpu.memory_space<vmem>>, vector<1x64xf32>
    %add3A_180 = vector.broadcast %get3A_179 : vector<1x64xf32> to vector<1024x64xf32>
    %add3A_181 = arith.addf %dot_general3A_176, %add3A_180 : vector<1024x64xf32>
    %reduce_max3A_182 = arith.constant dense<0xFF800000> : vector<1024xf32>
    %reduce_max3A_183 = vector.multi_reduction <maximumf>, %add3A_181, %reduce_max3A_182 [1] : vector<1024x64xf32> to vector<1024xf32>
    %broadcast_in_dim3A_184 = vector.shape_cast %reduce_max3A_183 : vector<1024xf32> to vector<1024x1xf32>
    %sub3A_185 = vector.broadcast %broadcast_in_dim3A_184 : vector<1024x1xf32> to vector<1024x64xf32>
    %sub3A_186 = arith.subf %add3A_181, %sub3A_185 : vector<1024x64xf32>
    %exp3A_187 = math.exp %sub3A_186 : vector<1024x64xf32>
    %reduce_sum3A_188 = arith.constant dense<0.000000e+00> : vector<1024xf32>
    %reduce_sum3A_189 = vector.multi_reduction <add>, %exp3A_187, %reduce_sum3A_188 [1] : vector<1024x64xf32> to vector<1024xf32>
    %broadcast_in_dim3A_190 = vector.shape_cast %reduce_sum3A_189 : vector<1024xf32> to vector<1024x1xf32>
    %div3A_191 = vector.broadcast %broadcast_in_dim3A_190 : vector<1024x1xf32> to vector<1024x64xf32>
    %div3A_192 = arith.divf %exp3A_187, %div3A_191 : vector<1024x64xf32>
    %slice3A_193 = vector.extract_strided_slice %max3A_56 {offsets = [0, 192], sizes = [1024, 64], strides = [1, 1]} : vector<1024x256xf32> to vector<1024x64xf32>
    %slice3A_194 = vector.extract_strided_slice %max3A_69 {offsets = [0, 192], sizes = [1024, 64], strides = [1, 1]} : vector<1024x256xf32> to vector<1024x64xf32>
    %concatenate3A_195 = tpu.concatenate %slice3A_193, %slice3A_194 in 1 : vector<1024x64xf32>, vector<1024x64xf32> -> vector<1024x128xf32>
    %get3A_196 = arith.constant 0 : index
    %get3A_197 = arith.constant 0 : index
    %get3A_198 = vector.load %arg14[%get3A_196, %get3A_197] : memref<128x128xbf16, #tpu.memory_space<vmem>>, vector<128x128xbf16>
    %convert_element_type3A_199 = arith.truncf %concatenate3A_195 : vector<1024x128xf32> to vector<1024x128xbf16>
    %dot_general3A_200 = arith.constant dense<0.000000e+00> : vector<1024x128xf32>
    %dot_general3A_201 = tpu.matmul %convert_element_type3A_199, %get3A_198, %dot_general3A_200 {dimension_numbers = #tpu.dot_dimension_numbers<[1], [0], [0], [1], [0, 0, 1, 1], [], []>, transpose_lhs_hint = false} : vector<1024x128xbf16>, vector<128x128xbf16>, vector<1024x128xf32> -> vector<1024x128xf32>
    %get3A_202 = arith.constant 0 : index
    %get3A_203 = arith.constant 0 : index
    %get3A_204 = vector.load %arg15[%get3A_202, %get3A_203] : memref<1x128xf32, #tpu.memory_space<vmem>>, vector<1x128xf32>
    %add3A_205 = vector.broadcast %get3A_204 : vector<1x128xf32> to vector<1024x128xf32>
    %add3A_206 = arith.addf %dot_general3A_201, %add3A_205 : vector<1024x128xf32>
    %max3A_207 = arith.constant 0.000000e+00 : f32
    %max3A_208 = vector.broadcast %max3A_207 : f32 to vector<1024x128xf32>
    %max3A_209 = arith.maximumf %add3A_206, %max3A_208 : vector<1024x128xf32>
    %get3A_210 = arith.constant 0 : index
    %get3A_211 = arith.constant 0 : index
    %get3A_212 = vector.load %arg16[%get3A_210, %get3A_211] : memref<128x64xbf16, #tpu.memory_space<vmem>>, vector<128x64xbf16>
    %convert_element_type3A_213 = arith.truncf %max3A_209 : vector<1024x128xf32> to vector<1024x128xbf16>
    %dot_general3A_214 = arith.constant dense<0.000000e+00> : vector<1024x64xf32>
    %dot_general3A_215 = tpu.matmul %convert_element_type3A_213, %get3A_212, %dot_general3A_214 {dimension_numbers = #tpu.dot_dimension_numbers<[1], [0], [0], [1], [0, 0, 1, 1], [], []>, transpose_lhs_hint = false} : vector<1024x128xbf16>, vector<128x64xbf16>, vector<1024x64xf32> -> vector<1024x64xf32>
    %get3A_216 = arith.constant 0 : index
    %get3A_217 = arith.constant 0 : index
    %get3A_218 = vector.load %arg17[%get3A_216, %get3A_217] : memref<1x64xf32, #tpu.memory_space<vmem>>, vector<1x64xf32>
    %add3A_219 = vector.broadcast %get3A_218 : vector<1x64xf32> to vector<1024x64xf32>
    %add3A_220 = arith.addf %dot_general3A_215, %add3A_219 : vector<1024x64xf32>
    %reduce_max3A_221 = arith.constant dense<0xFF800000> : vector<1024xf32>
    %reduce_max3A_222 = vector.multi_reduction <maximumf>, %add3A_220, %reduce_max3A_221 [1] : vector<1024x64xf32> to vector<1024xf32>
    %broadcast_in_dim3A_223 = vector.shape_cast %reduce_max3A_222 : vector<1024xf32> to vector<1024x1xf32>
    %sub3A_224 = vector.broadcast %broadcast_in_dim3A_223 : vector<1024x1xf32> to vector<1024x64xf32>
    %sub3A_225 = arith.subf %add3A_220, %sub3A_224 : vector<1024x64xf32>
    %exp3A_226 = math.exp %sub3A_225 : vector<1024x64xf32>
    %reduce_sum3A_227 = arith.constant dense<0.000000e+00> : vector<1024xf32>
    %reduce_sum3A_228 = vector.multi_reduction <add>, %exp3A_226, %reduce_sum3A_227 [1] : vector<1024x64xf32> to vector<1024xf32>
    %broadcast_in_dim3A_229 = vector.shape_cast %reduce_sum3A_228 : vector<1024xf32> to vector<1024x1xf32>
    %div3A_230 = vector.broadcast %broadcast_in_dim3A_229 : vector<1024x1xf32> to vector<1024x64xf32>
    %div3A_231 = arith.divf %exp3A_226, %div3A_230 : vector<1024x64xf32>
    %concatenate3A_232 = tpu.concatenate %div3A_114, %div3A_153, %div3A_192, %div3A_231 in 1 : vector<1024x64xf32>, vector<1024x64xf32>, vector<1024x64xf32>, vector<1024x64xf32> -> vector<1024x256xf32>
    %mul3A = arith.mulf %concatenate3A_232, %max3A_82 : vector<1024x256xf32>
    %swap3A_233 = arith.constant 0 : index
    %swap3A_234 = arith.constant 0 : index
    %swap3A_235 = vector.load %arg21[%swap3A_233, %swap3A_234] : memref<1024x256xf32, #tpu.memory_space<vmem>>, vector<1024x256xf32>
    tpu.vector_store %arg21[%swap3A_233, %swap3A_234], %mul3A {strides = array<i32>} : memref<1024x256xf32, #tpu.memory_space<vmem>>, vector<1024x256xf32>,
    %convert_element_type3A_236 = arith.truncf %concatenate3A_232 : vector<1024x256xf32> to vector<1024x256xbf16>
    %get3A_237 = arith.constant 0 : index
    %get3A_238 = arith.constant 0 : index
    %get3A_239 = vector.load %arg18[%get3A_237, %get3A_238] : memref<256x256xbf16, #tpu.memory_space<vmem>>, vector<256x256xbf16>
    %dot_general3A_240 = arith.constant dense<0.000000e+00> : vector<1024x256xf32>
    %dot_general3A_241 = tpu.matmul %convert_element_type3A_236, %get3A_239, %dot_general3A_240 {dimension_numbers = #tpu.dot_dimension_numbers<[1], [0], [0], [1], [0, 0, 1, 1], [], []>, transpose_lhs_hint = false} : vector<1024x256xbf16>, vector<256x256xbf16>, vector<1024x256xf32> -> vector<1024x256xf32>
    %swap3A_242 = arith.constant 0 : index
    %swap3A_243 = arith.constant 0 : index
    %swap3A_244 = vector.load %arg20[%swap3A_242, %swap3A_243] : memref<1024x256xf32, #tpu.memory_space<vmem>>, vector<1024x256xf32>
    tpu.vector_store %arg20[%swap3A_242, %swap3A_243], %dot_general3A_241 {strides = array<i32>} : memref<1024x256xf32, #tpu.memory_space<vmem>>, vector<1024x256xf32>,
    return
  }
  func.func @transform_0(%arg0: i32) -> (i32, i32) {
    %c0_i32 = arith.constant 0 : i32
    %c0_i32_0 = arith.constant 0 : i32
    return %arg0, %c0_i32 : i32, i32
  }
  func.func @transform_1(%arg0: i32) -> (i32, i32) {
    %add3A = arith.constant 16 : i32
    %add3A_0 = arith.addi %arg0, %add3A : i32
    %c0_i32 = arith.constant 0 : i32
    %c0_i32_1 = arith.constant 0 : i32
    return %add3A_0, %c0_i32 : i32, i32
  }
  func.func @transform_2(%arg0: i32) -> (i32, i32) {
    %c0_i32 = arith.constant 0 : i32
    %c0_i32_0 = arith.constant 0 : i32
    return %arg0, %c0_i32 : i32, i32
  }
  func.func @transform_3(%arg0: i32) -> (i32, i32) {
    %c0_i32 = arith.constant 0 : i32
    %c0_i32_0 = arith.constant 0 : i32
    %c0_i32_1 = arith.constant 0 : i32
    return %c0_i32, %c0_i32_0 : i32, i32
  }
  func.func @transform_4(%arg0: i32) -> (i32, i32) {
    %c0_i32 = arith.constant 0 : i32
    %c0_i32_0 = arith.constant 0 : i32
    %c0_i32_1 = arith.constant 0 : i32
    return %c0_i32, %c0_i32_0 : i32, i32
  }
  func.func @transform_5(%arg0: i32) -> (i32, i32) {
    %c0_i32 = arith.constant 0 : i32
    %c0_i32_0 = arith.constant 0 : i32
    %c0_i32_1 = arith.constant 0 : i32
    return %c0_i32, %c0_i32_0 : i32, i32
  }
  func.func @transform_6(%arg0: i32) -> (i32, i32) {
    %c0_i32 = arith.constant 0 : i32
    %c0_i32_0 = arith.constant 0 : i32
    %c0_i32_1 = arith.constant 0 : i32
    return %c0_i32, %c0_i32_0 : i32, i32
  }
  func.func @transform_7(%arg0: i32) -> (i32, i32) {
    %c0_i32 = arith.constant 0 : i32
    %c0_i32_0 = arith.constant 0 : i32
    %c0_i32_1 = arith.constant 0 : i32
    return %c0_i32, %c0_i32_0 : i32, i32
  }
  func.func @transform_8(%arg0: i32) -> (i32, i32) {
    %c0_i32 = arith.constant 0 : i32
    %c0_i32_0 = arith.constant 0 : i32
    %c0_i32_1 = arith.constant 0 : i32
    return %c0_i32, %c0_i32_0 : i32, i32
  }
  func.func @transform_9(%arg0: i32) -> (i32, i32) {
    %c0_i32 = arith.constant 0 : i32
    %c0_i32_0 = arith.constant 0 : i32
    %c0_i32_1 = arith.constant 0 : i32
    return %c0_i32, %c0_i32_0 : i32, i32
  }
  func.func @transform_10(%arg0: i32) -> (i32, i32) {
    %c0_i32 = arith.constant 0 : i32
    %c0_i32_0 = arith.constant 0 : i32
    %c0_i32_1 = arith.constant 0 : i32
    return %c0_i32, %c0_i32_0 : i32, i32
  }
  func.func @transform_11(%arg0: i32) -> (i32, i32) {
    %c0_i32 = arith.constant 0 : i32
    %c0_i32_0 = arith.constant 0 : i32
    %c0_i32_1 = arith.constant 0 : i32
    return %c0_i32, %c0_i32_0 : i32, i32
  }
  func.func @transform_12(%arg0: i32) -> (i32, i32) {
    %c0_i32 = arith.constant 0 : i32
    %c0_i32_0 = arith.constant 0 : i32
    %c0_i32_1 = arith.constant 0 : i32
    return %c0_i32, %c0_i32_0 : i32, i32
  }
  func.func @transform_13(%arg0: i32) -> (i32, i32) {
    %c0_i32 = arith.constant 0 : i32
    %c0_i32_0 = arith.constant 0 : i32
    %c0_i32_1 = arith.constant 0 : i32
    return %c0_i32, %c0_i32_0 : i32, i32
  }
  func.func @transform_14(%arg0: i32) -> (i32, i32) {
    %c0_i32 = arith.constant 0 : i32
    %c0_i32_0 = arith.constant 0 : i32
    %c0_i32_1 = arith.constant 0 : i32
    return %c0_i32, %c0_i32_0 : i32, i32
  }
  func.func @transform_15(%arg0: i32) -> (i32, i32) {
    %c0_i32 = arith.constant 0 : i32
    %c0_i32_0 = arith.constant 0 : i32
    %c0_i32_1 = arith.constant 0 : i32
    return %c0_i32, %c0_i32_0 : i32, i32
  }
  func.func @transform_16(%arg0: i32) -> (i32, i32) {
    %c0_i32 = arith.constant 0 : i32
    %c0_i32_0 = arith.constant 0 : i32
    %c0_i32_1 = arith.constant 0 : i32
    return %c0_i32, %c0_i32_0 : i32, i32
  }
  func.func @transform_17(%arg0: i32) -> (i32, i32) {
    %c0_i32 = arith.constant 0 : i32
    %c0_i32_0 = arith.constant 0 : i32
    %c0_i32_1 = arith.constant 0 : i32
    return %c0_i32, %c0_i32_0 : i32, i32
  }
  func.func @transform_18(%arg0: i32) -> (i32, i32) {
    %c0_i32 = arith.constant 0 : i32
    %c0_i32_0 = arith.constant 0 : i32
    return %arg0, %c0_i32 : i32, i32
  }
  func.func @transform_19(%arg0: i32) -> (i32, i32) {
    %c0_i32 = arith.constant 0 : i32
    %c0_i32_0 = arith.constant 0 : i32
    return %arg0, %c0_i32 : i32, i32
  }
  func.func @transform_20(%arg0: i32) -> (i32, i32) {
    %c0_i32 = arith.constant 0 : i32
    %c0_i32_0 = arith.constant 0 : i32
    return %arg0, %c0_i32 : i32, i32
  }
}

module attributes {stable_mosaic.version = 14 : i64} {
  func.func @_seg_body(%arg0: i32, %arg1: memref<16384xi32, #tpu.memory_space<smem>>, %arg2: memref<1024x256xf32, #tpu.memory_space<vmem>>, %arg3: memref<1024x256xf32, #tpu.memory_space<vmem>>, %arg4: memref<256x512xf32, #tpu.memory_space<vmem>>, %arg5: memref<256x512xf32, #tpu.memory_space<vmem>>, %arg6: memref<1x512xf32, #tpu.memory_space<vmem>>, %arg7: memref<512x256xf32, #tpu.memory_space<vmem>>, %arg8: memref<1x256xf32, #tpu.memory_space<vmem>>, %arg9: memref<1024x256xf32, #tpu.memory_space<vmem>>, %arg10: memref<1024x256xf32, #tpu.memory_space<vmem>>, %arg11: memref<1024x256xf32, #tpu.memory_space<vmem>>, %arg12: memref<1024x256xf32, #tpu.memory_space<vmem>>, %arg13: memref<1024x256xf32, #tpu.memory_space<vmem>>, %arg14: memref<1024x256xf32, #tpu.memory_space<vmem>>, %arg15: memref<1024x256xf32, #tpu.memory_space<vmem>>, %arg16: memref<1024x256xf32, #tpu.memory_space<vmem>>, %arg17: memref<1024x256xf32, #tpu.memory_space<vmem>>, %arg18: memref<1024x256xf32, #tpu.memory_space<vmem>>, %arg19: memref<1024x256xf32, #tpu.memory_space<vmem>>, %arg20: memref<1024x256xf32, #tpu.memory_space<vmem>>, %arg21: memref<1024x256xf32, #tpu.memory_space<vmem>>, %arg22: memref<1024x256xf32, #tpu.memory_space<vmem>>, %arg23: memref<1024x256xf32, #tpu.memory_space<vmem>>, %arg24: memref<1024x256xf32, #tpu.memory_space<vmem>>, %arg25: memref<1024x256xf32, #tpu.memory_space<vmem>>) attributes {dimension_semantics = [#tpu.dimension_semantics<arbitrary>], iteration_bounds = array<i64: 16>, scalar_prefetch = 1 : i64, scratch_operands = 16 : i64, tpu.core_type = #tpu.core_type<tc>, window_params = [{transform_indices = @transform_0, window_bounds = array<i64: 1024, 256>}, {pipeline_mode = #tpu.pipeline_mode<synchronous>, transform_indices = @transform_1, window_bounds = array<i64: 1024, 256>}, {pipeline_mode = #tpu.pipeline_mode<synchronous>, transform_indices = @transform_2, window_bounds = array<i64: 256, 512>}, {pipeline_mode = #tpu.pipeline_mode<synchronous>, transform_indices = @transform_3, window_bounds = array<i64: 256, 512>}, {pipeline_mode = #tpu.pipeline_mode<synchronous>, transform_indices = @transform_4, window_bounds = array<i64: 1, 512>}, {pipeline_mode = #tpu.pipeline_mode<synchronous>, transform_indices = @transform_5, window_bounds = array<i64: 512, 256>}, {pipeline_mode = #tpu.pipeline_mode<synchronous>, transform_indices = @transform_6, window_bounds = array<i64: 1, 256>}, {pipeline_mode = #tpu.pipeline_mode<synchronous>, transform_indices = @transform_7, window_bounds = array<i64: 1024, 256>}]} {
    %eq3A = arith.constant 0 : i32
    %eq3A_0 = arith.cmpi eq, %arg0, %eq3A : i32
    %convert_element_type3A = arith.extui %eq3A_0 : i1 to i32
    %cond3A = arith.constant 0 : i32
    %cond3A_1 = arith.cmpi ne, %convert_element_type3A, %cond3A : i32
    scf.if %cond3A_1 {
      %broadcast_in_dim3A = arith.constant 0.000000e+00 : f32
      %broadcast_in_dim3A_12 = vector.broadcast %broadcast_in_dim3A : f32 to vector<1024x256xf32>
      %swap3A = arith.constant 0 : index
      %swap3A_13 = arith.constant 0 : index
      %swap3A_14 = vector.load %arg10[%swap3A, %swap3A_13] : memref<1024x256xf32, #tpu.memory_space<vmem>>, vector<1024x256xf32>
      tpu.vector_store %arg10[%swap3A, %swap3A_13], %broadcast_in_dim3A_12 {strides = array<i32>} : memref<1024x256xf32, #tpu.memory_space<vmem>>, vector<1024x256xf32>,
      %broadcast_in_dim3A_15 = arith.constant 0.000000e+00 : f32
      %broadcast_in_dim3A_16 = vector.broadcast %broadcast_in_dim3A_15 : f32 to vector<1024x256xf32>
      %swap3A_17 = arith.constant 0 : index
      %swap3A_18 = arith.constant 0 : index
      %swap3A_19 = vector.load %arg11[%swap3A_17, %swap3A_18] : memref<1024x256xf32, #tpu.memory_space<vmem>>, vector<1024x256xf32>
      tpu.vector_store %arg11[%swap3A_17, %swap3A_18], %broadcast_in_dim3A_16 {strides = array<i32>} : memref<1024x256xf32, #tpu.memory_space<vmem>>, vector<1024x256xf32>,
      %broadcast_in_dim3A_20 = arith.constant 0.000000e+00 : f32
      %broadcast_in_dim3A_21 = vector.broadcast %broadcast_in_dim3A_20 : f32 to vector<1024x256xf32>
      %swap3A_22 = arith.constant 0 : index
      %swap3A_23 = arith.constant 0 : index
      %swap3A_24 = vector.load %arg12[%swap3A_22, %swap3A_23] : memref<1024x256xf32, #tpu.memory_space<vmem>>, vector<1024x256xf32>
      tpu.vector_store %arg12[%swap3A_22, %swap3A_23], %broadcast_in_dim3A_21 {strides = array<i32>} : memref<1024x256xf32, #tpu.memory_space<vmem>>, vector<1024x256xf32>,
      %broadcast_in_dim3A_25 = arith.constant 0.000000e+00 : f32
      %broadcast_in_dim3A_26 = vector.broadcast %broadcast_in_dim3A_25 : f32 to vector<1024x256xf32>
      %swap3A_27 = arith.constant 0 : index
      %swap3A_28 = arith.constant 0 : index
      %swap3A_29 = vector.load %arg13[%swap3A_27, %swap3A_28] : memref<1024x256xf32, #tpu.memory_space<vmem>>, vector<1024x256xf32>
      tpu.vector_store %arg13[%swap3A_27, %swap3A_28], %broadcast_in_dim3A_26 {strides = array<i32>} : memref<1024x256xf32, #tpu.memory_space<vmem>>, vector<1024x256xf32>,
      %broadcast_in_dim3A_30 = arith.constant 0.000000e+00 : f32
      %broadcast_in_dim3A_31 = vector.broadcast %broadcast_in_dim3A_30 : f32 to vector<1024x256xf32>
      %swap3A_32 = arith.constant 0 : index
      %swap3A_33 = arith.constant 0 : index
      %swap3A_34 = vector.load %arg14[%swap3A_32, %swap3A_33] : memref<1024x256xf32, #tpu.memory_space<vmem>>, vector<1024x256xf32>
      tpu.vector_store %arg14[%swap3A_32, %swap3A_33], %broadcast_in_dim3A_31 {strides = array<i32>} : memref<1024x256xf32, #tpu.memory_space<vmem>>, vector<1024x256xf32>,
      %broadcast_in_dim3A_35 = arith.constant 0.000000e+00 : f32
      %broadcast_in_dim3A_36 = vector.broadcast %broadcast_in_dim3A_35 : f32 to vector<1024x256xf32>
      %swap3A_37 = arith.constant 0 : index
      %swap3A_38 = arith.constant 0 : index
      %swap3A_39 = vector.load %arg15[%swap3A_37, %swap3A_38] : memref<1024x256xf32, #tpu.memory_space<vmem>>, vector<1024x256xf32>
      tpu.vector_store %arg15[%swap3A_37, %swap3A_38], %broadcast_in_dim3A_36 {strides = array<i32>} : memref<1024x256xf32, #tpu.memory_space<vmem>>, vector<1024x256xf32>,
      %broadcast_in_dim3A_40 = arith.constant 0.000000e+00 : f32
      %broadcast_in_dim3A_41 = vector.broadcast %broadcast_in_dim3A_40 : f32 to vector<1024x256xf32>
      %swap3A_42 = arith.constant 0 : index
      %swap3A_43 = arith.constant 0 : index
      %swap3A_44 = vector.load %arg16[%swap3A_42, %swap3A_43] : memref<1024x256xf32, #tpu.memory_space<vmem>>, vector<1024x256xf32>
      tpu.vector_store %arg16[%swap3A_42, %swap3A_43], %broadcast_in_dim3A_41 {strides = array<i32>} : memref<1024x256xf32, #tpu.memory_space<vmem>>, vector<1024x256xf32>,
      %broadcast_in_dim3A_45 = arith.constant 0.000000e+00 : f32
      %broadcast_in_dim3A_46 = vector.broadcast %broadcast_in_dim3A_45 : f32 to vector<1024x256xf32>
      %swap3A_47 = arith.constant 0 : index
      %swap3A_48 = arith.constant 0 : index
      %swap3A_49 = vector.load %arg17[%swap3A_47, %swap3A_48] : memref<1024x256xf32, #tpu.memory_space<vmem>>, vector<1024x256xf32>
      tpu.vector_store %arg17[%swap3A_47, %swap3A_48], %broadcast_in_dim3A_46 {strides = array<i32>} : memref<1024x256xf32, #tpu.memory_space<vmem>>, vector<1024x256xf32>,
      %broadcast_in_dim3A_50 = arith.constant 0.000000e+00 : f32
      %broadcast_in_dim3A_51 = vector.broadcast %broadcast_in_dim3A_50 : f32 to vector<1024x256xf32>
      %swap3A_52 = arith.constant 0 : index
      %swap3A_53 = arith.constant 0 : index
      %swap3A_54 = vector.load %arg18[%swap3A_52, %swap3A_53] : memref<1024x256xf32, #tpu.memory_space<vmem>>, vector<1024x256xf32>
      tpu.vector_store %arg18[%swap3A_52, %swap3A_53], %broadcast_in_dim3A_51 {strides = array<i32>} : memref<1024x256xf32, #tpu.memory_space<vmem>>, vector<1024x256xf32>,
      %broadcast_in_dim3A_55 = arith.constant 0.000000e+00 : f32
      %broadcast_in_dim3A_56 = vector.broadcast %broadcast_in_dim3A_55 : f32 to vector<1024x256xf32>
      %swap3A_57 = arith.constant 0 : index
      %swap3A_58 = arith.constant 0 : index
      %swap3A_59 = vector.load %arg19[%swap3A_57, %swap3A_58] : memref<1024x256xf32, #tpu.memory_space<vmem>>, vector<1024x256xf32>
      tpu.vector_store %arg19[%swap3A_57, %swap3A_58], %broadcast_in_dim3A_56 {strides = array<i32>} : memref<1024x256xf32, #tpu.memory_space<vmem>>, vector<1024x256xf32>,
      %broadcast_in_dim3A_60 = arith.constant 0.000000e+00 : f32
      %broadcast_in_dim3A_61 = vector.broadcast %broadcast_in_dim3A_60 : f32 to vector<1024x256xf32>
      %swap3A_62 = arith.constant 0 : index
      %swap3A_63 = arith.constant 0 : index
      %swap3A_64 = vector.load %arg20[%swap3A_62, %swap3A_63] : memref<1024x256xf32, #tpu.memory_space<vmem>>, vector<1024x256xf32>
      tpu.vector_store %arg20[%swap3A_62, %swap3A_63], %broadcast_in_dim3A_61 {strides = array<i32>} : memref<1024x256xf32, #tpu.memory_space<vmem>>, vector<1024x256xf32>,
      %broadcast_in_dim3A_65 = arith.constant 0.000000e+00 : f32
      %broadcast_in_dim3A_66 = vector.broadcast %broadcast_in_dim3A_65 : f32 to vector<1024x256xf32>
      %swap3A_67 = arith.constant 0 : index
      %swap3A_68 = arith.constant 0 : index
      %swap3A_69 = vector.load %arg21[%swap3A_67, %swap3A_68] : memref<1024x256xf32, #tpu.memory_space<vmem>>, vector<1024x256xf32>
      tpu.vector_store %arg21[%swap3A_67, %swap3A_68], %broadcast_in_dim3A_66 {strides = array<i32>} : memref<1024x256xf32, #tpu.memory_space<vmem>>, vector<1024x256xf32>,
      %broadcast_in_dim3A_70 = arith.constant 0.000000e+00 : f32
      %broadcast_in_dim3A_71 = vector.broadcast %broadcast_in_dim3A_70 : f32 to vector<1024x256xf32>
      %swap3A_72 = arith.constant 0 : index
      %swap3A_73 = arith.constant 0 : index
      %swap3A_74 = vector.load %arg22[%swap3A_72, %swap3A_73] : memref<1024x256xf32, #tpu.memory_space<vmem>>, vector<1024x256xf32>
      tpu.vector_store %arg22[%swap3A_72, %swap3A_73], %broadcast_in_dim3A_71 {strides = array<i32>} : memref<1024x256xf32, #tpu.memory_space<vmem>>, vector<1024x256xf32>,
      %broadcast_in_dim3A_75 = arith.constant 0.000000e+00 : f32
      %broadcast_in_dim3A_76 = vector.broadcast %broadcast_in_dim3A_75 : f32 to vector<1024x256xf32>
      %swap3A_77 = arith.constant 0 : index
      %swap3A_78 = arith.constant 0 : index
      %swap3A_79 = vector.load %arg23[%swap3A_77, %swap3A_78] : memref<1024x256xf32, #tpu.memory_space<vmem>>, vector<1024x256xf32>
      tpu.vector_store %arg23[%swap3A_77, %swap3A_78], %broadcast_in_dim3A_76 {strides = array<i32>} : memref<1024x256xf32, #tpu.memory_space<vmem>>, vector<1024x256xf32>,
      %broadcast_in_dim3A_80 = arith.constant 0.000000e+00 : f32
      %broadcast_in_dim3A_81 = vector.broadcast %broadcast_in_dim3A_80 : f32 to vector<1024x256xf32>
      %swap3A_82 = arith.constant 0 : index
      %swap3A_83 = arith.constant 0 : index
      %swap3A_84 = vector.load %arg24[%swap3A_82, %swap3A_83] : memref<1024x256xf32, #tpu.memory_space<vmem>>, vector<1024x256xf32>
      tpu.vector_store %arg24[%swap3A_82, %swap3A_83], %broadcast_in_dim3A_81 {strides = array<i32>} : memref<1024x256xf32, #tpu.memory_space<vmem>>, vector<1024x256xf32>,
      %broadcast_in_dim3A_85 = arith.constant 0.000000e+00 : f32
      %broadcast_in_dim3A_86 = vector.broadcast %broadcast_in_dim3A_85 : f32 to vector<1024x256xf32>
      %swap3A_87 = arith.constant 0 : index
      %swap3A_88 = arith.constant 0 : index
      %swap3A_89 = vector.load %arg25[%swap3A_87, %swap3A_88] : memref<1024x256xf32, #tpu.memory_space<vmem>>, vector<1024x256xf32>
      tpu.vector_store %arg25[%swap3A_87, %swap3A_88], %broadcast_in_dim3A_86 {strides = array<i32>} : memref<1024x256xf32, #tpu.memory_space<vmem>>, vector<1024x256xf32>,
    } else {
    }
    %mul3A = arith.constant 1024 : i32
    %mul3A_2 = arith.muli %arg0, %mul3A : i32
    %scan3A = arith.constant 0 : i32
    %scan3A_3 = arith.constant 64 : i32
    %scan3A_4 = arith.addi %scan3A, %scan3A_3 : i32
    %scan3A_5 = arith.constant 1 : i32
    scf.for %scan3A_12 = %scan3A to %scan3A_4 step %scan3A_5  : i32 {
      %mul3A_13 = arith.constant 16 : i32
      %mul3A_14 = arith.muli %scan3A_12, %mul3A_13 : i32
      %add3A = arith.addi %mul3A_2, %mul3A_14 : i32
      %add3A_15 = arith.constant 0 : i32
      %add3A_16 = arith.addi %add3A, %add3A_15 : i32
      %get3A = arith.index_cast %add3A_16 : i32 to index
      %get3A_17 = memref.load %arg1[%get3A] : memref<16384xi32, #tpu.memory_space<smem>>
      %get3A_18 = arith.index_cast %get3A_17 : i32 to index
      %get3A_19 = arith.constant 0 : index
      %get3A_20 = vector.load %arg10[%get3A_18, %get3A_19] : memref<1024x256xf32, #tpu.memory_space<vmem>>, vector<1x256xf32>
      %add3A_21 = arith.constant 0 : i32
      %add3A_22 = arith.addi %mul3A_14, %add3A_21 : i32
      %get3A_23 = arith.index_cast %add3A_22 : i32 to index
      %get3A_24 = arith.constant 0 : index
      %get3A_25 = vector.load %arg2[%get3A_23, %get3A_24] : memref<1024x256xf32, #tpu.memory_space<vmem>>, vector<1x256xf32>
      %max3A = arith.maximumf %get3A_20, %get3A_25 : vector<1x256xf32>
      %swap3A = arith.index_cast %get3A_17 : i32 to index
      %swap3A_26 = arith.constant 0 : index
      %swap3A_27 = vector.load %arg10[%swap3A, %swap3A_26] : memref<1024x256xf32, #tpu.memory_space<vmem>>, vector<1x256xf32>
      tpu.vector_store %arg10[%swap3A, %swap3A_26], %max3A {strides = array<i32>} : memref<1024x256xf32, #tpu.memory_space<vmem>>, vector<1x256xf32>,
      %add3A_28 = arith.addi %mul3A_2, %mul3A_14 : i32
      %add3A_29 = arith.constant 1 : i32
      %add3A_30 = arith.addi %add3A_28, %add3A_29 : i32
      %get3A_31 = arith.index_cast %add3A_30 : i32 to index
      %get3A_32 = memref.load %arg1[%get3A_31] : memref<16384xi32, #tpu.memory_space<smem>>
      %get3A_33 = arith.index_cast %get3A_32 : i32 to index
      %get3A_34 = arith.constant 0 : index
      %get3A_35 = vector.load %arg11[%get3A_33, %get3A_34] : memref<1024x256xf32, #tpu.memory_space<vmem>>, vector<1x256xf32>
      %add3A_36 = arith.constant 1 : i32
      %add3A_37 = arith.addi %mul3A_14, %add3A_36 : i32
      %get3A_38 = arith.index_cast %add3A_37 : i32 to index
      %get3A_39 = arith.constant 0 : index
      %get3A_40 = vector.load %arg2[%get3A_38, %get3A_39] : memref<1024x256xf32, #tpu.memory_space<vmem>>, vector<1x256xf32>
      %max3A_41 = arith.maximumf %get3A_35, %get3A_40 : vector<1x256xf32>
      %swap3A_42 = arith.index_cast %get3A_32 : i32 to index
      %swap3A_43 = arith.constant 0 : index
      %swap3A_44 = vector.load %arg11[%swap3A_42, %swap3A_43] : memref<1024x256xf32, #tpu.memory_space<vmem>>, vector<1x256xf32>
      tpu.vector_store %arg11[%swap3A_42, %swap3A_43], %max3A_41 {strides = array<i32>} : memref<1024x256xf32, #tpu.memory_space<vmem>>, vector<1x256xf32>,
      %add3A_45 = arith.addi %mul3A_2, %mul3A_14 : i32
      %add3A_46 = arith.constant 2 : i32
      %add3A_47 = arith.addi %add3A_45, %add3A_46 : i32
      %get3A_48 = arith.index_cast %add3A_47 : i32 to index
      %get3A_49 = memref.load %arg1[%get3A_48] : memref<16384xi32, #tpu.memory_space<smem>>
      %get3A_50 = arith.index_cast %get3A_49 : i32 to index
      %get3A_51 = arith.constant 0 : index
      %get3A_52 = vector.load %arg12[%get3A_50, %get3A_51] : memref<1024x256xf32, #tpu.memory_space<vmem>>, vector<1x256xf32>
      %add3A_53 = arith.constant 2 : i32
      %add3A_54 = arith.addi %mul3A_14, %add3A_53 : i32
      %get3A_55 = arith.index_cast %add3A_54 : i32 to index
      %get3A_56 = arith.constant 0 : index
      %get3A_57 = vector.load %arg2[%get3A_55, %get3A_56] : memref<1024x256xf32, #tpu.memory_space<vmem>>, vector<1x256xf32>
      %max3A_58 = arith.maximumf %get3A_52, %get3A_57 : vector<1x256xf32>
      %swap3A_59 = arith.index_cast %get3A_49 : i32 to index
      %swap3A_60 = arith.constant 0 : index
      %swap3A_61 = vector.load %arg12[%swap3A_59, %swap3A_60] : memref<1024x256xf32, #tpu.memory_space<vmem>>, vector<1x256xf32>
      tpu.vector_store %arg12[%swap3A_59, %swap3A_60], %max3A_58 {strides = array<i32>} : memref<1024x256xf32, #tpu.memory_space<vmem>>, vector<1x256xf32>,
      %add3A_62 = arith.addi %mul3A_2, %mul3A_14 : i32
      %add3A_63 = arith.constant 3 : i32
      %add3A_64 = arith.addi %add3A_62, %add3A_63 : i32
      %get3A_65 = arith.index_cast %add3A_64 : i32 to index
      %get3A_66 = memref.load %arg1[%get3A_65] : memref<16384xi32, #tpu.memory_space<smem>>
      %get3A_67 = arith.index_cast %get3A_66 : i32 to index
      %get3A_68 = arith.constant 0 : index
      %get3A_69 = vector.load %arg13[%get3A_67, %get3A_68] : memref<1024x256xf32, #tpu.memory_space<vmem>>, vector<1x256xf32>
      %add3A_70 = arith.constant 3 : i32
      %add3A_71 = arith.addi %mul3A_14, %add3A_70 : i32
      %get3A_72 = arith.index_cast %add3A_71 : i32 to index
      %get3A_73 = arith.constant 0 : index
      %get3A_74 = vector.load %arg2[%get3A_72, %get3A_73] : memref<1024x256xf32, #tpu.memory_space<vmem>>, vector<1x256xf32>
      %max3A_75 = arith.maximumf %get3A_69, %get3A_74 : vector<1x256xf32>
      %swap3A_76 = arith.index_cast %get3A_66 : i32 to index
      %swap3A_77 = arith.constant 0 : index
      %swap3A_78 = vector.load %arg13[%swap3A_76, %swap3A_77] : memref<1024x256xf32, #tpu.memory_space<vmem>>, vector<1x256xf32>
      tpu.vector_store %arg13[%swap3A_76, %swap3A_77], %max3A_75 {strides = array<i32>} : memref<1024x256xf32, #tpu.memory_space<vmem>>, vector<1x256xf32>,
      %add3A_79 = arith.addi %mul3A_2, %mul3A_14 : i32
      %add3A_80 = arith.constant 4 : i32
      %add3A_81 = arith.addi %add3A_79, %add3A_80 : i32
      %get3A_82 = arith.index_cast %add3A_81 : i32 to index
      %get3A_83 = memref.load %arg1[%get3A_82] : memref<16384xi32, #tpu.memory_space<smem>>
      %get3A_84 = arith.index_cast %get3A_83 : i32 to index
      %get3A_85 = arith.constant 0 : index
      %get3A_86 = vector.load %arg14[%get3A_84, %get3A_85] : memref<1024x256xf32, #tpu.memory_space<vmem>>, vector<1x256xf32>
      %add3A_87 = arith.constant 4 : i32
      %add3A_88 = arith.addi %mul3A_14, %add3A_87 : i32
      %get3A_89 = arith.index_cast %add3A_88 : i32 to index
      %get3A_90 = arith.constant 0 : index
      %get3A_91 = vector.load %arg2[%get3A_89, %get3A_90] : memref<1024x256xf32, #tpu.memory_space<vmem>>, vector<1x256xf32>
      %max3A_92 = arith.maximumf %get3A_86, %get3A_91 : vector<1x256xf32>
      %swap3A_93 = arith.index_cast %get3A_83 : i32 to index
      %swap3A_94 = arith.constant 0 : index
      %swap3A_95 = vector.load %arg14[%swap3A_93, %swap3A_94] : memref<1024x256xf32, #tpu.memory_space<vmem>>, vector<1x256xf32>
      tpu.vector_store %arg14[%swap3A_93, %swap3A_94], %max3A_92 {strides = array<i32>} : memref<1024x256xf32, #tpu.memory_space<vmem>>, vector<1x256xf32>,
      %add3A_96 = arith.addi %mul3A_2, %mul3A_14 : i32
      %add3A_97 = arith.constant 5 : i32
      %add3A_98 = arith.addi %add3A_96, %add3A_97 : i32
      %get3A_99 = arith.index_cast %add3A_98 : i32 to index
      %get3A_100 = memref.load %arg1[%get3A_99] : memref<16384xi32, #tpu.memory_space<smem>>
      %get3A_101 = arith.index_cast %get3A_100 : i32 to index
      %get3A_102 = arith.constant 0 : index
      %get3A_103 = vector.load %arg15[%get3A_101, %get3A_102] : memref<1024x256xf32, #tpu.memory_space<vmem>>, vector<1x256xf32>
      %add3A_104 = arith.constant 5 : i32
      %add3A_105 = arith.addi %mul3A_14, %add3A_104 : i32
      %get3A_106 = arith.index_cast %add3A_105 : i32 to index
      %get3A_107 = arith.constant 0 : index
      %get3A_108 = vector.load %arg2[%get3A_106, %get3A_107] : memref<1024x256xf32, #tpu.memory_space<vmem>>, vector<1x256xf32>
      %max3A_109 = arith.maximumf %get3A_103, %get3A_108 : vector<1x256xf32>
      %swap3A_110 = arith.index_cast %get3A_100 : i32 to index
      %swap3A_111 = arith.constant 0 : index
      %swap3A_112 = vector.load %arg15[%swap3A_110, %swap3A_111] : memref<1024x256xf32, #tpu.memory_space<vmem>>, vector<1x256xf32>
      tpu.vector_store %arg15[%swap3A_110, %swap3A_111], %max3A_109 {strides = array<i32>} : memref<1024x256xf32, #tpu.memory_space<vmem>>, vector<1x256xf32>,
      %add3A_113 = arith.addi %mul3A_2, %mul3A_14 : i32
      %add3A_114 = arith.constant 6 : i32
      %add3A_115 = arith.addi %add3A_113, %add3A_114 : i32
      %get3A_116 = arith.index_cast %add3A_115 : i32 to index
      %get3A_117 = memref.load %arg1[%get3A_116] : memref<16384xi32, #tpu.memory_space<smem>>
      %get3A_118 = arith.index_cast %get3A_117 : i32 to index
      %get3A_119 = arith.constant 0 : index
      %get3A_120 = vector.load %arg16[%get3A_118, %get3A_119] : memref<1024x256xf32, #tpu.memory_space<vmem>>, vector<1x256xf32>
      %add3A_121 = arith.constant 6 : i32
      %add3A_122 = arith.addi %mul3A_14, %add3A_121 : i32
      %get3A_123 = arith.index_cast %add3A_122 : i32 to index
      %get3A_124 = arith.constant 0 : index
      %get3A_125 = vector.load %arg2[%get3A_123, %get3A_124] : memref<1024x256xf32, #tpu.memory_space<vmem>>, vector<1x256xf32>
      %max3A_126 = arith.maximumf %get3A_120, %get3A_125 : vector<1x256xf32>
      %swap3A_127 = arith.index_cast %get3A_117 : i32 to index
      %swap3A_128 = arith.constant 0 : index
      %swap3A_129 = vector.load %arg16[%swap3A_127, %swap3A_128] : memref<1024x256xf32, #tpu.memory_space<vmem>>, vector<1x256xf32>
      tpu.vector_store %arg16[%swap3A_127, %swap3A_128], %max3A_126 {strides = array<i32>} : memref<1024x256xf32, #tpu.memory_space<vmem>>, vector<1x256xf32>,
      %add3A_130 = arith.addi %mul3A_2, %mul3A_14 : i32
      %add3A_131 = arith.constant 7 : i32
      %add3A_132 = arith.addi %add3A_130, %add3A_131 : i32
      %get3A_133 = arith.index_cast %add3A_132 : i32 to index
      %get3A_134 = memref.load %arg1[%get3A_133] : memref<16384xi32, #tpu.memory_space<smem>>
      %get3A_135 = arith.index_cast %get3A_134 : i32 to index
      %get3A_136 = arith.constant 0 : index
      %get3A_137 = vector.load %arg17[%get3A_135, %get3A_136] : memref<1024x256xf32, #tpu.memory_space<vmem>>, vector<1x256xf32>
      %add3A_138 = arith.constant 7 : i32
      %add3A_139 = arith.addi %mul3A_14, %add3A_138 : i32
      %get3A_140 = arith.index_cast %add3A_139 : i32 to index
      %get3A_141 = arith.constant 0 : index
      %get3A_142 = vector.load %arg2[%get3A_140, %get3A_141] : memref<1024x256xf32, #tpu.memory_space<vmem>>, vector<1x256xf32>
      %max3A_143 = arith.maximumf %get3A_137, %get3A_142 : vector<1x256xf32>
      %swap3A_144 = arith.index_cast %get3A_134 : i32 to index
      %swap3A_145 = arith.constant 0 : index
      %swap3A_146 = vector.load %arg17[%swap3A_144, %swap3A_145] : memref<1024x256xf32, #tpu.memory_space<vmem>>, vector<1x256xf32>
      tpu.vector_store %arg17[%swap3A_144, %swap3A_145], %max3A_143 {strides = array<i32>} : memref<1024x256xf32, #tpu.memory_space<vmem>>, vector<1x256xf32>,
      %add3A_147 = arith.addi %mul3A_2, %mul3A_14 : i32
      %add3A_148 = arith.constant 8 : i32
      %add3A_149 = arith.addi %add3A_147, %add3A_148 : i32
      %get3A_150 = arith.index_cast %add3A_149 : i32 to index
      %get3A_151 = memref.load %arg1[%get3A_150] : memref<16384xi32, #tpu.memory_space<smem>>
      %get3A_152 = arith.index_cast %get3A_151 : i32 to index
      %get3A_153 = arith.constant 0 : index
      %get3A_154 = vector.load %arg18[%get3A_152, %get3A_153] : memref<1024x256xf32, #tpu.memory_space<vmem>>, vector<1x256xf32>
      %add3A_155 = arith.constant 8 : i32
      %add3A_156 = arith.addi %mul3A_14, %add3A_155 : i32
      %get3A_157 = arith.index_cast %add3A_156 : i32 to index
      %get3A_158 = arith.constant 0 : index
      %get3A_159 = vector.load %arg2[%get3A_157, %get3A_158] : memref<1024x256xf32, #tpu.memory_space<vmem>>, vector<1x256xf32>
      %max3A_160 = arith.maximumf %get3A_154, %get3A_159 : vector<1x256xf32>
      %swap3A_161 = arith.index_cast %get3A_151 : i32 to index
      %swap3A_162 = arith.constant 0 : index
      %swap3A_163 = vector.load %arg18[%swap3A_161, %swap3A_162] : memref<1024x256xf32, #tpu.memory_space<vmem>>, vector<1x256xf32>
      tpu.vector_store %arg18[%swap3A_161, %swap3A_162], %max3A_160 {strides = array<i32>} : memref<1024x256xf32, #tpu.memory_space<vmem>>, vector<1x256xf32>,
      %add3A_164 = arith.addi %mul3A_2, %mul3A_14 : i32
      %add3A_165 = arith.constant 9 : i32
      %add3A_166 = arith.addi %add3A_164, %add3A_165 : i32
      %get3A_167 = arith.index_cast %add3A_166 : i32 to index
      %get3A_168 = memref.load %arg1[%get3A_167] : memref<16384xi32, #tpu.memory_space<smem>>
      %get3A_169 = arith.index_cast %get3A_168 : i32 to index
      %get3A_170 = arith.constant 0 : index
      %get3A_171 = vector.load %arg19[%get3A_169, %get3A_170] : memref<1024x256xf32, #tpu.memory_space<vmem>>, vector<1x256xf32>
      %add3A_172 = arith.constant 9 : i32
      %add3A_173 = arith.addi %mul3A_14, %add3A_172 : i32
      %get3A_174 = arith.index_cast %add3A_173 : i32 to index
      %get3A_175 = arith.constant 0 : index
      %get3A_176 = vector.load %arg2[%get3A_174, %get3A_175] : memref<1024x256xf32, #tpu.memory_space<vmem>>, vector<1x256xf32>
      %max3A_177 = arith.maximumf %get3A_171, %get3A_176 : vector<1x256xf32>
      %swap3A_178 = arith.index_cast %get3A_168 : i32 to index
      %swap3A_179 = arith.constant 0 : index
      %swap3A_180 = vector.load %arg19[%swap3A_178, %swap3A_179] : memref<1024x256xf32, #tpu.memory_space<vmem>>, vector<1x256xf32>
      tpu.vector_store %arg19[%swap3A_178, %swap3A_179], %max3A_177 {strides = array<i32>} : memref<1024x256xf32, #tpu.memory_space<vmem>>, vector<1x256xf32>,
      %add3A_181 = arith.addi %mul3A_2, %mul3A_14 : i32
      %add3A_182 = arith.constant 10 : i32
      %add3A_183 = arith.addi %add3A_181, %add3A_182 : i32
      %get3A_184 = arith.index_cast %add3A_183 : i32 to index
      %get3A_185 = memref.load %arg1[%get3A_184] : memref<16384xi32, #tpu.memory_space<smem>>
      %get3A_186 = arith.index_cast %get3A_185 : i32 to index
      %get3A_187 = arith.constant 0 : index
      %get3A_188 = vector.load %arg20[%get3A_186, %get3A_187] : memref<1024x256xf32, #tpu.memory_space<vmem>>, vector<1x256xf32>
      %add3A_189 = arith.constant 10 : i32
      %add3A_190 = arith.addi %mul3A_14, %add3A_189 : i32
      %get3A_191 = arith.index_cast %add3A_190 : i32 to index
      %get3A_192 = arith.constant 0 : index
      %get3A_193 = vector.load %arg2[%get3A_191, %get3A_192] : memref<1024x256xf32, #tpu.memory_space<vmem>>, vector<1x256xf32>
      %max3A_194 = arith.maximumf %get3A_188, %get3A_193 : vector<1x256xf32>
      %swap3A_195 = arith.index_cast %get3A_185 : i32 to index
      %swap3A_196 = arith.constant 0 : index
      %swap3A_197 = vector.load %arg20[%swap3A_195, %swap3A_196] : memref<1024x256xf32, #tpu.memory_space<vmem>>, vector<1x256xf32>
      tpu.vector_store %arg20[%swap3A_195, %swap3A_196], %max3A_194 {strides = array<i32>} : memref<1024x256xf32, #tpu.memory_space<vmem>>, vector<1x256xf32>,
      %add3A_198 = arith.addi %mul3A_2, %mul3A_14 : i32
      %add3A_199 = arith.constant 11 : i32
      %add3A_200 = arith.addi %add3A_198, %add3A_199 : i32
      %get3A_201 = arith.index_cast %add3A_200 : i32 to index
      %get3A_202 = memref.load %arg1[%get3A_201] : memref<16384xi32, #tpu.memory_space<smem>>
      %get3A_203 = arith.index_cast %get3A_202 : i32 to index
      %get3A_204 = arith.constant 0 : index
      %get3A_205 = vector.load %arg21[%get3A_203, %get3A_204] : memref<1024x256xf32, #tpu.memory_space<vmem>>, vector<1x256xf32>
      %add3A_206 = arith.constant 11 : i32
      %add3A_207 = arith.addi %mul3A_14, %add3A_206 : i32
      %get3A_208 = arith.index_cast %add3A_207 : i32 to index
      %get3A_209 = arith.constant 0 : index
      %get3A_210 = vector.load %arg2[%get3A_208, %get3A_209] : memref<1024x256xf32, #tpu.memory_space<vmem>>, vector<1x256xf32>
      %max3A_211 = arith.maximumf %get3A_205, %get3A_210 : vector<1x256xf32>
      %swap3A_212 = arith.index_cast %get3A_202 : i32 to index
      %swap3A_213 = arith.constant 0 : index
      %swap3A_214 = vector.load %arg21[%swap3A_212, %swap3A_213] : memref<1024x256xf32, #tpu.memory_space<vmem>>, vector<1x256xf32>
      tpu.vector_store %arg21[%swap3A_212, %swap3A_213], %max3A_211 {strides = array<i32>} : memref<1024x256xf32, #tpu.memory_space<vmem>>, vector<1x256xf32>,
      %add3A_215 = arith.addi %mul3A_2, %mul3A_14 : i32
      %add3A_216 = arith.constant 12 : i32
      %add3A_217 = arith.addi %add3A_215, %add3A_216 : i32
      %get3A_218 = arith.index_cast %add3A_217 : i32 to index
      %get3A_219 = memref.load %arg1[%get3A_218] : memref<16384xi32, #tpu.memory_space<smem>>
      %get3A_220 = arith.index_cast %get3A_219 : i32 to index
      %get3A_221 = arith.constant 0 : index
      %get3A_222 = vector.load %arg22[%get3A_220, %get3A_221] : memref<1024x256xf32, #tpu.memory_space<vmem>>, vector<1x256xf32>
      %add3A_223 = arith.constant 12 : i32
      %add3A_224 = arith.addi %mul3A_14, %add3A_223 : i32
      %get3A_225 = arith.index_cast %add3A_224 : i32 to index
      %get3A_226 = arith.constant 0 : index
      %get3A_227 = vector.load %arg2[%get3A_225, %get3A_226] : memref<1024x256xf32, #tpu.memory_space<vmem>>, vector<1x256xf32>
      %max3A_228 = arith.maximumf %get3A_222, %get3A_227 : vector<1x256xf32>
      %swap3A_229 = arith.index_cast %get3A_219 : i32 to index
      %swap3A_230 = arith.constant 0 : index
      %swap3A_231 = vector.load %arg22[%swap3A_229, %swap3A_230] : memref<1024x256xf32, #tpu.memory_space<vmem>>, vector<1x256xf32>
      tpu.vector_store %arg22[%swap3A_229, %swap3A_230], %max3A_228 {strides = array<i32>} : memref<1024x256xf32, #tpu.memory_space<vmem>>, vector<1x256xf32>,
      %add3A_232 = arith.addi %mul3A_2, %mul3A_14 : i32
      %add3A_233 = arith.constant 13 : i32
      %add3A_234 = arith.addi %add3A_232, %add3A_233 : i32
      %get3A_235 = arith.index_cast %add3A_234 : i32 to index
      %get3A_236 = memref.load %arg1[%get3A_235] : memref<16384xi32, #tpu.memory_space<smem>>
      %get3A_237 = arith.index_cast %get3A_236 : i32 to index
      %get3A_238 = arith.constant 0 : index
      %get3A_239 = vector.load %arg23[%get3A_237, %get3A_238] : memref<1024x256xf32, #tpu.memory_space<vmem>>, vector<1x256xf32>
      %add3A_240 = arith.constant 13 : i32
      %add3A_241 = arith.addi %mul3A_14, %add3A_240 : i32
      %get3A_242 = arith.index_cast %add3A_241 : i32 to index
      %get3A_243 = arith.constant 0 : index
      %get3A_244 = vector.load %arg2[%get3A_242, %get3A_243] : memref<1024x256xf32, #tpu.memory_space<vmem>>, vector<1x256xf32>
      %max3A_245 = arith.maximumf %get3A_239, %get3A_244 : vector<1x256xf32>
      %swap3A_246 = arith.index_cast %get3A_236 : i32 to index
      %swap3A_247 = arith.constant 0 : index
      %swap3A_248 = vector.load %arg23[%swap3A_246, %swap3A_247] : memref<1024x256xf32, #tpu.memory_space<vmem>>, vector<1x256xf32>
      tpu.vector_store %arg23[%swap3A_246, %swap3A_247], %max3A_245 {strides = array<i32>} : memref<1024x256xf32, #tpu.memory_space<vmem>>, vector<1x256xf32>,
      %add3A_249 = arith.addi %mul3A_2, %mul3A_14 : i32
      %add3A_250 = arith.constant 14 : i32
      %add3A_251 = arith.addi %add3A_249, %add3A_250 : i32
      %get3A_252 = arith.index_cast %add3A_251 : i32 to index
      %get3A_253 = memref.load %arg1[%get3A_252] : memref<16384xi32, #tpu.memory_space<smem>>
      %get3A_254 = arith.index_cast %get3A_253 : i32 to index
      %get3A_255 = arith.constant 0 : index
      %get3A_256 = vector.load %arg24[%get3A_254, %get3A_255] : memref<1024x256xf32, #tpu.memory_space<vmem>>, vector<1x256xf32>
      %add3A_257 = arith.constant 14 : i32
      %add3A_258 = arith.addi %mul3A_14, %add3A_257 : i32
      %get3A_259 = arith.index_cast %add3A_258 : i32 to index
      %get3A_260 = arith.constant 0 : index
      %get3A_261 = vector.load %arg2[%get3A_259, %get3A_260] : memref<1024x256xf32, #tpu.memory_space<vmem>>, vector<1x256xf32>
      %max3A_262 = arith.maximumf %get3A_256, %get3A_261 : vector<1x256xf32>
      %swap3A_263 = arith.index_cast %get3A_253 : i32 to index
      %swap3A_264 = arith.constant 0 : index
      %swap3A_265 = vector.load %arg24[%swap3A_263, %swap3A_264] : memref<1024x256xf32, #tpu.memory_space<vmem>>, vector<1x256xf32>
      tpu.vector_store %arg24[%swap3A_263, %swap3A_264], %max3A_262 {strides = array<i32>} : memref<1024x256xf32, #tpu.memory_space<vmem>>, vector<1x256xf32>,
      %add3A_266 = arith.addi %mul3A_2, %mul3A_14 : i32
      %add3A_267 = arith.constant 15 : i32
      %add3A_268 = arith.addi %add3A_266, %add3A_267 : i32
      %get3A_269 = arith.index_cast %add3A_268 : i32 to index
      %get3A_270 = memref.load %arg1[%get3A_269] : memref<16384xi32, #tpu.memory_space<smem>>
      %get3A_271 = arith.index_cast %get3A_270 : i32 to index
      %get3A_272 = arith.constant 0 : index
      %get3A_273 = vector.load %arg25[%get3A_271, %get3A_272] : memref<1024x256xf32, #tpu.memory_space<vmem>>, vector<1x256xf32>
      %add3A_274 = arith.constant 15 : i32
      %add3A_275 = arith.addi %mul3A_14, %add3A_274 : i32
      %get3A_276 = arith.index_cast %add3A_275 : i32 to index
      %get3A_277 = arith.constant 0 : index
      %get3A_278 = vector.load %arg2[%get3A_276, %get3A_277] : memref<1024x256xf32, #tpu.memory_space<vmem>>, vector<1x256xf32>
      %max3A_279 = arith.maximumf %get3A_273, %get3A_278 : vector<1x256xf32>
      %swap3A_280 = arith.index_cast %get3A_270 : i32 to index
      %swap3A_281 = arith.constant 0 : index
      %swap3A_282 = vector.load %arg25[%swap3A_280, %swap3A_281] : memref<1024x256xf32, #tpu.memory_space<vmem>>, vector<1x256xf32>
      tpu.vector_store %arg25[%swap3A_280, %swap3A_281], %max3A_279 {strides = array<i32>} : memref<1024x256xf32, #tpu.memory_space<vmem>>, vector<1x256xf32>,
    }
    %scan3A_6 = arith.constant 64 : i32
    %eq3A_7 = arith.constant 15 : i32
    %eq3A_8 = arith.cmpi eq, %arg0, %eq3A_7 : i32
    %convert_element_type3A_9 = arith.extui %eq3A_8 : i1 to i32
    %cond3A_10 = arith.constant 0 : i32
    %cond3A_11 = arith.cmpi ne, %convert_element_type3A_9, %cond3A_10 : i32
    scf.if %cond3A_11 {
      %get3A = arith.constant 0 : index
      %get3A_12 = arith.constant 0 : index
      %get3A_13 = vector.load %arg3[%get3A, %get3A_12] : memref<1024x256xf32, #tpu.memory_space<vmem>>, vector<1024x256xf32>
      %get3A_14 = arith.constant 0 : index
      %get3A_15 = arith.constant 0 : index
      %get3A_16 = vector.load %arg10[%get3A_14, %get3A_15] : memref<1024x256xf32, #tpu.memory_space<vmem>>, vector<1024x256xf32>
      %get3A_17 = arith.constant 0 : index
      %get3A_18 = arith.constant 0 : index
      %get3A_19 = vector.load %arg11[%get3A_17, %get3A_18] : memref<1024x256xf32, #tpu.memory_space<vmem>>, vector<1024x256xf32>
      %max3A = arith.maximumf %get3A_16, %get3A_19 : vector<1024x256xf32>
      %get3A_20 = arith.constant 0 : index
      %get3A_21 = arith.constant 0 : index
      %get3A_22 = vector.load %arg12[%get3A_20, %get3A_21] : memref<1024x256xf32, #tpu.memory_space<vmem>>, vector<1024x256xf32>
      %max3A_23 = arith.maximumf %max3A, %get3A_22 : vector<1024x256xf32>
      %get3A_24 = arith.constant 0 : index
      %get3A_25 = arith.constant 0 : index
      %get3A_26 = vector.load %arg13[%get3A_24, %get3A_25] : memref<1024x256xf32, #tpu.memory_space<vmem>>, vector<1024x256xf32>
      %max3A_27 = arith.maximumf %max3A_23, %get3A_26 : vector<1024x256xf32>
      %get3A_28 = arith.constant 0 : index
      %get3A_29 = arith.constant 0 : index
      %get3A_30 = vector.load %arg14[%get3A_28, %get3A_29] : memref<1024x256xf32, #tpu.memory_space<vmem>>, vector<1024x256xf32>
      %max3A_31 = arith.maximumf %max3A_27, %get3A_30 : vector<1024x256xf32>
      %get3A_32 = arith.constant 0 : index
      %get3A_33 = arith.constant 0 : index
      %get3A_34 = vector.load %arg15[%get3A_32, %get3A_33] : memref<1024x256xf32, #tpu.memory_space<vmem>>, vector<1024x256xf32>
      %max3A_35 = arith.maximumf %max3A_31, %get3A_34 : vector<1024x256xf32>
      %get3A_36 = arith.constant 0 : index
      %get3A_37 = arith.constant 0 : index
      %get3A_38 = vector.load %arg16[%get3A_36, %get3A_37] : memref<1024x256xf32, #tpu.memory_space<vmem>>, vector<1024x256xf32>
      %max3A_39 = arith.maximumf %max3A_35, %get3A_38 : vector<1024x256xf32>
      %get3A_40 = arith.constant 0 : index
      %get3A_41 = arith.constant 0 : index
      %get3A_42 = vector.load %arg17[%get3A_40, %get3A_41] : memref<1024x256xf32, #tpu.memory_space<vmem>>, vector<1024x256xf32>
      %max3A_43 = arith.maximumf %max3A_39, %get3A_42 : vector<1024x256xf32>
      %get3A_44 = arith.constant 0 : index
      %get3A_45 = arith.constant 0 : index
      %get3A_46 = vector.load %arg18[%get3A_44, %get3A_45] : memref<1024x256xf32, #tpu.memory_space<vmem>>, vector<1024x256xf32>
      %max3A_47 = arith.maximumf %max3A_43, %get3A_46 : vector<1024x256xf32>
      %get3A_48 = arith.constant 0 : index
      %get3A_49 = arith.constant 0 : index
      %get3A_50 = vector.load %arg19[%get3A_48, %get3A_49] : memref<1024x256xf32, #tpu.memory_space<vmem>>, vector<1024x256xf32>
      %max3A_51 = arith.maximumf %max3A_47, %get3A_50 : vector<1024x256xf32>
      %get3A_52 = arith.constant 0 : index
      %get3A_53 = arith.constant 0 : index
      %get3A_54 = vector.load %arg20[%get3A_52, %get3A_53] : memref<1024x256xf32, #tpu.memory_space<vmem>>, vector<1024x256xf32>
      %max3A_55 = arith.maximumf %max3A_51, %get3A_54 : vector<1024x256xf32>
      %get3A_56 = arith.constant 0 : index
      %get3A_57 = arith.constant 0 : index
      %get3A_58 = vector.load %arg21[%get3A_56, %get3A_57] : memref<1024x256xf32, #tpu.memory_space<vmem>>, vector<1024x256xf32>
      %max3A_59 = arith.maximumf %max3A_55, %get3A_58 : vector<1024x256xf32>
      %get3A_60 = arith.constant 0 : index
      %get3A_61 = arith.constant 0 : index
      %get3A_62 = vector.load %arg22[%get3A_60, %get3A_61] : memref<1024x256xf32, #tpu.memory_space<vmem>>, vector<1024x256xf32>
      %max3A_63 = arith.maximumf %max3A_59, %get3A_62 : vector<1024x256xf32>
      %get3A_64 = arith.constant 0 : index
      %get3A_65 = arith.constant 0 : index
      %get3A_66 = vector.load %arg23[%get3A_64, %get3A_65] : memref<1024x256xf32, #tpu.memory_space<vmem>>, vector<1024x256xf32>
      %max3A_67 = arith.maximumf %max3A_63, %get3A_66 : vector<1024x256xf32>
      %get3A_68 = arith.constant 0 : index
      %get3A_69 = arith.constant 0 : index
      %get3A_70 = vector.load %arg24[%get3A_68, %get3A_69] : memref<1024x256xf32, #tpu.memory_space<vmem>>, vector<1024x256xf32>
      %max3A_71 = arith.maximumf %max3A_67, %get3A_70 : vector<1024x256xf32>
      %get3A_72 = arith.constant 0 : index
      %get3A_73 = arith.constant 0 : index
      %get3A_74 = vector.load %arg25[%get3A_72, %get3A_73] : memref<1024x256xf32, #tpu.memory_space<vmem>>, vector<1024x256xf32>
      %max3A_75 = arith.maximumf %max3A_71, %get3A_74 : vector<1024x256xf32>
      %get3A_76 = arith.constant 0 : index
      %get3A_77 = arith.constant 0 : index
      %get3A_78 = vector.load %arg4[%get3A_76, %get3A_77] : memref<256x512xf32, #tpu.memory_space<vmem>>, vector<256x512xf32>
      %dot_general3A = arith.constant dense<0.000000e+00> : vector<1024x512xf32>
      %dot_general3A_79 = tpu.matmul %get3A_13, %get3A_78, %dot_general3A {dimension_numbers = #tpu.dot_dimension_numbers<[1], [0], [0], [1], [0, 0, 1, 1], [], []>, transpose_lhs_hint = false} : vector<1024x256xf32>, vector<256x512xf32>, vector<1024x512xf32> -> vector<1024x512xf32>
      %get3A_80 = arith.constant 0 : index
      %get3A_81 = arith.constant 0 : index
      %get3A_82 = vector.load %arg5[%get3A_80, %get3A_81] : memref<256x512xf32, #tpu.memory_space<vmem>>, vector<256x512xf32>
      %dot_general3A_83 = arith.constant dense<0.000000e+00> : vector<1024x512xf32>
      %dot_general3A_84 = tpu.matmul %max3A_75, %get3A_82, %dot_general3A_83 {dimension_numbers = #tpu.dot_dimension_numbers<[1], [0], [0], [1], [0, 0, 1, 1], [], []>, transpose_lhs_hint = false} : vector<1024x256xf32>, vector<256x512xf32>, vector<1024x512xf32> -> vector<1024x512xf32>
      %add3A = arith.addf %dot_general3A_79, %dot_general3A_84 : vector<1024x512xf32>
      %get3A_85 = arith.constant 0 : index
      %get3A_86 = arith.constant 0 : index
      %get3A_87 = vector.load %arg6[%get3A_85, %get3A_86] : memref<1x512xf32, #tpu.memory_space<vmem>>, vector<1x512xf32>
      %add3A_88 = vector.broadcast %get3A_87 : vector<1x512xf32> to vector<1024x512xf32>
      %add3A_89 = arith.addf %add3A, %add3A_88 : vector<1024x512xf32>
      %max3A_90 = arith.constant 0.000000e+00 : f32
      %max3A_91 = vector.broadcast %max3A_90 : f32 to vector<1024x512xf32>
      %max3A_92 = arith.maximumf %add3A_89, %max3A_91 : vector<1024x512xf32>
      %get3A_93 = arith.constant 0 : index
      %get3A_94 = arith.constant 0 : index
      %get3A_95 = vector.load %arg7[%get3A_93, %get3A_94] : memref<512x256xf32, #tpu.memory_space<vmem>>, vector<512x256xf32>
      %dot_general3A_96 = arith.constant dense<0.000000e+00> : vector<1024x256xf32>
      %dot_general3A_97 = tpu.matmul %max3A_92, %get3A_95, %dot_general3A_96 {dimension_numbers = #tpu.dot_dimension_numbers<[1], [0], [0], [1], [0, 0, 1, 1], [], []>, transpose_lhs_hint = false} : vector<1024x512xf32>, vector<512x256xf32>, vector<1024x256xf32> -> vector<1024x256xf32>
      %get3A_98 = arith.constant 0 : index
      %get3A_99 = arith.constant 0 : index
      %get3A_100 = vector.load %arg8[%get3A_98, %get3A_99] : memref<1x256xf32, #tpu.memory_space<vmem>>, vector<1x256xf32>
      %add3A_101 = vector.broadcast %get3A_100 : vector<1x256xf32> to vector<1024x256xf32>
      %add3A_102 = arith.addf %dot_general3A_97, %add3A_101 : vector<1024x256xf32>
      %swap3A = arith.constant 0 : index
      %swap3A_103 = arith.constant 0 : index
      %swap3A_104 = vector.load %arg9[%swap3A, %swap3A_103] : memref<1024x256xf32, #tpu.memory_space<vmem>>, vector<1024x256xf32>
      tpu.vector_store %arg9[%swap3A, %swap3A_103], %add3A_102 {strides = array<i32>} : memref<1024x256xf32, #tpu.memory_space<vmem>>, vector<1024x256xf32>,
    } else {
    }
    return
  }
  func.func @transform_0(%arg0: i32, %arg1: memref<16384xi32, #tpu.memory_space<smem>>) -> (i32, i32) {
    %c0_i32 = arith.constant 0 : i32
    %c0_i32_0 = arith.constant 0 : i32
    return %arg0, %c0_i32 : i32, i32
  }
  func.func @transform_1(%arg0: i32, %arg1: memref<16384xi32, #tpu.memory_space<smem>>) -> (i32, i32) {
    %c0_i32 = arith.constant 0 : i32
    %c0_i32_0 = arith.constant 0 : i32
    %c0_i32_1 = arith.constant 0 : i32
    return %c0_i32, %c0_i32_0 : i32, i32
  }
  func.func @transform_2(%arg0: i32, %arg1: memref<16384xi32, #tpu.memory_space<smem>>) -> (i32, i32) {
    %c0_i32 = arith.constant 0 : i32
    %c0_i32_0 = arith.constant 0 : i32
    %c0_i32_1 = arith.constant 0 : i32
    return %c0_i32, %c0_i32_0 : i32, i32
  }
  func.func @transform_3(%arg0: i32, %arg1: memref<16384xi32, #tpu.memory_space<smem>>) -> (i32, i32) {
    %c0_i32 = arith.constant 0 : i32
    %c0_i32_0 = arith.constant 0 : i32
    %c0_i32_1 = arith.constant 0 : i32
    return %c0_i32, %c0_i32_0 : i32, i32
  }
  func.func @transform_4(%arg0: i32, %arg1: memref<16384xi32, #tpu.memory_space<smem>>) -> (i32, i32) {
    %c0_i32 = arith.constant 0 : i32
    %c0_i32_0 = arith.constant 0 : i32
    %c0_i32_1 = arith.constant 0 : i32
    return %c0_i32, %c0_i32_0 : i32, i32
  }
  func.func @transform_5(%arg0: i32, %arg1: memref<16384xi32, #tpu.memory_space<smem>>) -> (i32, i32) {
    %c0_i32 = arith.constant 0 : i32
    %c0_i32_0 = arith.constant 0 : i32
    %c0_i32_1 = arith.constant 0 : i32
    return %c0_i32, %c0_i32_0 : i32, i32
  }
  func.func @transform_6(%arg0: i32, %arg1: memref<16384xi32, #tpu.memory_space<smem>>) -> (i32, i32) {
    %c0_i32 = arith.constant 0 : i32
    %c0_i32_0 = arith.constant 0 : i32
    %c0_i32_1 = arith.constant 0 : i32
    return %c0_i32, %c0_i32_0 : i32, i32
  }
  func.func @transform_7(%arg0: i32, %arg1: memref<16384xi32, #tpu.memory_space<smem>>) -> (i32, i32) {
    %c0_i32 = arith.constant 0 : i32
    %c0_i32_0 = arith.constant 0 : i32
    %c0_i32_1 = arith.constant 0 : i32
    return %c0_i32, %c0_i32_0 : i32, i32
  }
}

</mosaic_0001>

<sc_bundles>
// kernel: kernel.11.cloned.1.call-start
scs
__scs_entry_jumppad:
0x0: {  	(pc) =	sbr.rel $0x88, $3  }
0x1: {  	(tag) =	ssettag $0x0;
	lr =	simm.s32 $0x1  }
0x2: {  	[smem:$0x3F5F] =	sst lr;
	_ =	strace $0xD0000000  }
0x3: {  	_ = 	snop  }
0x4: {  	_ = 	snop  }
0x5: {  	_ = 	snop  }
0x6: {  	_ = 	snop  }
0x7: {  	_ = 	snop  }
__scs_overlays_trampoline_lowered:
0x8: {  	[smem:$0x3F6E] =	sst s0  }
0x9: {  	[smem:$0x3F6F] =	sst s1  }
0xa: {  	[smem:$0x3F70] =	sst s2  }
0xb: {  	[smem:$0x3F71] =	sst s3  }
0xc: {  	[smem:$0x3F72] =	sst s4  }
0xd: {  	[smem:$0x3F73] =	sst s5  }
0xe: {  	[smem:$0x3F74] =	sst s6  }
0xf: {  	[smem:$0x3F75] =	sst s7  }
0x10: {  	[smem:$0x3F76] =	sst s8  }
0x11: {  	[smem:$0x3F77] =	sst s9;
	s0 =	simm.s32 @!p0 $0x0  }
0x12: {  	s1 =	sld [smem:$0x3F5D];
	s0 =	simm.s32 @p0 $0x1  }
0x13: {  	[smem:$0x3F78] =	sst s0;
	s0 =	simm.s32 @!p1 $0x0  }
0x14: {  	s2 =	sld [smem:$0x3F5C];
	s0 =	simm.s32 @p1 $0x1  }
0x15: {  	[smem:$0x3F79] =	sst s0;
	s0 =	simm.s32 @!p2 $0x0  }
0x16: {  	s3 =	sld [smem:$0x3FDB];
	s0 =	simm.s32 @p2 $0x1  }
0x17: {  	s4 =	simm.s32 $0x1BF5;
	[smem:$0x3F7B] =	sst s0  }
0x18: {  	s0 =	sld [smem:$0x3F5E];
	_ =	swait.ge [sflag:s4], $0x0  }
0x19: {  	s7 =	sld [smem:$0x3F5F]  }
0x1a: {  	s8 =	sadd.s32 $0xFFFFE003, lr  }
0x1b: {  	s9 =	sadd.s32 $0xFFFFFEF7, lr;
	s5 =	simm.s32 $0xFFFFFFFF;
	p2 =	slt.u32 s8, $0xFFFFF086  }
0x1c: {  	p1 =	slt.u32 s9, $0xF7A;
	s5 =	simm.s32 @!p2 $0x0  }
0x1d: {  	s5 =	simm.s32 @p1 $0x1;
	p0 =	seq.s32 s7, s2  }
0x1e: {  	s7 =	smul.u32 @!p0 $0xF7A, s2;
	p2 =	seq.s32 @!p0 s5, $0x0  }
0x1f: {  	s9 =	smul.u32 $0xF7A, s1;
	s8 =	simm.s32 @!p0 $0x1BF5;
	p2 =	por !p2, p0  }
0x20: {  	[sflag:s8] =	ssyncset.s32 @!p0 $0xFFFFF086;
	s6 =	sadd.s32 @!p0 s3, s7;
	s7 =	simm.s32 @!p0 $0x108  }
0x21: {  	s3 =	sadd.s32 s3, s9;
	s6 =	sadd.s32 @!p0 $0x88, s6;
	s7 =	simm.s32 @p2 $0x1082  }
0x22: {  	[simem:s7], [sflag:s8] =	dma.local @!p0 [hbm:s6], $0xF7A  }
0x23: {  	s9 =	sor.u32 $0xD0000000, s2;
	s6 =	simm.s32 $0x108;
	_ =	swait.ge @!p0 [sflag:s8], $0x0  }
0x24: {  	s3 =	sadd.s32 $0x88, s3;
	s6 =	simm.s32 @!p1 $0x1082;
	[sflag:s4] =	ssyncset.s32 $0xFFFFF086  }
0x25: {  	[simem:s6], [sflag:s4] =	dma.local [hbm:s3], $0xF7A  }
0x26: {  	[smem:$0x3F5F] =	sst s1;
	(tag) =	ssettag s2;
	_ =	strace s9  }
0x27: {  	s1 =	sld [smem:$0x3F6F]  }
0x28: {  	s2 =	sld [smem:$0x3F70]  }
0x29: {  	s4 =	sld [smem:$0x3F72]  }
0x2a: {  	p0 =	seq.s32 s5, $0x0;
	s5 =	sld [smem:$0x3F73]  }
0x2b: {  	s6 =	sld [smem:$0x3F74]  }
0x2c: {  	s7 =	sld [smem:$0x3F75]  }
0x2d: {  	s3 =	simm.s32 $0x108;
	s8 =	sld [smem:$0x3F76]  }
0x2e: {  	s3 =	simm.s32 @!p0 $0x1082;
	s9 =	sld [smem:$0x3F77]  }
0x2f: {  	lr =	sadd.s32 s0, s3;
	s0 =	sld [smem:$0x3F6E]  }
0x30: {  	s3 =	sld [smem:$0x3F71]  }
0x31: {  	[smem:$0x3F7A] =	sst s10  }
0x32: {  	s10 =	sld [smem:$0x3F78];
	_ =	sdelay $0x3  }
0x33: {  	p0 =	seq.s32 s10, $0x1;
	s10 =	sld [smem:$0x3F7A];
	_ =	sdelay $0x3  }
0x34: {  	[smem:$0x3F7A] =	sst s10  }
0x35: {  	s10 =	sld [smem:$0x3F79];
	_ =	sdelay $0x3  }
0x36: {  	p1 =	seq.s32 s10, $0x1;
	s10 =	sld [smem:$0x3F7A];
	_ =	sdelay $0x3  }
0x37: {  	[smem:$0x3F7A] =	sst s10  }
0x38: {  	s10 =	sld [smem:$0x3F7B]  }
0x39: {  	_ = 	snop;
	(pc) =	sbr.ind lr, $3  }
0x3a: {  	_ = 	snop  }
0x3b: {  	_ = 	snop  }
0x3c: {  	p2 =	seq.s32 s10, $0x1;
	s10 =	sld [smem:$0x3F7A]  }
0x3d: {  	_ =	shalt  }
0x3e: {  	_ =	shalt  }
0x3f: {  	_ =	shalt  }
0x40: {  	_ =	shalt  }
0x41: {  	_ =	shalt  }
0x42: {  	_ =	shalt  }
0x43: {  	_ =	shalt  }
0x44: {  	_ =	shalt  }
0x45: {  	_ =	shalt  }
0x46: {  	_ =	shalt  }
0x47: {  	_ =	shalt  }
0x48: {  	_ =	shalt  }
0x49: {  	_ =	shalt  }
0x4a: {  	_ =	shalt  }
0x4b: {  	_ =	shalt  }
0x4c: {  	_ =	shalt  }
0x4d: {  	_ =	shalt  }
0x4e: {  	_ =	shalt  }
0x4f: {  	_ =	shalt  }
0x50: {  	_ =	shalt  }
0x51: {  	_ =	shalt  }
0x52: {  	_ =	shalt  }
0x53: {  	_ =	shalt  }
0x54: {  	_ =	shalt  }
0x55: {  	_ =	shalt  }
0x56: {  	_ =	shalt  }
0x57: {  	_ =	shalt  }
0x58: {  	_ =	shalt  }
0x59: {  	_ =	shalt  }
0x5a: {  	_ =	shalt  }
0x5b: {  	_ =	shalt  }
0x5c: {  	_ =	shalt  }
0x5d: {  	_ =	shalt  }
0x5e: {  	_ =	shalt  }
0x5f: {  	_ =	shalt  }
0x60: {  	_ =	shalt  }
0x61: {  	_ =	shalt  }
0x62: {  	_ =	shalt  }
0x63: {  	_ =	shalt  }
0x64: {  	_ =	shalt  }
0x65: {  	_ =	shalt  }
0x66: {  	_ =	shalt  }
0x67: {  	_ =	shalt  }
0x68: {  	_ =	shalt  }
0x69: {  	_ =	shalt  }
0x6a: {  	_ =	shalt  }
0x6b: {  	_ =	shalt  }
0x6c: {  	_ =	shalt  }
0x6d: {  	_ =	shalt  }
0x6e: {  	_ =	shalt  }
0x6f: {  	_ =	shalt  }
0x70: {  	_ =	shalt  }
0x71: {  	_ =	shalt  }
0x72: {  	_ =	shalt  }
0x73: {  	_ =	shalt  }
0x74: {  	_ =	shalt  }
0x75: {  	_ =	shalt  }
0x76: {  	_ =	shalt  }
0x77: {  	_ =	shalt  }
0x78: {  	_ =	shalt  }
0x79: {  	_ =	shalt  }
0x7a: {  	_ =	shalt  }
0x7b: {  	_ =	shalt  }
0x7c: {  	_ =	shalt  }
0x7d: {  	_ =	shalt  }
0x7e: {  	_ =	shalt  }
0x7f: {  	_ =	shalt  }
0x80: {  	_ =	shalt  }
0x81: {  	_ =	shalt  }
0x82: {  	_ =	shalt  }
0x83: {  	_ =	shalt  }
0x84: {  	_ =	shalt  }
0x85: {  	_ =	shalt  }
0x86: {  	_ =	shalt  }
0x87: {  	_ =	shalt  }
.Lfunc_end0:
.L_simem_size_0:
called_computation.1_lowered:
.L_overlay_start_0:
0x88: {  	s2 =	sld [smem:$0x3FD9]  }
0x89: {  	s3 =	sld [smem:$0x3FFE];
	_ =	sdelay $0x1  }
0x8a: {  	s1 =	srdreg.scid  }
0x8b: {  	s0 =	sand.u32 $0x1, s1  }
0x8c: {  	s14 =	sshll.u32 s0, $0xA;
	s2 =	sadd.s32 s3, s2  }
0x8d: {  	s2 =	sadd.s32 s2, s14  }
0x8e: {  	[smem:$0x3F86] =	sst s2  }
0x8f: {  	_ = 	snop  }
0x90: {  	s2 =	sld [smem:$0x3FD0];
	_ =	sdelay $0x2  }
0x91: {  	s15 =	simm.s32 $0xA;
	s4 =	simm.s32 $0x10  }
0x92: {  	[smem:s4], [sflag:s15] =	dma.local [hbm:s2], $0x1  }
0x93: {  	_ =	swait.eq [sflag:s15], $0x1  }
0x94: {  	[sflag:s15] =	ssyncset.done $0x0  }
0x95: {  	s16 =	sld [smem:$0x10];
	[sflag:s15] =	ssyncadd.s32 $0xFFFFFFFF  }
0x96: {  	s17 =	sld [smem:$0x12];
	(tm) =	ssettm $0x1  }
0x97: {  	s18 =	sld [smem:$0x3FFB];
	_ =	sdelay $0x3  }
0x98: {  	_ =	strace s18  }
0x99: {  	s4 =	sld [smem:$0x3FFC];
	_ =	sdelay $0x3  }
0x9a: {  	_ =	strace s4  }
0x9b: {  	s4 =	sld [smem:$0x3FFD];
	_ =	sdelay $0x3  }
0x9c: {  	_ =	strace s4  }
0x9d: {  	_ =	strace $0x8FFFFFFF  }
0x9e: {  	s19 =	sld [smem:$0x3FDB];
	_ =	sdelay $0x1  }
0x9f: {  	s5 =	simm.s32 $_scs_section_size  }
0xa0: {  	s6 =	simm.s32 $_size__tile_overlayer_lowered;
	s7 =	simm.s32 $_tile_overlayer_lowered  }
0xa1: {  	s22 =	simm.s32 $0x1BFF;
	s21 =	sshll.u32 s7, $0x1;
	s4 =	sadd.s32 s5, s19  }
0xa2: {  	s8 =	simm.s32 $0x0;
	s20 =	sshll.u32 s6, $0x1;
	s6 =	sadd.s32 s21, s4  }
0xa3: {  	[timem:s8], [sflag:s22] =	dma.local [hbm:s6], s20  }
0xa4: {  	_ =	swait.ge [sflag:s22], s20  }
0xa5: {  	s5 =	ssub.s32 $0x0, s20;
	[sflag:s22] =	ssyncset.done $0x0  }
0xa6: {  	[sflag:s22] =	ssyncadd.s32 s5;
	_ =	sdelay $0x1  }
0xa7: {  	s23 =	simm.s32 $0x1B8B  }
0xa8: {  	_ =	swait.ge [sflag:s23], $0x1  }
0xa9: {  	[sflag:s23] =	ssyncset.done $0x0  }
0xaa: {  	s25 =	simm.s32 $0x1B8E;
	s24 =	sld [smem:$0x3FFE];
	[sflag:s23] =	ssyncadd.s32 $0xFFFFFFFF  }
0xab: {  	s26 =	simm.s32 $execute0_lowered;
	[smem:$0x3FD2] =	sst s25  }
0xac: {  	s6 =	sshll.u32 s26, $0x1;
	_ =	strace $0x80000049;
	[dreg:$0x1] =	wrdreg $0xFFFFFFFF  }
0xad: {  	s28 =	simm.s32 $_size_execute0_lowered;
	s4 =	sadd.s32 s4, s6;
	[dreg:$0x0] =	wrdreg $0x0  }
0xae: {  	s6 =	sshll.u32 s28, $0x1;
	[dreg:$0x2] =	wrdreg s4  }
0xaf: {  	[dreg:$0x3] =	wrdreg s6  }
0xb0: {  	[dreg:$0x4] =	wrdreg $0xC0  }
0xb1: {  	_ =	task [dreg:s8], $0x5FFFF  }
0xb2: {  	[dreg:$0x1] =	wrdreg $0xFFFFFFFF  }
0xb3: {  	[dreg:$0x0] =	wrdreg $0x60  }
0xb4: {  	[dreg:$0x2] =	wrdreg s16  }
0xb5: {  	[dreg:$0x3] =	wrdreg s24  }
0xb6: {  	[dreg:$0x4] =	wrdreg s17  }
0xb7: {  	[dreg:$0x5] =	wrdreg $0x9  }
0xb8: {  	_ =	task.clear_ibuf [dreg:s8], $0x6FFFF;
	_ =	strace $0x90000049  }
0xb9: {  	s29 =	simm.s32 $0x9;
	_ =	strace $0x8000004B  }
0xba: {  	_ =	swait.ge [sflag:s29], $0x1  }
0xbb: {  	[sflag:s29] =	ssyncadd.s32 $0xFFFFFFFF  }
0xbc: {  	_ =	strace $0x9000004B  }
0xbd: {  	_ =	sfence  }
0xbe: {  	s30 =	sld [smem:$0x0];
	_ =	sdelay $0x2  }
0xbf: {  	s31 =	sshll.u32 s1, $0xD;
	s1 =	sshrl.u32 s1, $0x2  }
0xc0: {  	s3 =	sand.u32 $0x4000, s31;
	s1 =	sadd.s32 s1, s30  }
0xc1: {  	s0 =	sor.u32 s3, s0;
	s1 =	sshll.u32 s1, $0x11  }
0xc2: {  	s0 =	sor.u32 s1, s0  }
0xc3: {  	s0 =	sadd.s32 $0x8F2B, s0  }
0xc4: {  	[sflag:s0] =	ssyncadd.remote.s32 $0x1  }
0xc5: {  	_ =	sfence.sel $0xFFFF  }
0xc6: {  	[dreg:$0x0] =	wrdreg $0xFFFFFFFF;
	(pc) =	sbr.abs _section_cstart, $3  }
0xc7: {  	[dreg:$0x1] =	wrdreg $0xFFFFFFFF  }
0xc8: {  	_ =	task.clear_ibuf [dreg:s8], $0x2FFFF;
	_ =	strace $0x9FFFFFFF  }
0xc9: {  	(tm) =	ssettm $0x7FFFFFFF  }
tec
execute0_lowered:
.L_overlay_start_1:
0x0: {  	(tag) =	ssettag $0x1  }
0x1: {  	s1 =	rddreg [dreg:$0x0]  }
0x2: {  	s4 =	rddreg [dreg:$0x1]  }
0x3: {  	s5 =	rddreg [dreg:$0x2];
	s3 =	srdreg.scid  }
0x4: {  	s0 =	stileid.u32;
	s12 =	simm.s32 $0x880;
	s13 =	simm.s32 $0x1080  }
0x5: {  	s14 =	simm.s32 $0x1880;
	s6 =	sand.u32 $0x1, s3;
	s3 =	simm.s32 $0x0  }
0x6: {  	s15 =	simm.s32 $0x2080;
	s16 =	simm.s32 $0x2880;
	[smem:$0x7FF] =	sst s3  }
0x7: {  	s17 =	simm.s32 $0x3080;
	_ =	strace $0x8000004A;
	[dreg:$0x6] =	wrdreg s12  }
0x8: {  	s19 =	simm.s32 $0x3880;
	s21 =	simm.s32 $0x4080;
	[dreg:$0x7] =	wrdreg s13  }
0x9: {  	s22 =	simm.s32 $0x4880;
	s23 =	simm.s32 $0x5080;
	[dreg:$0x8] =	wrdreg s14  }
0xa: {  	s25 =	simm.s32 $0x5880;
	s26 =	simm.s32 $0x6080;
	[dreg:$0x9] =	wrdreg s15  }
0xb: {  	s30 =	simm.s32 $0x6880;
	s31 =	simm.s32 $0x7080;
	[dreg:$0xa] =	wrdreg s16  }
0xc: {  	s9 =	simm.s32 $0x8080;
	s10 =	simm.s32 $0x8100;
	[dreg:$0xb] =	wrdreg s17  }
0xd: {  	s11 =	simm.s32 $0x8900;
	s28 =	simm.s32 $0x2;
	[dreg:$0xc] =	wrdreg s19  }
0xe: {  	s29 =	simm.s32 $0x0;
	s7 =	sshll.u32 s0, $0xB;
	[dreg:$0xd] =	wrdreg s21  }
0xf: {  	s4 =	sadd.s32 $0x9C00, s4;
	s24 =	sshll.u32 s0, $0x10;
	[dreg:$0xe] =	wrdreg s22  }
0x10: {  	s8 =	sshll.u32 s6, $0xA;
	s18 =	ssub.s32 $0x2, s6;
	[dreg:$0xf] =	wrdreg s23  }
0x11: {  	s5 =	sadd.s32 s24, s5;
	s6 =	sshll.u32 s6, $0xF;
	[dreg:$0x10] =	wrdreg s25  }
0x12: {  	s24 =	simm.s32 $0xF100;
	s7 =	sor.u32 s8, s7;
	[dreg:$0x11] =	wrdreg s26  }
0x13: {  	s20 =	sshrl.u32 s18, $0x1;
	s5 =	sadd.s32 s6, s5;
	[dreg:$0x12] =	wrdreg s30  }
0x14: {  	s6 =	simm.s32 $0x3;
	[dreg:$0x13] =	wrdreg s31;
	s12 =	simm.s32 $0x9100  }
0x15: {  	s13 =	simm.s32 $0x9900;
	s14 =	simm.s32 $0xA100;
	s15 =	simm.s32 $0xA900  }
0x16: {  	s16 =	simm.s32 $0xB100;
	s17 =	simm.s32 $0xB900;
	s19 =	simm.s32 $0xC900  }
0x17: {  	s21 =	simm.s32 $0xD900;
	s22 =	simm.s32 $0xE100;
	s23 =	simm.s32 $0xE900  }
0x18: {  	s25 =	simm.s32 $0xF900;
	s8 =	sshrl.u32 s7, $0x3;
	s7 =	sor.u32 $0x80, s7  }
0x19: {  	s26 =	simm.s32 $0x1;
	s8 =	sadd.s32 s8, s4;
	s7 =	sshrl.u32 s7, $0x3  }
0x1a: {  	v2 =	vlaneseq.u32;
	[dreg:$0x4] =	wrdreg s8;
	s4 =	sadd.s32 s7, s4;
	s7 =	ssub.s32 s18, s20  }
0x1b: {  	vm0 =	vmmov $0xffff;
	v1 =	vshrl.u32 v2, $0x3;
	s8 =	simm.s32 $0x7880;
	s18 =	simm.s32 $0xC100;
	s20 =	simm.s32 $0xD100  }
0x1c: {  	v0 =	vand.u32 $0x7, v2;
	v2 =	vor.u32 $0x8, v2;
	v1 =	vmul.u32 $0x8, v1;
	[dreg:$0x5] =	wrdreg s4;
	s4 =	smax.u32 s7, $0x1;
	s7 =	simm.s32 $0x80  }
.LBB2_1:
0x1d: {  	s30 =	smov.u32 s5;
	s31 =	simm.s32 $0x0  }
.LBB2_2:
0x1e: {  	s0 =	rddreg [dreg:$0x4]  }
0x1f: {  	s0 =	sadd.s32 s31, s0  }
0x20: {  	[tilespmem:s3], [sflag:$0x3] =	stream.linear.gather [hbm4b:s0+s3], $0x80, $0x38;
	[tilespmem:$0x10100] =	vst v63  }
0x21: {  	_ =	swait.ge [sflag:s6], $0x80  }
0x22: {  	[sflag:s6] =	ssyncset.done $0x0  }
0x23: {  	[sflag:s6] =	ssyncadd.s32 $0xFFFFFF80  }
0x24: {  	v3 =	vld [tilespmem:$0x0];
	_ =	sdelay $0x4  }
0x25: {  	v4 =	vshll.u32 v3, $0x1  }
0x26: {  	v3 =	vand.u32 $0x7, v3;
	v4 =	vand.u32 $0xFFFFFFF0, v4  }
0x27: {  	v3 =	vor.u32 v3, v4  }
0x28: {  	v4 =	vperm.xlane v3, v0;
	_ =	sdelay $0x1  }
0x29: {  	v3 =	vperm.xlane v3, v2;
	v4 =	vadd.s32 v1, v4;
	_ =	sdelay $0x1  }
0x2a: {  	v3 =	vadd.s32 v1, v3;
	_ =	sdelay $0x2  }
0x2b: {  	[tilespmem:s7], [sflag:$0x1] =	stream.indirect_vreg.gather [hbm4b:s1+s3], $0x80, v4, vm0, $0xb8;
	[tilespmem:$0x10100] =	vst v63  }
0x2c: {  	s2 =	rddreg [dreg:$0x6]  }
0x2d: {  	[tilespmem:s2], [sflag:$0x1] =	stream.indirect_vreg.gather [hbm4b:s1+s3], $0x80, v3, vm0, $0xb8;
	[tilespmem:$0x10100] =	vst v63  }
0x2e: {  	v3 =	vld [tilespmem:$0x10];
	_ =	sdelay $0x4  }
0x2f: {  	v49 =	vshll.u32 v3, $0x1  }
0x30: {  	v3 =	vand.u32 $0x7, v3;
	v4 =	vand.u32 $0xFFFFFFF0, v49  }
0x31: {  	v3 =	vor.u32 v3, v4  }
0x32: {  	v4 =	vperm.xlane v3, v0;
	_ =	sdelay $0x1  }
0x33: {  	v3 =	vperm.xlane v3, v2;
	v4 =	vadd.s32 v1, v4;
	_ =	sdelay $0x1  }
0x34: {  	v3 =	vadd.s32 v1, v3;
	_ =	sdelay $0x1  }
0x35: {  	s0 =	rddreg [dreg:$0x7]  }
0x36: {  	[tilespmem:s0], [sflag:$0x1] =	stream.indirect_vreg.gather [hbm4b:s1+s3], $0x80, v4, vm0, $0xb8;
	[tilespmem:$0x10100] =	vst v63  }
0x37: {  	s2 =	rddreg [dreg:$0x8]  }
0x38: {  	[tilespmem:s2], [sflag:$0x1] =	stream.indirect_vreg.gather [hbm4b:s1+s3], $0x80, v3, vm0, $0xb8;
	[tilespmem:$0x10100] =	vst v63  }
0x39: {  	v3 =	vld [tilespmem:$0x20];
	_ =	sdelay $0x4  }
0x3a: {  	v50 =	vshll.u32 v3, $0x1  }
0x3b: {  	v3 =	vand.u32 $0x7, v3;
	v4 =	vand.u32 $0xFFFFFFF0, v50  }
0x3c: {  	v3 =	vor.u32 v3, v4  }
0x3d: {  	v4 =	vperm.xlane v3, v0;
	_ =	sdelay $0x1  }
0x3e: {  	v3 =	vperm.xlane v3, v2;
	v4 =	vadd.s32 v1, v4;
	_ =	sdelay $0x1  }
0x3f: {  	v3 =	vadd.s32 v1, v3;
	_ =	sdelay $0x1  }
0x40: {  	s0 =	rddreg [dreg:$0x9]  }
0x41: {  	[tilespmem:s0], [sflag:$0x1] =	stream.indirect_vreg.gather [hbm4b:s1+s3], $0x80, v4, vm0, $0xb8;
	[tilespmem:$0x10100] =	vst v63  }
0x42: {  	s2 =	rddreg [dreg:$0xa]  }
0x43: {  	[tilespmem:s2], [sflag:$0x1] =	stream.indirect_vreg.gather [hbm4b:s1+s3], $0x80, v3, vm0, $0xb8;
	[tilespmem:$0x10100] =	vst v63  }
0x44: {  	v3 =	vld [tilespmem:$0x30];
	_ =	sdelay $0x4  }
0x45: {  	v51 =	vshll.u32 v3, $0x1  }
0x46: {  	v3 =	vand.u32 $0x7, v3;
	v4 =	vand.u32 $0xFFFFFFF0, v51  }
0x47: {  	v3 =	vor.u32 v3, v4  }
0x48: {  	v4 =	vperm.xlane v3, v0;
	_ =	sdelay $0x1  }
0x49: {  	v3 =	vperm.xlane v3, v2;
	v4 =	vadd.s32 v1, v4;
	_ =	sdelay $0x1  }
0x4a: {  	v3 =	vadd.s32 v1, v3;
	_ =	sdelay $0x1  }
0x4b: {  	s0 =	rddreg [dreg:$0xb]  }
0x4c: {  	[tilespmem:s0], [sflag:$0x1] =	stream.indirect_vreg.gather [hbm4b:s1+s3], $0x80, v4, vm0, $0xb8;
	[tilespmem:$0x10100] =	vst v63  }
0x4d: {  	s2 =	rddreg [dreg:$0xc]  }
0x4e: {  	[tilespmem:s2], [sflag:$0x1] =	stream.indirect_vreg.gather [hbm4b:s1+s3], $0x80, v3, vm0, $0xb8;
	[tilespmem:$0x10100] =	vst v63  }
0x4f: {  	v3 =	vld [tilespmem:$0x40];
	_ =	sdelay $0x4  }
0x50: {  	v52 =	vshll.u32 v3, $0x1  }
0x51: {  	v3 =	vand.u32 $0x7, v3;
	v4 =	vand.u32 $0xFFFFFFF0, v52  }
0x52: {  	v3 =	vor.u32 v3, v4  }
0x53: {  	v4 =	vperm.xlane v3, v0;
	_ =	sdelay $0x1  }
0x54: {  	v3 =	vperm.xlane v3, v2;
	v4 =	vadd.s32 v1, v4;
	_ =	sdelay $0x1  }
0x55: {  	v3 =	vadd.s32 v1, v3;
	_ =	sdelay $0x1  }
0x56: {  	s0 =	rddreg [dreg:$0xd]  }
0x57: {  	[tilespmem:s0], [sflag:$0x1] =	stream.indirect_vreg.gather [hbm4b:s1+s3], $0x80, v4, vm0, $0xb8;
	[tilespmem:$0x10100] =	vst v63  }
0x58: {  	s2 =	rddreg [dreg:$0xe]  }
0x59: {  	[tilespmem:s2], [sflag:$0x1] =	stream.indirect_vreg.gather [hbm4b:s1+s3], $0x80, v3, vm0, $0xb8;
	[tilespmem:$0x10100] =	vst v63  }
0x5a: {  	v3 =	vld [tilespmem:$0x50];
	_ =	sdelay $0x4  }
0x5b: {  	v53 =	vshll.u32 v3, $0x1  }
0x5c: {  	v3 =	vand.u32 $0x7, v3;
	v4 =	vand.u32 $0xFFFFFFF0, v53  }
0x5d: {  	v3 =	vor.u32 v3, v4  }
0x5e: {  	v4 =	vperm.xlane v3, v0;
	_ =	sdelay $0x1  }
0x5f: {  	v3 =	vperm.xlane v3, v2;
	v4 =	vadd.s32 v1, v4;
	_ =	sdelay $0x1  }
0x60: {  	v3 =	vadd.s32 v1, v3;
	_ =	sdelay $0x1  }
0x61: {  	s0 =	rddreg [dreg:$0xf]  }
0x62: {  	[tilespmem:s0], [sflag:$0x1] =	stream.indirect_vreg.gather [hbm4b:s1+s3], $0x80, v4, vm0, $0xb8;
	[tilespmem:$0x10100] =	vst v63  }
0x63: {  	s2 =	rddreg [dreg:$0x10]  }
0x64: {  	[tilespmem:s2], [sflag:$0x1] =	stream.indirect_vreg.gather [hbm4b:s1+s3], $0x80, v3, vm0, $0xb8;
	[tilespmem:$0x10100] =	vst v63  }
0x65: {  	v3 =	vld [tilespmem:$0x60];
	_ =	sdelay $0x4  }
0x66: {  	v54 =	vshll.u32 v3, $0x1  }
0x67: {  	v3 =	vand.u32 $0x7, v3;
	v4 =	vand.u32 $0xFFFFFFF0, v54  }
0x68: {  	v3 =	vor.u32 v3, v4  }
0x69: {  	v4 =	vperm.xlane v3, v0;
	_ =	sdelay $0x1  }
0x6a: {  	v3 =	vperm.xlane v3, v2;
	v4 =	vadd.s32 v1, v4;
	_ =	sdelay $0x1  }
0x6b: {  	v3 =	vadd.s32 v1, v3;
	_ =	sdelay $0x1  }
0x6c: {  	s0 =	rddreg [dreg:$0x11]  }
0x6d: {  	[tilespmem:s0], [sflag:$0x1] =	stream.indirect_vreg.gather [hbm4b:s1+s3], $0x80, v4, vm0, $0xb8;
	[tilespmem:$0x10100] =	vst v63  }
0x6e: {  	s2 =	rddreg [dreg:$0x12]  }
0x6f: {  	[tilespmem:s2], [sflag:$0x1] =	stream.indirect_vreg.gather [hbm4b:s1+s3], $0x80, v3, vm0, $0xb8;
	[tilespmem:$0x10100] =	vst v63  }
0x70: {  	v3 =	vld [tilespmem:$0x70];
	_ =	sdelay $0x4  }
0x71: {  	v55 =	vshll.u32 v3, $0x1  }
0x72: {  	v3 =	vand.u32 $0x7, v3;
	v4 =	vand.u32 $0xFFFFFFF0, v55  }
0x73: {  	v3 =	vor.u32 v3, v4  }
0x74: {  	v4 =	vperm.xlane v3, v0;
	_ =	sdelay $0x1  }
0x75: {  	v3 =	vperm.xlane v3, v2;
	v4 =	vadd.s32 v1, v4;
	_ =	sdelay $0x1  }
0x76: {  	v3 =	vadd.s32 v1, v3;
	_ =	sdelay $0x1  }
0x77: {  	s2 =	rddreg [dreg:$0x13]  }
0x78: {  	[tilespmem:s2], [sflag:$0x1] =	stream.indirect_vreg.gather [hbm4b:s1+s3], $0x80, v4, vm0, $0xb8;
	[tilespmem:$0x10100] =	vst v63  }
0x79: {  	s2 =	rddreg [dreg:$0x5]  }
0x7a: {  	[tilespmem:s8], [sflag:$0x1] =	stream.indirect_vreg.gather [hbm4b:s1+s3], $0x80, v3, vm0, $0xb8;
	[tilespmem:$0x10100] =	vst v63  }
0x7b: {  	s0 =	sadd.s32 s31, s2  }
0x7c: {  	[tilespmem:s9], [sflag:$0x3] =	stream.linear.gather [hbm4b:s0+s3], $0x80, $0x38;
	[tilespmem:$0x10100] =	vst v63  }
0x7d: {  	_ =	swait.ge [sflag:s6], $0x80  }
0x7e: {  	[sflag:s6] =	ssyncset.done $0x0  }
0x7f: {  	[sflag:s6] =	ssyncadd.s32 $0xFFFFFF80  }
0x80: {  	v3 =	vld [tilespmem:$0x8080];
	_ =	sdelay $0x4  }
0x81: {  	v56 =	vshll.u32 v3, $0x1  }
0x82: {  	v3 =	vand.u32 $0x7, v3;
	v4 =	vand.u32 $0xFFFFFFF0, v56  }
0x83: {  	v3 =	vor.u32 v3, v4  }
0x84: {  	v4 =	vperm.xlane v3, v0;
	_ =	sdelay $0x1  }
0x85: {  	v3 =	vperm.xlane v3, v2;
	v4 =	vadd.s32 v1, v4;
	_ =	sdelay $0x1  }
0x86: {  	v3 =	vadd.s32 v1, v3;
	_ =	sdelay $0x2  }
0x87: {  	[tilespmem:s10], [sflag:$0x2] =	stream.indirect_vreg.gather [hbm4b:s1+s3], $0x80, v4, vm0, $0xb8;
	[tilespmem:$0x10100] =	vst v63  }
0x88: {  	_ = 	snop  }
0x89: {  	[tilespmem:s11], [sflag:$0x2] =	stream.indirect_vreg.gather [hbm4b:s1+s3], $0x80, v3, vm0, $0xb8;
	[tilespmem:$0x10100] =	vst v63  }
0x8a: {  	v3 =	vld [tilespmem:$0x8090];
	_ =	sdelay $0x4  }
0x8b: {  	v57 =	vshll.u32 v3, $0x1  }
0x8c: {  	v3 =	vand.u32 $0x7, v3;
	v4 =	vand.u32 $0xFFFFFFF0, v57  }
0x8d: {  	v3 =	vor.u32 v3, v4  }
0x8e: {  	v4 =	vperm.xlane v3, v0;
	_ =	sdelay $0x1  }
0x8f: {  	v3 =	vperm.xlane v3, v2;
	v4 =	vadd.s32 v1, v4;
	_ =	sdelay $0x1  }
0x90: {  	v3 =	vadd.s32 v1, v3;
	_ =	sdelay $0x2  }
0x91: {  	[tilespmem:s12], [sflag:$0x2] =	stream.indirect_vreg.gather [hbm4b:s1+s3], $0x80, v4, vm0, $0xb8;
	[tilespmem:$0x10100] =	vst v63  }
0x92: {  	_ = 	snop  }
0x93: {  	[tilespmem:s13], [sflag:$0x2] =	stream.indirect_vreg.gather [hbm4b:s1+s3], $0x80, v3, vm0, $0xb8;
	[tilespmem:$0x10100] =	vst v63  }
0x94: {  	v3 =	vld [tilespmem:$0x80A0];
	_ =	sdelay $0x4  }
0x95: {  	v58 =	vshll.u32 v3, $0x1  }
0x96: {  	v3 =	vand.u32 $0x7, v3;
	v4 =	vand.u32 $0xFFFFFFF0, v58  }
0x97: {  	v3 =	vor.u32 v3, v4  }
0x98: {  	v4 =	vperm.xlane v3, v0;
	_ =	sdelay $0x1  }
0x99: {  	v3 =	vperm.xlane v3, v2;
	v4 =	vadd.s32 v1, v4;
	_ =	sdelay $0x1  }
0x9a: {  	v3 =	vadd.s32 v1, v3;
	_ =	sdelay $0x2  }
0x9b: {  	[tilespmem:s14], [sflag:$0x2] =	stream.indirect_vreg.gather [hbm4b:s1+s3], $0x80, v4, vm0, $0xb8;
	[tilespmem:$0x10100] =	vst v63  }
0x9c: {  	_ = 	snop  }
0x9d: {  	[tilespmem:s15], [sflag:$0x2] =	stream.indirect_vreg.gather [hbm4b:s1+s3], $0x80, v3, vm0, $0xb8;
	[tilespmem:$0x10100] =	vst v63  }
0x9e: {  	v3 =	vld [tilespmem:$0x80B0];
	_ =	sdelay $0x4  }
0x9f: {  	v59 =	vshll.u32 v3, $0x1  }
0xa0: {  	v3 =	vand.u32 $0x7, v3;
	v4 =	vand.u32 $0xFFFFFFF0, v59  }
0xa1: {  	v3 =	vor.u32 v3, v4  }
0xa2: {  	v4 =	vperm.xlane v3, v0;
	_ =	sdelay $0x1  }
0xa3: {  	v3 =	vperm.xlane v3, v2;
	v4 =	vadd.s32 v1, v4;
	_ =	sdelay $0x1  }
0xa4: {  	v3 =	vadd.s32 v1, v3;
	_ =	sdelay $0x2  }
0xa5: {  	[tilespmem:s16], [sflag:$0x2] =	stream.indirect_vreg.gather [hbm4b:s1+s3], $0x80, v4, vm0, $0xb8;
	[tilespmem:$0x10100] =	vst v63  }
0xa6: {  	_ = 	snop  }
0xa7: {  	[tilespmem:s17], [sflag:$0x2] =	stream.indirect_vreg.gather [hbm4b:s1+s3], $0x80, v3, vm0, $0xb8;
	[tilespmem:$0x10100] =	vst v63  }
0xa8: {  	v3 =	vld [tilespmem:$0x80C0];
	_ =	sdelay $0x4  }
0xa9: {  	v60 =	vshll.u32 v3, $0x1  }
0xaa: {  	v3 =	vand.u32 $0x7, v3;
	v4 =	vand.u32 $0xFFFFFFF0, v60  }
0xab: {  	v3 =	vor.u32 v3, v4  }
0xac: {  	v4 =	vperm.xlane v3, v0;
	_ =	sdelay $0x1  }
0xad: {  	v3 =	vperm.xlane v3, v2;
	v4 =	vadd.s32 v1, v4;
	_ =	sdelay $0x1  }
0xae: {  	v3 =	vadd.s32 v1, v3;
	_ =	sdelay $0x2  }
0xaf: {  	[tilespmem:s18], [sflag:$0x2] =	stream.indirect_vreg.gather [hbm4b:s1+s3], $0x80, v4, vm0, $0xb8;
	[tilespmem:$0x10100] =	vst v63  }
0xb0: {  	_ = 	snop  }
0xb1: {  	[tilespmem:s19], [sflag:$0x2] =	stream.indirect_vreg.gather [hbm4b:s1+s3], $0x80, v3, vm0, $0xb8;
	[tilespmem:$0x10100] =	vst v63  }
0xb2: {  	v3 =	vld [tilespmem:$0x80D0];
	_ =	sdelay $0x4  }
0xb3: {  	v61 =	vshll.u32 v3, $0x1  }
0xb4: {  	v3 =	vand.u32 $0x7, v3;
	v4 =	vand.u32 $0xFFFFFFF0, v61  }
0xb5: {  	v3 =	vor.u32 v3, v4  }
0xb6: {  	v4 =	vperm.xlane v3, v0;
	_ =	sdelay $0x1  }
0xb7: {  	v3 =	vperm.xlane v3, v2;
	v4 =	vadd.s32 v1, v4;
	_ =	sdelay $0x1  }
0xb8: {  	v3 =	vadd.s32 v1, v3;
	_ =	sdelay $0x2  }
0xb9: {  	[tilespmem:s20], [sflag:$0x2] =	stream.indirect_vreg.gather [hbm4b:s1+s3], $0x80, v4, vm0, $0xb8;
	[tilespmem:$0x10100] =	vst v63  }
0xba: {  	_ = 	snop  }
0xbb: {  	[tilespmem:s21], [sflag:$0x2] =	stream.indirect_vreg.gather [hbm4b:s1+s3], $0x80, v3, vm0, $0xb8;
	[tilespmem:$0x10100] =	vst v63  }
0xbc: {  	v3 =	vld [tilespmem:$0x80E0];
	_ =	sdelay $0x4  }
0xbd: {  	v62 =	vshll.u32 v3, $0x1  }
0xbe: {  	v3 =	vand.u32 $0x7, v3;
	v4 =	vand.u32 $0xFFFFFFF0, v62  }
0xbf: {  	v3 =	vor.u32 v3, v4  }
0xc0: {  	v4 =	vperm.xlane v3, v0;
	_ =	sdelay $0x1  }
0xc1: {  	v3 =	vperm.xlane v3, v2;
	v4 =	vadd.s32 v1, v4;
	_ =	sdelay $0x1  }
0xc2: {  	v3 =	vadd.s32 v1, v3;
	_ =	sdelay $0x2  }
0xc3: {  	[tilespmem:s22], [sflag:$0x2] =	stream.indirect_vreg.gather [hbm4b:s1+s3], $0x80, v4, vm0, $0xb8;
	[tilespmem:$0x10100] =	vst v63  }
0xc4: {  	_ = 	snop  }
0xc5: {  	[tilespmem:s23], [sflag:$0x2] =	stream.indirect_vreg.gather [hbm4b:s1+s3], $0x80, v3, vm0, $0xb8;
	[tilespmem:$0x10100] =	vst v63  }
0xc6: {  	v3 =	vld [tilespmem:$0x80F0];
	_ =	sdelay $0x4  }
0xc7: {  	v63 =	vshll.u32 v3, $0x1  }
0xc8: {  	v3 =	vand.u32 $0x7, v3;
	v4 =	vand.u32 $0xFFFFFFF0, v63  }
0xc9: {  	v3 =	vor.u32 v3, v4  }
0xca: {  	v4 =	vperm.xlane v3, v0;
	_ =	sdelay $0x1  }
0xcb: {  	v3 =	vperm.xlane v3, v2;
	v4 =	vadd.s32 v1, v4;
	_ =	sdelay $0x1  }
0xcc: {  	v3 =	vadd.s32 v1, v3;
	_ =	sdelay $0x2  }
0xcd: {  	[tilespmem:s24], [sflag:$0x2] =	stream.indirect_vreg.gather [hbm4b:s1+s3], $0x80, v4, vm0, $0xb8;
	[tilespmem:$0x10100] =	vst v63  }
0xce: {  	_ = 	snop  }
0xcf: {  	[tilespmem:s25], [sflag:$0x2] =	stream.indirect_vreg.gather [hbm4b:s1+s3], $0x80, v3, vm0, $0xb8;
	[tilespmem:$0x10100] =	vst v63  }
0xd0: {  	_ =	swait.ge [sflag:s26], $0x8000  }
0xd1: {  	[sflag:s26] =	ssyncset.done $0x0  }
0xd2: {  	[sflag:s26] =	ssyncadd.s32 $0xFFFF8000  }
0xd3: {  	[hbm4b:s30+s3] =	stream.linear.scatter [tilespmem:s7], [sflag:$0x3], $0x8000, $0x38;
	[tilespmem:$0x10100] =	vst v63  }
0xd4: {  	_ =	swait.ge [sflag:s6], $0x8000  }
0xd5: {  	[sflag:s6] =	ssyncset.done $0x0  }
0xd6: {  	[sflag:s6] =	ssyncadd.s32 $0xFFFF8000  }
0xd7: {  	_ =	swait.ge [sflag:s28], $0x8000  }
0xd8: {  	p0 =	sne.s32 s31, $0x60;
	[sflag:s28] =	ssyncset.done $0x0  }
.Ltmp0:
0xd9: {  	s2 =	sadd.s32 $0x1000, s30;
	[sflag:s28] =	ssyncadd.s32 $0xFFFF8000;
	(pc) =	sbr.rel @p0 .LBB2_2-.Ltmp0, $4  }
0xda: {  	[hbm4b:s2+s3] =	stream.linear.scatter [tilespmem:s10], [sflag:$0x3], $0x8000, $0x38;
	[tilespmem:$0x10100] =	vst v63  }
0xdb: {  	_ =	swait.ge [sflag:s6], $0x8000  }
0xdc: {  	[sflag:s6] =	ssyncset.done $0x0  }
0xdd: {  	s31 =	sadd.s32 $0x20, s31;
	s30 =	sadd.s32 $0x2000, s30;
	[sflag:s6] =	ssyncadd.s32 $0xFFFF8000  }
0xde: {  	s29 =	sadd.s32 $0x1, s29  }
0xdf: {  	p0 =	sne.s32 s29, s4  }
.Ltmp1:
0xe0: {  	_ = 	snop;
	(pc) =	sbr.rel @p0 .LBB2_1-.Ltmp1, $1  }
0xe1: {  	_ =	sdelay $0x3  }
0xe2: {  	_ =	sfence.sel $0x180000  }
0xe3: {  	[bflag:$0x0] =	sbarrier.arrive $0xFFFF  }
0xe4: {  	_ =	strace $0x9000004A  }
0xe5: {  	s0 =	stileid.u32;
	[bflag:$0x2] =	sbarrier.arrive $0xFFFF  }
0xe6: {  	p0 =	sne.s32 s0, $0x0;
	s0 =	rddreg [dreg:$0x3]  }
0xe7: {  	s0 =	sadd.s32 @!p0 $0x100000, s0  }
0xe8: {  	[sflag:s0] =	ssyncadd.tile.s32 @!p0 $0x1;
	_ =	shalt  }
.Lfunc_end2:
_tile_overlayer_lowered:
.L_overlay_start_2:
0xe9: {  	(tag) =	ssettag $0x2  }
0xea: {  	s0 =	rddreg [dreg:$0x0];
	s2 =	stileid.u32  }
0xeb: {  	s1 =	rddreg [dreg:$0x1];
	p0 =	sne.s32 s2, $0x0  }
0xec: {  	s3 =	rddreg [dreg:$0x2];
	[bflag:$0x3] =	sbarrier.arrive $0xFFFF;
	s2 =	simm.s32 @!p0 $0x1C03  }
0xed: {  	[timem:s3], [sflag:s2] =	dma.local @!p0 [hbm:s0], s1  }
0xee: {  	s0 =	simm.s32 @!p0 $0x3  }
0xef: {  	_ =	swait.ge @!p0 [sflag:s0], s1  }
0xf0: {  	s1 =	ssub.s32 @!p0 $0x0, s1;
	[sflag:s0] =	ssyncset.done @!p0 $0x0  }
0xf1: {  	[sflag:s0] =	ssyncadd.s32 @!p0 s1  }
0xf2: {  	[bflag:$0x3] =	sbarrier.arrive $0xFFFF  }
0xf3: {  	_ =	shalt  }

// kernel: kernel.8.cloned.1.call-start
scs
__scs_entry_jumppad:
0x0: {  	(pc) =	sbr.rel $0x88, $3  }
0x1: {  	(tag) =	ssettag $0x0;
	lr =	simm.s32 $0x1  }
0x2: {  	[smem:$0x3F5F] =	sst lr;
	_ =	strace $0xD0000000  }
0x3: {  	_ = 	snop  }
0x4: {  	_ = 	snop  }
0x5: {  	_ = 	snop  }
0x6: {  	_ = 	snop  }
0x7: {  	_ = 	snop  }
__scs_overlays_trampoline_lowered:
0x8: {  	[smem:$0x3F6E] =	sst s0  }
0x9: {  	[smem:$0x3F6F] =	sst s1  }
0xa: {  	[smem:$0x3F70] =	sst s2  }
0xb: {  	[smem:$0x3F71] =	sst s3  }
0xc: {  	[smem:$0x3F72] =	sst s4  }
0xd: {  	[smem:$0x3F73] =	sst s5  }
0xe: {  	[smem:$0x3F74] =	sst s6  }
0xf: {  	[smem:$0x3F75] =	sst s7  }
0x10: {  	[smem:$0x3F76] =	sst s8  }
0x11: {  	[smem:$0x3F77] =	sst s9;
	s0 =	simm.s32 @!p0 $0x0  }
0x12: {  	s1 =	sld [smem:$0x3F5D];
	s0 =	simm.s32 @p0 $0x1  }
0x13: {  	[smem:$0x3F78] =	sst s0;
	s0 =	simm.s32 @!p1 $0x0  }
0x14: {  	s2 =	sld [smem:$0x3F5C];
	s0 =	simm.s32 @p1 $0x1  }
0x15: {  	[smem:$0x3F79] =	sst s0;
	s0 =	simm.s32 @!p2 $0x0  }
0x16: {  	s3 =	sld [smem:$0x3FDB];
	s0 =	simm.s32 @p2 $0x1  }
0x17: {  	s4 =	simm.s32 $0x1BF5;
	[smem:$0x3F7B] =	sst s0  }
0x18: {  	s0 =	sld [smem:$0x3F5E];
	_ =	swait.ge [sflag:s4], $0x0  }
0x19: {  	s7 =	sld [smem:$0x3F5F]  }
0x1a: {  	s8 =	sadd.s32 $0xFFFFE003, lr  }
0x1b: {  	s9 =	sadd.s32 $0xFFFFFEF7, lr;
	s5 =	simm.s32 $0xFFFFFFFF;
	p2 =	slt.u32 s8, $0xFFFFF086  }
0x1c: {  	p1 =	slt.u32 s9, $0xF7A;
	s5 =	simm.s32 @!p2 $0x0  }
0x1d: {  	s5 =	simm.s32 @p1 $0x1;
	p0 =	seq.s32 s7, s2  }
0x1e: {  	s7 =	smul.u32 @!p0 $0xF7A, s2;
	p2 =	seq.s32 @!p0 s5, $0x0  }
0x1f: {  	s9 =	smul.u32 $0xF7A, s1;
	s8 =	simm.s32 @!p0 $0x1BF5;
	p2 =	por !p2, p0  }
0x20: {  	[sflag:s8] =	ssyncset.s32 @!p0 $0xFFFFF086;
	s6 =	sadd.s32 @!p0 s3, s7;
	s7 =	simm.s32 @!p0 $0x108  }
0x21: {  	s3 =	sadd.s32 s3, s9;
	s6 =	sadd.s32 @!p0 $0x88, s6;
	s7 =	simm.s32 @p2 $0x1082  }
0x22: {  	[simem:s7], [sflag:s8] =	dma.local @!p0 [hbm:s6], $0xF7A  }
0x23: {  	s9 =	sor.u32 $0xD0000000, s2;
	s6 =	simm.s32 $0x108;
	_ =	swait.ge @!p0 [sflag:s8], $0x0  }
0x24: {  	s3 =	sadd.s32 $0x88, s3;
	s6 =	simm.s32 @!p1 $0x1082;
	[sflag:s4] =	ssyncset.s32 $0xFFFFF086  }
0x25: {  	[simem:s6], [sflag:s4] =	dma.local [hbm:s3], $0xF7A  }
0x26: {  	[smem:$0x3F5F] =	sst s1;
	(tag) =	ssettag s2;
	_ =	strace s9  }
0x27: {  	s1 =	sld [smem:$0x3F6F]  }
0x28: {  	s2 =	sld [smem:$0x3F70]  }
0x29: {  	s4 =	sld [smem:$0x3F72]  }
0x2a: {  	p0 =	seq.s32 s5, $0x0;
	s5 =	sld [smem:$0x3F73]  }
0x2b: {  	s6 =	sld [smem:$0x3F74]  }
0x2c: {  	s7 =	sld [smem:$0x3F75]  }
0x2d: {  	s3 =	simm.s32 $0x108;
	s8 =	sld [smem:$0x3F76]  }
0x2e: {  	s3 =	simm.s32 @!p0 $0x1082;
	s9 =	sld [smem:$0x3F77]  }
0x2f: {  	lr =	sadd.s32 s0, s3;
	s0 =	sld [smem:$0x3F6E]  }
0x30: {  	s3 =	sld [smem:$0x3F71]  }
0x31: {  	[smem:$0x3F7A] =	sst s10  }
0x32: {  	s10 =	sld [smem:$0x3F78];
	_ =	sdelay $0x3  }
0x33: {  	p0 =	seq.s32 s10, $0x1;
	s10 =	sld [smem:$0x3F7A];
	_ =	sdelay $0x3  }
0x34: {  	[smem:$0x3F7A] =	sst s10  }
0x35: {  	s10 =	sld [smem:$0x3F79];
	_ =	sdelay $0x3  }
0x36: {  	p1 =	seq.s32 s10, $0x1;
	s10 =	sld [smem:$0x3F7A];
	_ =	sdelay $0x3  }
0x37: {  	[smem:$0x3F7A] =	sst s10  }
0x38: {  	s10 =	sld [smem:$0x3F7B]  }
0x39: {  	_ = 	snop;
	(pc) =	sbr.ind lr, $3  }
0x3a: {  	_ = 	snop  }
0x3b: {  	_ = 	snop  }
0x3c: {  	p2 =	seq.s32 s10, $0x1;
	s10 =	sld [smem:$0x3F7A]  }
0x3d: {  	_ =	shalt  }
0x3e: {  	_ =	shalt  }
0x3f: {  	_ =	shalt  }
0x40: {  	_ =	shalt  }
0x41: {  	_ =	shalt  }
0x42: {  	_ =	shalt  }
0x43: {  	_ =	shalt  }
0x44: {  	_ =	shalt  }
0x45: {  	_ =	shalt  }
0x46: {  	_ =	shalt  }
0x47: {  	_ =	shalt  }
0x48: {  	_ =	shalt  }
0x49: {  	_ =	shalt  }
0x4a: {  	_ =	shalt  }
0x4b: {  	_ =	shalt  }
0x4c: {  	_ =	shalt  }
0x4d: {  	_ =	shalt  }
0x4e: {  	_ =	shalt  }
0x4f: {  	_ =	shalt  }
0x50: {  	_ =	shalt  }
0x51: {  	_ =	shalt  }
0x52: {  	_ =	shalt  }
0x53: {  	_ =	shalt  }
0x54: {  	_ =	shalt  }
0x55: {  	_ =	shalt  }
0x56: {  	_ =	shalt  }
0x57: {  	_ =	shalt  }
0x58: {  	_ =	shalt  }
0x59: {  	_ =	shalt  }
0x5a: {  	_ =	shalt  }
0x5b: {  	_ =	shalt  }
0x5c: {  	_ =	shalt  }
0x5d: {  	_ =	shalt  }
0x5e: {  	_ =	shalt  }
0x5f: {  	_ =	shalt  }
0x60: {  	_ =	shalt  }
0x61: {  	_ =	shalt  }
0x62: {  	_ =	shalt  }
0x63: {  	_ =	shalt  }
0x64: {  	_ =	shalt  }
0x65: {  	_ =	shalt  }
0x66: {  	_ =	shalt  }
0x67: {  	_ =	shalt  }
0x68: {  	_ =	shalt  }
0x69: {  	_ =	shalt  }
0x6a: {  	_ =	shalt  }
0x6b: {  	_ =	shalt  }
0x6c: {  	_ =	shalt  }
0x6d: {  	_ =	shalt  }
0x6e: {  	_ =	shalt  }
0x6f: {  	_ =	shalt  }
0x70: {  	_ =	shalt  }
0x71: {  	_ =	shalt  }
0x72: {  	_ =	shalt  }
0x73: {  	_ =	shalt  }
0x74: {  	_ =	shalt  }
0x75: {  	_ =	shalt  }
0x76: {  	_ =	shalt  }
0x77: {  	_ =	shalt  }
0x78: {  	_ =	shalt  }
0x79: {  	_ =	shalt  }
0x7a: {  	_ =	shalt  }
0x7b: {  	_ =	shalt  }
0x7c: {  	_ =	shalt  }
0x7d: {  	_ =	shalt  }
0x7e: {  	_ =	shalt  }
0x7f: {  	_ =	shalt  }
0x80: {  	_ =	shalt  }
0x81: {  	_ =	shalt  }
0x82: {  	_ =	shalt  }
0x83: {  	_ =	shalt  }
0x84: {  	_ =	shalt  }
0x85: {  	_ =	shalt  }
0x86: {  	_ =	shalt  }
0x87: {  	_ =	shalt  }
.Lfunc_end0:
.L_simem_size_0:
called_computation_lowered:
.L_overlay_start_0:
0x88: {  	s2 =	sld [smem:$0x3FD9]  }
0x89: {  	s3 =	sld [smem:$0x3FFE];
	_ =	sdelay $0x1  }
0x8a: {  	s1 =	srdreg.scid  }
0x8b: {  	s0 =	sand.u32 $0x1, s1  }
0x8c: {  	s14 =	sshll.u32 s0, $0xA;
	s2 =	sadd.s32 s3, s2  }
0x8d: {  	s2 =	sadd.s32 s2, s14  }
0x8e: {  	[smem:$0x3F86] =	sst s2  }
0x8f: {  	_ = 	snop  }
0x90: {  	s2 =	sld [smem:$0x3FD0];
	_ =	sdelay $0x2  }
0x91: {  	s15 =	simm.s32 $0xA;
	s4 =	simm.s32 $0x10  }
0x92: {  	[smem:s4], [sflag:s15] =	dma.local [hbm:s2], $0x1  }
0x93: {  	_ =	swait.eq [sflag:s15], $0x1  }
0x94: {  	[sflag:s15] =	ssyncset.done $0x0  }
0x95: {  	[sflag:s15] =	ssyncadd.s32 $0xFFFFFFFF  }
0x96: {  	s16 =	sld [smem:$0x10];
	(tm) =	ssettm $0x1  }
0x97: {  	s17 =	sld [smem:$0x3FFB];
	_ =	sdelay $0x3  }
0x98: {  	_ =	strace s17  }
0x99: {  	s3 =	sld [smem:$0x3FFC];
	_ =	sdelay $0x3  }
0x9a: {  	_ =	strace s3  }
0x9b: {  	s3 =	sld [smem:$0x3FFD];
	_ =	sdelay $0x3  }
0x9c: {  	_ =	strace s3  }
0x9d: {  	_ =	strace $0x8FFFFFFF  }
0x9e: {  	s18 =	sld [smem:$0x3FDB];
	_ =	sdelay $0x1  }
0x9f: {  	s19 =	simm.s32 $_scs_section_size  }
0xa0: {  	s5 =	simm.s32 $_size__tile_overlayer_lowered;
	s6 =	simm.s32 $_tile_overlayer_lowered  }
0xa1: {  	s22 =	simm.s32 $0x1BFF;
	s21 =	sshll.u32 s6, $0x1;
	s3 =	sadd.s32 s19, s18  }
0xa2: {  	s7 =	simm.s32 $0x0;
	s20 =	sshll.u32 s5, $0x1;
	s5 =	sadd.s32 s21, s3  }
0xa3: {  	[timem:s7], [sflag:s22] =	dma.local [hbm:s5], s20  }
0xa4: {  	_ =	swait.ge [sflag:s22], s20  }
0xa5: {  	s4 =	ssub.s32 $0x0, s20;
	[sflag:s22] =	ssyncset.done $0x0  }
0xa6: {  	[sflag:s22] =	ssyncadd.s32 s4;
	_ =	sdelay $0x1  }
0xa7: {  	s23 =	simm.s32 $0x1B8B  }
0xa8: {  	_ =	swait.ge [sflag:s23], $0x1  }
0xa9: {  	[sflag:s23] =	ssyncset.done $0x0  }
0xaa: {  	s25 =	simm.s32 $0x1B8E;
	s24 =	sld [smem:$0x3FFE];
	[sflag:s23] =	ssyncadd.s32 $0xFFFFFFFF  }
0xab: {  	s26 =	simm.s32 $execute0_lowered;
	[smem:$0x3FD2] =	sst s25  }
0xac: {  	s5 =	sshll.u32 s26, $0x1;
	_ =	strace $0x80000046;
	[dreg:$0x1] =	wrdreg $0xFFFFFFFF  }
0xad: {  	s28 =	simm.s32 $_size_execute0_lowered;
	s3 =	sadd.s32 s3, s5;
	[dreg:$0x0] =	wrdreg $0x0  }
0xae: {  	s5 =	sshll.u32 s28, $0x1;
	[dreg:$0x2] =	wrdreg s3  }
0xaf: {  	[dreg:$0x3] =	wrdreg s5  }
0xb0: {  	[dreg:$0x4] =	wrdreg $0xC0  }
0xb1: {  	_ =	task [dreg:s7], $0x5FFFF  }
0xb2: {  	[dreg:$0x1] =	wrdreg $0xFFFFFFFF  }
0xb3: {  	[dreg:$0x0] =	wrdreg $0x60  }
0xb4: {  	[dreg:$0x2] =	wrdreg s16  }
0xb5: {  	[dreg:$0x3] =	wrdreg s24  }
0xb6: {  	[dreg:$0x4] =	wrdreg $0x9  }
0xb7: {  	_ =	task.clear_ibuf [dreg:s7], $0x5FFFF;
	_ =	strace $0x90000046  }
0xb8: {  	s29 =	simm.s32 $0x9;
	_ =	strace $0x80000048  }
0xb9: {  	_ =	swait.ge [sflag:s29], $0x1  }
0xba: {  	[sflag:s29] =	ssyncadd.s32 $0xFFFFFFFF  }
0xbb: {  	_ =	strace $0x90000048  }
0xbc: {  	_ =	sfence  }
0xbd: {  	s30 =	sld [smem:$0x0];
	_ =	sdelay $0x2  }
0xbe: {  	s31 =	sshll.u32 s1, $0xD;
	s1 =	sshrl.u32 s1, $0x2  }
0xbf: {  	s3 =	sand.u32 $0x4000, s31;
	s1 =	sadd.s32 s1, s30  }
0xc0: {  	s0 =	sor.u32 s3, s0;
	s1 =	sshll.u32 s1, $0x11  }
0xc1: {  	s0 =	sor.u32 s1, s0  }
0xc2: {  	s0 =	sadd.s32 $0x8F2B, s0  }
0xc3: {  	[sflag:s0] =	ssyncadd.remote.s32 $0x1  }
0xc4: {  	_ =	sfence.sel $0xFFFF  }
0xc5: {  	[dreg:$0x0] =	wrdreg $0xFFFFFFFF;
	(pc) =	sbr.abs _section_cstart, $3  }
0xc6: {  	[dreg:$0x1] =	wrdreg $0xFFFFFFFF  }
0xc7: {  	_ =	task.clear_ibuf [dreg:s7], $0x2FFFF;
	_ =	strace $0x9FFFFFFF  }
0xc8: {  	(tm) =	ssettm $0x7FFFFFFF  }
0xc9: {  	_ =	shalt  }
tec
execute0_lowered:
.L_overlay_start_1:
0x0: {  	(tag) =	ssettag $0x1  }
0x1: {  	s2 =	rddreg [dreg:$0x0];
	s3 =	srdreg.scid  }
0x2: {  	s4 =	rddreg [dreg:$0x1];
	s5 =	sand.u32 $0x1, s3;
	s3 =	simm.s32 $0x0  }
0x3: {  	s12 =	simm.s32 $0x880;
	[smem:$0x7FF] =	sst s3  }
0x4: {  	s13 =	simm.s32 $0x1080;
	_ =	strace $0x80000047;
	[dreg:$0x5] =	wrdreg s12  }
0x5: {  	s0 =	stileid.u32;
	s14 =	simm.s32 $0x1880;
	[dreg:$0x6] =	wrdreg s13  }
0x6: {  	s15 =	simm.s32 $0x2080;
	s16 =	simm.s32 $0x2880;
	[dreg:$0x7] =	wrdreg s14  }
0x7: {  	s18 =	simm.s32 $0x3080;
	s19 =	simm.s32 $0x3880;
	[dreg:$0x8] =	wrdreg s15  }
0x8: {  	s21 =	simm.s32 $0x4080;
	s23 =	simm.s32 $0x4880;
	[dreg:$0x9] =	wrdreg s16  }
0x9: {  	s24 =	simm.s32 $0x5080;
	s25 =	simm.s32 $0x5880;
	[dreg:$0xa] =	wrdreg s18  }
0xa: {  	s26 =	simm.s32 $0x6080;
	s30 =	simm.s32 $0x6880;
	[dreg:$0xb] =	wrdreg s19  }
0xb: {  	s31 =	simm.s32 $0x7080;
	s9 =	simm.s32 $0x8080;
	[dreg:$0xc] =	wrdreg s21  }
0xc: {  	s10 =	simm.s32 $0x8100;
	s28 =	simm.s32 $0x2;
	[dreg:$0xd] =	wrdreg s23  }
0xd: {  	s29 =	simm.s32 $0x0;
	s6 =	sshll.u32 s0, $0xB;
	[dreg:$0xe] =	wrdreg s24  }
0xe: {  	s11 =	sadd.s32 $0x9C00, s4;
	s17 =	sshll.u32 s0, $0x10;
	[dreg:$0xf] =	wrdreg s25  }
0xf: {  	s7 =	sshll.u32 s5, $0xA;
	s20 =	ssub.s32 $0x2, s5;
	[dreg:$0x10] =	wrdreg s26  }
0x10: {  	s5 =	sshll.u32 s5, $0xF;
	s6 =	sor.u32 s7, s6;
	[dreg:$0x11] =	wrdreg s30  }
0x11: {  	s7 =	sadd.s32 s17, s4;
	s22 =	sshrl.u32 s20, $0x1;
	[dreg:$0x12] =	wrdreg s31  }
0x12: {  	s12 =	simm.s32 $0x9100;
	s13 =	simm.s32 $0x9900;
	s14 =	simm.s32 $0xA100  }
0x13: {  	s15 =	simm.s32 $0xA900;
	s16 =	simm.s32 $0xB100;
	s17 =	simm.s32 $0xB900  }
0x14: {  	s18 =	simm.s32 $0xC100;
	s19 =	simm.s32 $0xC900;
	s21 =	simm.s32 $0xD900  }
0x15: {  	s23 =	simm.s32 $0xE900;
	s24 =	simm.s32 $0xF100;
	s25 =	simm.s32 $0xF900  }
0x16: {  	s26 =	simm.s32 $0x1;
	s8 =	sshrl.u32 s6, $0x3;
	s6 =	sor.u32 $0x80, s6  }
0x17: {  	s5 =	sadd.s32 s5, s7;
	s7 =	simm.s32 $0x80;
	s8 =	sadd.s32 s8, s11  }
0x18: {  	s6 =	sshrl.u32 s6, $0x3;
	s5 =	sadd.s32 $0xAC00, s5;
	[dreg:$0x3] =	wrdreg s8  }
0x19: {  	v2 =	vlaneseq.u32;
	s6 =	sadd.s32 s6, s11;
	s8 =	simm.s32 $0x7880;
	s11 =	simm.s32 $0x8900  }
0x1a: {  	vm0 =	vmmov $0xffff;
	v1 =	vshrl.u32 v2, $0x3;
	[dreg:$0x4] =	wrdreg s6;
	s6 =	ssub.s32 s20, s22;
	s20 =	simm.s32 $0xD100  }
0x1b: {  	v0 =	vand.u32 $0x7, v2;
	v2 =	vor.u32 $0x8, v2;
	v1 =	vmul.u32 $0x8, v1;
	s22 =	simm.s32 $0xE100;
	s4 =	smax.u32 s6, $0x1;
	s6 =	simm.s32 $0x3  }
.LBB2_1:
0x1c: {  	s30 =	smov.u32 s5;
	s31 =	simm.s32 $0x0  }
.LBB2_2:
0x1d: {  	s0 =	rddreg [dreg:$0x3]  }
0x1e: {  	s0 =	sadd.s32 s31, s0  }
0x1f: {  	[tilespmem:s3], [sflag:$0x3] =	stream.linear.gather [hbm4b:s0+s3], $0x80, $0x38;
	[tilespmem:$0x10100] =	vst v63  }
0x20: {  	_ =	swait.ge [sflag:s6], $0x80  }
0x21: {  	[sflag:s6] =	ssyncset.done $0x0  }
0x22: {  	[sflag:s6] =	ssyncadd.s32 $0xFFFFFF80  }
0x23: {  	v3 =	vld [tilespmem:$0x0];
	_ =	sdelay $0x4  }
0x24: {  	v4 =	vshll.u32 v3, $0x1  }
0x25: {  	v3 =	vand.u32 $0x7, v3;
	v4 =	vand.u32 $0xFFFFFFF0, v4  }
0x26: {  	v3 =	vor.u32 v3, v4  }
0x27: {  	v4 =	vperm.xlane v3, v0;
	_ =	sdelay $0x1  }
0x28: {  	v3 =	vperm.xlane v3, v2;
	v4 =	vadd.s32 v1, v4;
	_ =	sdelay $0x1  }
0x29: {  	v3 =	vadd.s32 v1, v3;
	_ =	sdelay $0x2  }
0x2a: {  	[tilespmem:s7], [sflag:$0x1] =	stream.indirect_vreg.gather [hbm4b:s2+s3], $0x80, v4, vm0, $0xb8;
	[tilespmem:$0x10100] =	vst v63  }
0x2b: {  	s1 =	rddreg [dreg:$0x5]  }
0x2c: {  	[tilespmem:s1], [sflag:$0x1] =	stream.indirect_vreg.gather [hbm4b:s2+s3], $0x80, v3, vm0, $0xb8;
	[tilespmem:$0x10100] =	vst v63  }
0x2d: {  	v3 =	vld [tilespmem:$0x10];
	_ =	sdelay $0x4  }
0x2e: {  	v49 =	vshll.u32 v3, $0x1  }
0x2f: {  	v3 =	vand.u32 $0x7, v3;
	v4 =	vand.u32 $0xFFFFFFF0, v49  }
0x30: {  	v3 =	vor.u32 v3, v4  }
0x31: {  	v4 =	vperm.xlane v3, v0;
	_ =	sdelay $0x1  }
0x32: {  	v3 =	vperm.xlane v3, v2;
	v4 =	vadd.s32 v1, v4;
	_ =	sdelay $0x1  }
0x33: {  	v3 =	vadd.s32 v1, v3;
	_ =	sdelay $0x1  }
0x34: {  	s0 =	rddreg [dreg:$0x6]  }
0x35: {  	[tilespmem:s0], [sflag:$0x1] =	stream.indirect_vreg.gather [hbm4b:s2+s3], $0x80, v4, vm0, $0xb8;
	[tilespmem:$0x10100] =	vst v63  }
0x36: {  	s1 =	rddreg [dreg:$0x7]  }
0x37: {  	[tilespmem:s1], [sflag:$0x1] =	stream.indirect_vreg.gather [hbm4b:s2+s3], $0x80, v3, vm0, $0xb8;
	[tilespmem:$0x10100] =	vst v63  }
0x38: {  	v3 =	vld [tilespmem:$0x20];
	_ =	sdelay $0x4  }
0x39: {  	v50 =	vshll.u32 v3, $0x1  }
0x3a: {  	v3 =	vand.u32 $0x7, v3;
	v4 =	vand.u32 $0xFFFFFFF0, v50  }
0x3b: {  	v3 =	vor.u32 v3, v4  }
0x3c: {  	v4 =	vperm.xlane v3, v0;
	_ =	sdelay $0x1  }
0x3d: {  	v3 =	vperm.xlane v3, v2;
	v4 =	vadd.s32 v1, v4;
	_ =	sdelay $0x1  }
0x3e: {  	v3 =	vadd.s32 v1, v3;
	_ =	sdelay $0x1  }
0x3f: {  	s0 =	rddreg [dreg:$0x8]  }
0x40: {  	[tilespmem:s0], [sflag:$0x1] =	stream.indirect_vreg.gather [hbm4b:s2+s3], $0x80, v4, vm0, $0xb8;
	[tilespmem:$0x10100] =	vst v63  }
0x41: {  	s1 =	rddreg [dreg:$0x9]  }
0x42: {  	[tilespmem:s1], [sflag:$0x1] =	stream.indirect_vreg.gather [hbm4b:s2+s3], $0x80, v3, vm0, $0xb8;
	[tilespmem:$0x10100] =	vst v63  }
0x43: {  	v3 =	vld [tilespmem:$0x30];
	_ =	sdelay $0x4  }
0x44: {  	v51 =	vshll.u32 v3, $0x1  }
0x45: {  	v3 =	vand.u32 $0x7, v3;
	v4 =	vand.u32 $0xFFFFFFF0, v51  }
0x46: {  	v3 =	vor.u32 v3, v4  }
0x47: {  	v4 =	vperm.xlane v3, v0;
	_ =	sdelay $0x1  }
0x48: {  	v3 =	vperm.xlane v3, v2;
	v4 =	vadd.s32 v1, v4;
	_ =	sdelay $0x1  }
0x49: {  	v3 =	vadd.s32 v1, v3;
	_ =	sdelay $0x1  }
0x4a: {  	s0 =	rddreg [dreg:$0xa]  }
0x4b: {  	[tilespmem:s0], [sflag:$0x1] =	stream.indirect_vreg.gather [hbm4b:s2+s3], $0x80, v4, vm0, $0xb8;
	[tilespmem:$0x10100] =	vst v63  }
0x4c: {  	s1 =	rddreg [dreg:$0xb]  }
0x4d: {  	[tilespmem:s1], [sflag:$0x1] =	stream.indirect_vreg.gather [hbm4b:s2+s3], $0x80, v3, vm0, $0xb8;
	[tilespmem:$0x10100] =	vst v63  }
0x4e: {  	v3 =	vld [tilespmem:$0x40];
	_ =	sdelay $0x4  }
0x4f: {  	v52 =	vshll.u32 v3, $0x1  }
0x50: {  	v3 =	vand.u32 $0x7, v3;
	v4 =	vand.u32 $0xFFFFFFF0, v52  }
0x51: {  	v3 =	vor.u32 v3, v4  }
0x52: {  	v4 =	vperm.xlane v3, v0;
	_ =	sdelay $0x1  }
0x53: {  	v3 =	vperm.xlane v3, v2;
	v4 =	vadd.s32 v1, v4;
	_ =	sdelay $0x1  }
0x54: {  	v3 =	vadd.s32 v1, v3;
	_ =	sdelay $0x1  }
0x55: {  	s0 =	rddreg [dreg:$0xc]  }
0x56: {  	[tilespmem:s0], [sflag:$0x1] =	stream.indirect_vreg.gather [hbm4b:s2+s3], $0x80, v4, vm0, $0xb8;
	[tilespmem:$0x10100] =	vst v63  }
0x57: {  	s1 =	rddreg [dreg:$0xd]  }
0x58: {  	[tilespmem:s1], [sflag:$0x1] =	stream.indirect_vreg.gather [hbm4b:s2+s3], $0x80, v3, vm0, $0xb8;
	[tilespmem:$0x10100] =	vst v63  }
0x59: {  	v3 =	vld [tilespmem:$0x50];
	_ =	sdelay $0x4  }
0x5a: {  	v53 =	vshll.u32 v3, $0x1  }
0x5b: {  	v3 =	vand.u32 $0x7, v3;
	v4 =	vand.u32 $0xFFFFFFF0, v53  }
0x5c: {  	v3 =	vor.u32 v3, v4  }
0x5d: {  	v4 =	vperm.xlane v3, v0;
	_ =	sdelay $0x1  }
0x5e: {  	v3 =	vperm.xlane v3, v2;
	v4 =	vadd.s32 v1, v4;
	_ =	sdelay $0x1  }
0x5f: {  	v3 =	vadd.s32 v1, v3;
	_ =	sdelay $0x1  }
0x60: {  	s0 =	rddreg [dreg:$0xe]  }
0x61: {  	[tilespmem:s0], [sflag:$0x1] =	stream.indirect_vreg.gather [hbm4b:s2+s3], $0x80, v4, vm0, $0xb8;
	[tilespmem:$0x10100] =	vst v63  }
0x62: {  	s1 =	rddreg [dreg:$0xf]  }
0x63: {  	[tilespmem:s1], [sflag:$0x1] =	stream.indirect_vreg.gather [hbm4b:s2+s3], $0x80, v3, vm0, $0xb8;
	[tilespmem:$0x10100] =	vst v63  }
0x64: {  	v3 =	vld [tilespmem:$0x60];
	_ =	sdelay $0x4  }
0x65: {  	v54 =	vshll.u32 v3, $0x1  }
0x66: {  	v3 =	vand.u32 $0x7, v3;
	v4 =	vand.u32 $0xFFFFFFF0, v54  }
0x67: {  	v3 =	vor.u32 v3, v4  }
0x68: {  	v4 =	vperm.xlane v3, v0;
	_ =	sdelay $0x1  }
0x69: {  	v3 =	vperm.xlane v3, v2;
	v4 =	vadd.s32 v1, v4;
	_ =	sdelay $0x1  }
0x6a: {  	v3 =	vadd.s32 v1, v3;
	_ =	sdelay $0x1  }
0x6b: {  	s0 =	rddreg [dreg:$0x10]  }
0x6c: {  	[tilespmem:s0], [sflag:$0x1] =	stream.indirect_vreg.gather [hbm4b:s2+s3], $0x80, v4, vm0, $0xb8;
	[tilespmem:$0x10100] =	vst v63  }
0x6d: {  	s1 =	rddreg [dreg:$0x11]  }
0x6e: {  	[tilespmem:s1], [sflag:$0x1] =	stream.indirect_vreg.gather [hbm4b:s2+s3], $0x80, v3, vm0, $0xb8;
	[tilespmem:$0x10100] =	vst v63  }
0x6f: {  	v3 =	vld [tilespmem:$0x70];
	_ =	sdelay $0x4  }
0x70: {  	v55 =	vshll.u32 v3, $0x1  }
0x71: {  	v3 =	vand.u32 $0x7, v3;
	v4 =	vand.u32 $0xFFFFFFF0, v55  }
0x72: {  	v3 =	vor.u32 v3, v4  }
0x73: {  	v4 =	vperm.xlane v3, v0;
	_ =	sdelay $0x1  }
0x74: {  	v3 =	vperm.xlane v3, v2;
	v4 =	vadd.s32 v1, v4;
	_ =	sdelay $0x1  }
0x75: {  	v3 =	vadd.s32 v1, v3;
	_ =	sdelay $0x1  }
0x76: {  	s1 =	rddreg [dreg:$0x12]  }
0x77: {  	[tilespmem:s1], [sflag:$0x1] =	stream.indirect_vreg.gather [hbm4b:s2+s3], $0x80, v4, vm0, $0xb8;
	[tilespmem:$0x10100] =	vst v63  }
0x78: {  	s1 =	rddreg [dreg:$0x4]  }
0x79: {  	[tilespmem:s8], [sflag:$0x1] =	stream.indirect_vreg.gather [hbm4b:s2+s3], $0x80, v3, vm0, $0xb8;
	[tilespmem:$0x10100] =	vst v63  }
0x7a: {  	s0 =	sadd.s32 s31, s1  }
0x7b: {  	[tilespmem:s9], [sflag:$0x3] =	stream.linear.gather [hbm4b:s0+s3], $0x80, $0x38;
	[tilespmem:$0x10100] =	vst v63  }
0x7c: {  	_ =	swait.ge [sflag:s6], $0x80  }
0x7d: {  	[sflag:s6] =	ssyncset.done $0x0  }
0x7e: {  	[sflag:s6] =	ssyncadd.s32 $0xFFFFFF80  }
0x7f: {  	v3 =	vld [tilespmem:$0x8080];
	_ =	sdelay $0x4  }
0x80: {  	v56 =	vshll.u32 v3, $0x1  }
0x81: {  	v3 =	vand.u32 $0x7, v3;
	v4 =	vand.u32 $0xFFFFFFF0, v56  }
0x82: {  	v3 =	vor.u32 v3, v4  }
0x83: {  	v4 =	vperm.xlane v3, v0;
	_ =	sdelay $0x1  }
0x84: {  	v3 =	vperm.xlane v3, v2;
	v4 =	vadd.s32 v1, v4;
	_ =	sdelay $0x1  }
0x85: {  	v3 =	vadd.s32 v1, v3;
	_ =	sdelay $0x2  }
0x86: {  	[tilespmem:s10], [sflag:$0x2] =	stream.indirect_vreg.gather [hbm4b:s2+s3], $0x80, v4, vm0, $0xb8;
	[tilespmem:$0x10100] =	vst v63  }
0x87: {  	_ = 	snop  }
0x88: {  	[tilespmem:s11], [sflag:$0x2] =	stream.indirect_vreg.gather [hbm4b:s2+s3], $0x80, v3, vm0, $0xb8;
	[tilespmem:$0x10100] =	vst v63  }
0x89: {  	v3 =	vld [tilespmem:$0x8090];
	_ =	sdelay $0x4  }
0x8a: {  	v57 =	vshll.u32 v3, $0x1  }
0x8b: {  	v3 =	vand.u32 $0x7, v3;
	v4 =	vand.u32 $0xFFFFFFF0, v57  }
0x8c: {  	v3 =	vor.u32 v3, v4  }
0x8d: {  	v4 =	vperm.xlane v3, v0;
	_ =	sdelay $0x1  }
0x8e: {  	v3 =	vperm.xlane v3, v2;
	v4 =	vadd.s32 v1, v4;
	_ =	sdelay $0x1  }
0x8f: {  	v3 =	vadd.s32 v1, v3;
	_ =	sdelay $0x2  }
0x90: {  	[tilespmem:s12], [sflag:$0x2] =	stream.indirect_vreg.gather [hbm4b:s2+s3], $0x80, v4, vm0, $0xb8;
	[tilespmem:$0x10100] =	vst v63  }
0x91: {  	_ = 	snop  }
0x92: {  	[tilespmem:s13], [sflag:$0x2] =	stream.indirect_vreg.gather [hbm4b:s2+s3], $0x80, v3, vm0, $0xb8;
	[tilespmem:$0x10100] =	vst v63  }
0x93: {  	v3 =	vld [tilespmem:$0x80A0];
	_ =	sdelay $0x4  }
0x94: {  	v58 =	vshll.u32 v3, $0x1  }
0x95: {  	v3 =	vand.u32 $0x7, v3;
	v4 =	vand.u32 $0xFFFFFFF0, v58  }
0x96: {  	v3 =	vor.u32 v3, v4  }
0x97: {  	v4 =	vperm.xlane v3, v0;
	_ =	sdelay $0x1  }
0x98: {  	v3 =	vperm.xlane v3, v2;
	v4 =	vadd.s32 v1, v4;
	_ =	sdelay $0x1  }
0x99: {  	v3 =	vadd.s32 v1, v3;
	_ =	sdelay $0x2  }
0x9a: {  	[tilespmem:s14], [sflag:$0x2] =	stream.indirect_vreg.gather [hbm4b:s2+s3], $0x80, v4, vm0, $0xb8;
	[tilespmem:$0x10100] =	vst v63  }
0x9b: {  	_ = 	snop  }
0x9c: {  	[tilespmem:s15], [sflag:$0x2] =	stream.indirect_vreg.gather [hbm4b:s2+s3], $0x80, v3, vm0, $0xb8;
	[tilespmem:$0x10100] =	vst v63  }
0x9d: {  	v3 =	vld [tilespmem:$0x80B0];
	_ =	sdelay $0x4  }
0x9e: {  	v59 =	vshll.u32 v3, $0x1  }
0x9f: {  	v3 =	vand.u32 $0x7, v3;
	v4 =	vand.u32 $0xFFFFFFF0, v59  }
0xa0: {  	v3 =	vor.u32 v3, v4  }
0xa1: {  	v4 =	vperm.xlane v3, v0;
	_ =	sdelay $0x1  }
0xa2: {  	v3 =	vperm.xlane v3, v2;
	v4 =	vadd.s32 v1, v4;
	_ =	sdelay $0x1  }
0xa3: {  	v3 =	vadd.s32 v1, v3;
	_ =	sdelay $0x2  }
0xa4: {  	[tilespmem:s16], [sflag:$0x2] =	stream.indirect_vreg.gather [hbm4b:s2+s3], $0x80, v4, vm0, $0xb8;
	[tilespmem:$0x10100] =	vst v63  }
0xa5: {  	_ = 	snop  }
0xa6: {  	[tilespmem:s17], [sflag:$0x2] =	stream.indirect_vreg.gather [hbm4b:s2+s3], $0x80, v3, vm0, $0xb8;
	[tilespmem:$0x10100] =	vst v63  }
0xa7: {  	v3 =	vld [tilespmem:$0x80C0];
	_ =	sdelay $0x4  }
0xa8: {  	v60 =	vshll.u32 v3, $0x1  }
0xa9: {  	v3 =	vand.u32 $0x7, v3;
	v4 =	vand.u32 $0xFFFFFFF0, v60  }
0xaa: {  	v3 =	vor.u32 v3, v4  }
0xab: {  	v4 =	vperm.xlane v3, v0;
	_ =	sdelay $0x1  }
0xac: {  	v3 =	vperm.xlane v3, v2;
	v4 =	vadd.s32 v1, v4;
	_ =	sdelay $0x1  }
0xad: {  	v3 =	vadd.s32 v1, v3;
	_ =	sdelay $0x2  }
0xae: {  	[tilespmem:s18], [sflag:$0x2] =	stream.indirect_vreg.gather [hbm4b:s2+s3], $0x80, v4, vm0, $0xb8;
	[tilespmem:$0x10100] =	vst v63  }
0xaf: {  	_ = 	snop  }
0xb0: {  	[tilespmem:s19], [sflag:$0x2] =	stream.indirect_vreg.gather [hbm4b:s2+s3], $0x80, v3, vm0, $0xb8;
	[tilespmem:$0x10100] =	vst v63  }
0xb1: {  	v3 =	vld [tilespmem:$0x80D0];
	_ =	sdelay $0x4  }
0xb2: {  	v61 =	vshll.u32 v3, $0x1  }
0xb3: {  	v3 =	vand.u32 $0x7, v3;
	v4 =	vand.u32 $0xFFFFFFF0, v61  }
0xb4: {  	v3 =	vor.u32 v3, v4  }
0xb5: {  	v4 =	vperm.xlane v3, v0;
	_ =	sdelay $0x1  }
0xb6: {  	v3 =	vperm.xlane v3, v2;
	v4 =	vadd.s32 v1, v4;
	_ =	sdelay $0x1  }
0xb7: {  	v3 =	vadd.s32 v1, v3;
	_ =	sdelay $0x2  }
0xb8: {  	[tilespmem:s20], [sflag:$0x2] =	stream.indirect_vreg.gather [hbm4b:s2+s3], $0x80, v4, vm0, $0xb8;
	[tilespmem:$0x10100] =	vst v63  }
0xb9: {  	_ = 	snop  }
0xba: {  	[tilespmem:s21], [sflag:$0x2] =	stream.indirect_vreg.gather [hbm4b:s2+s3], $0x80, v3, vm0, $0xb8;
	[tilespmem:$0x10100] =	vst v63  }
0xbb: {  	v3 =	vld [tilespmem:$0x80E0];
	_ =	sdelay $0x4  }
0xbc: {  	v62 =	vshll.u32 v3, $0x1  }
0xbd: {  	v3 =	vand.u32 $0x7, v3;
	v4 =	vand.u32 $0xFFFFFFF0, v62  }
0xbe: {  	v3 =	vor.u32 v3, v4  }
0xbf: {  	v4 =	vperm.xlane v3, v0;
	_ =	sdelay $0x1  }
0xc0: {  	v3 =	vperm.xlane v3, v2;
	v4 =	vadd.s32 v1, v4;
	_ =	sdelay $0x1  }
0xc1: {  	v3 =	vadd.s32 v1, v3;
	_ =	sdelay $0x2  }
0xc2: {  	[tilespmem:s22], [sflag:$0x2] =	stream.indirect_vreg.gather [hbm4b:s2+s3], $0x80, v4, vm0, $0xb8;
	[tilespmem:$0x10100] =	vst v63  }
0xc3: {  	_ = 	snop  }
0xc4: {  	[tilespmem:s23], [sflag:$0x2] =	stream.indirect_vreg.gather [hbm4b:s2+s3], $0x80, v3, vm0, $0xb8;
	[tilespmem:$0x10100] =	vst v63  }
0xc5: {  	v3 =	vld [tilespmem:$0x80F0];
	_ =	sdelay $0x4  }
0xc6: {  	v63 =	vshll.u32 v3, $0x1  }
0xc7: {  	v3 =	vand.u32 $0x7, v3;
	v4 =	vand.u32 $0xFFFFFFF0, v63  }
0xc8: {  	v3 =	vor.u32 v3, v4  }
0xc9: {  	v4 =	vperm.xlane v3, v0;
	_ =	sdelay $0x1  }
0xca: {  	v3 =	vperm.xlane v3, v2;
	v4 =	vadd.s32 v1, v4;
	_ =	sdelay $0x1  }
0xcb: {  	v3 =	vadd.s32 v1, v3;
	_ =	sdelay $0x2  }
0xcc: {  	[tilespmem:s24], [sflag:$0x2] =	stream.indirect_vreg.gather [hbm4b:s2+s3], $0x80, v4, vm0, $0xb8;
	[tilespmem:$0x10100] =	vst v63  }
0xcd: {  	_ = 	snop  }
0xce: {  	[tilespmem:s25], [sflag:$0x2] =	stream.indirect_vreg.gather [hbm4b:s2+s3], $0x80, v3, vm0, $0xb8;
	[tilespmem:$0x10100] =	vst v63  }
0xcf: {  	_ =	swait.ge [sflag:s26], $0x8000  }
0xd0: {  	[sflag:s26] =	ssyncset.done $0x0  }
0xd1: {  	[sflag:s26] =	ssyncadd.s32 $0xFFFF8000  }
0xd2: {  	[hbm4b:s30+s3] =	stream.linear.scatter [tilespmem:s7], [sflag:$0x3], $0x8000, $0x38;
	[tilespmem:$0x10100] =	vst v63  }
0xd3: {  	_ =	swait.ge [sflag:s6], $0x8000  }
0xd4: {  	[sflag:s6] =	ssyncset.done $0x0  }
0xd5: {  	[sflag:s6] =	ssyncadd.s32 $0xFFFF8000  }
0xd6: {  	_ =	swait.ge [sflag:s28], $0x8000  }
0xd7: {  	p0 =	sne.s32 s31, $0x60;
	[sflag:s28] =	ssyncset.done $0x0  }
.Ltmp0:
0xd8: {  	s1 =	sadd.s32 $0x1000, s30;
	[sflag:s28] =	ssyncadd.s32 $0xFFFF8000;
	(pc) =	sbr.rel @p0 .LBB2_2-.Ltmp0, $4  }
0xd9: {  	[hbm4b:s1+s3] =	stream.linear.scatter [tilespmem:s10], [sflag:$0x3], $0x8000, $0x38;
	[tilespmem:$0x10100] =	vst v63  }
0xda: {  	_ =	swait.ge [sflag:s6], $0x8000  }
0xdb: {  	[sflag:s6] =	ssyncset.done $0x0  }
0xdc: {  	s31 =	sadd.s32 $0x20, s31;
	s30 =	sadd.s32 $0x2000, s30;
	[sflag:s6] =	ssyncadd.s32 $0xFFFF8000  }
0xdd: {  	s29 =	sadd.s32 $0x1, s29  }
0xde: {  	p0 =	sne.s32 s29, s4  }
.Ltmp1:
0xdf: {  	_ = 	snop;
	(pc) =	sbr.rel @p0 .LBB2_1-.Ltmp1, $1  }
0xe0: {  	_ =	sdelay $0x3  }
0xe1: {  	_ =	sfence.sel $0x180000  }
0xe2: {  	[bflag:$0x0] =	sbarrier.arrive $0xFFFF  }
0xe3: {  	_ =	strace $0x90000047  }
0xe4: {  	s0 =	stileid.u32;
	[bflag:$0x2] =	sbarrier.arrive $0xFFFF  }
0xe5: {  	p0 =	sne.s32 s0, $0x0;
	s0 =	rddreg [dreg:$0x2]  }
0xe6: {  	s0 =	sadd.s32 @!p0 $0x100000, s0  }
0xe7: {  	[sflag:s0] =	ssyncadd.tile.s32 @!p0 $0x1;
	_ =	shalt  }
.Lfunc_end2:
_tile_overlayer_lowered:
.L_overlay_start_2:
0xe8: {  	(tag) =	ssettag $0x2  }
0xe9: {  	s0 =	rddreg [dreg:$0x0];
	s2 =	stileid.u32  }
0xea: {  	s1 =	rddreg [dreg:$0x1];
	p0 =	sne.s32 s2, $0x0  }
0xeb: {  	s3 =	rddreg [dreg:$0x2];
	[bflag:$0x3] =	sbarrier.arrive $0xFFFF;
	s2 =	simm.s32 @!p0 $0x1C03  }
0xec: {  	[timem:s3], [sflag:s2] =	dma.local @!p0 [hbm:s0], s1  }
0xed: {  	s0 =	simm.s32 @!p0 $0x3  }
0xee: {  	_ =	swait.ge @!p0 [sflag:s0], s1  }
0xef: {  	s1 =	ssub.s32 @!p0 $0x0, s1;
	[sflag:s0] =	ssyncset.done @!p0 $0x0  }
0xf0: {  	[sflag:s0] =	ssyncadd.s32 @!p0 s1  }
0xf1: {  	[bflag:$0x3] =	sbarrier.arrive $0xFFFF  }
0xf2: {  	_ =	shalt  }

</sc_bundles>
